<compile_context>
chip_gen: v7x
topology: tpu7x:2x2x1
jax: 0.10.2.dev20260603
libtpu: 0.0.44.dev20260713+nightly
codegen_flags: <defaults>
</compile_context>

<pallas_src>
import functools

import jax
import jax.numpy as jnp
from jax import lax
from jax.experimental import pallas as pl
from jax.experimental.pallas import tpu as pltpu
from jax.experimental.pallas import tpu_sc as plsc

N = 10000
E = 320000
D = 128
H = 128
C = 64

NC = 2
NS = 16
NW = NC * NS

PAD_R = 128
NP = N + PAD_R
K = 128
NCHUNK = 80
PH = 40
EPT = NCHUNK * K
EP = NW * EPT

R_A = 632
R_LAST = N - 15 * R_A

_MESH = plsc.VectorSubcoreMesh(core_axis_name="c", subcore_axis_name="s")



def _deg_partials(src3, dst3, ones_k, zeros_nf):

    @functools.partial(
        pl.kernel,
        out_type=jax.ShapeDtypeStruct((NC, 2, N, H), jnp.float32),
        mesh=_MESH,
        scratch_types=[
            pltpu.VMEM((NCHUNK, K), jnp.int32),
            pltpu.VMEM((NCHUNK, K), jnp.int32),
            pltpu.VMEM((K, H), jnp.float32),
            pltpu.VMEM_SHARED((NP, H), jnp.float32),
            pltpu.SemaphoreType.DMA,
        ],
    )
    def body(src_hbm, dst_hbm, ones_hbm, zeros_hbm, out_hbm,
             srcv, dstv, onesv, acc_sh, sem):
        c = lax.axis_index("c")
        s = lax.axis_index("s")
        wid = c * NS + s
        pltpu.sync_copy(src_hbm.at[wid], srcv)
        pltpu.sync_copy(dst_hbm.at[wid], dstv)
        pltpu.sync_copy(ones_hbm, onesv)

        def zero_mine():
            @pl.when(s < 15)
            def _za():
                pltpu.sync_copy(zeros_hbm.at[pl.ds(s * R_A, R_A)],
                                acc_sh.at[pl.ds(s * R_A, R_A)])

            @pl.when(s == 15)
            def _zb():
                pltpu.sync_copy(zeros_hbm.at[pl.ds(15 * R_A, R_LAST)],
                                acc_sh.at[pl.ds(15 * R_A, R_LAST)])

        def copy_mine(which):
            @pl.when(s < 15)
            def _oa():
                pltpu.sync_copy(acc_sh.at[pl.ds(s * R_A, R_A)],
                                out_hbm.at[c, which].at[pl.ds(s * R_A, R_A)])

            @pl.when(s == 15)
            def _ob():
                pltpu.sync_copy(acc_sh.at[pl.ds(15 * R_A, R_LAST)],
                                out_hbm.at[c, which].at[pl.ds(15 * R_A, R_LAST)])

        def scatter_ones(idxv):
            def fire(g, carry):
                pltpu.async_copy(onesv, acc_sh.at[idxv.at[g]], sem, add=True)
                return carry

            lax.fori_loop(0, NCHUNK, fire, 0)

            def drain(g, carry):
                pltpu.make_async_copy(onesv, acc_sh.at[idxv.at[0]],
                                      sem).wait()
                return carry

            lax.fori_loop(0, NCHUNK, drain, 0)

        zero_mine()
        plsc.subcore_barrier()
        scatter_ones(srcv)
        plsc.subcore_barrier()
        copy_mine(0)
        zero_mine()
        plsc.subcore_barrier()
        scatter_ones(dstv)
        plsc.subcore_barrier()
        copy_mine(1)

    return body(src3, dst3, ones_k, zeros_nf)


def _agg_partials(hw, src3, dst3, zeros_nf, F):

    @functools.partial(
        pl.kernel,
        out_type=jax.ShapeDtypeStruct((NC, N, F), jnp.float32),
        mesh=_MESH,
        scratch_types=[
            pltpu.VMEM((PH, K), jnp.int32),
            pltpu.VMEM((PH, K), jnp.int32),
            pltpu.VMEM((2, K, F), jnp.float32),
            pltpu.VMEM_SHARED((NP, F), jnp.float32),
            pltpu.SemaphoreType.DMA,
            pltpu.SemaphoreType.DMA,
        ],
    )
    def body(hw_hbm, src_hbm, dst_hbm, zeros_hbm, out_hbm,
             srcv, dstv, rows, acc_sh, gsem, ssem):
        c = lax.axis_index("c")
        s = lax.axis_index("s")
        wid = c * NS + s

        @pl.when(s < 15)
        def _zero_a():
            pltpu.sync_copy(zeros_hbm.at[pl.ds(s * R_A, R_A)],
                            acc_sh.at[pl.ds(s * R_A, R_A)])

        @pl.when(s == 15)
        def _zero_b():
            pltpu.sync_copy(zeros_hbm.at[pl.ds(15 * R_A, R_LAST)],
                            acc_sh.at[pl.ds(15 * R_A, R_LAST)])

        plsc.subcore_barrier()

        for p in range(NCHUNK // PH):
            pltpu.sync_copy(src_hbm.at[wid].at[pl.ds(p * PH, PH)], srcv)
            pltpu.sync_copy(dst_hbm.at[wid].at[pl.ds(p * PH, PH)], dstv)
            pltpu.async_copy(hw_hbm.at[srcv.at[0]], rows.at[0], gsem)

            def step(g, carry):
                b = lax.rem(g, 2)
                pltpu.make_async_copy(hw_hbm.at[srcv.at[0]],
                                      rows.at[b], gsem).wait()

                @pl.when(g >= 1)
                def _drain_prev():
                    pltpu.make_async_copy(rows.at[0],
                                          acc_sh.at[dstv.at[0]], ssem).wait()

                @pl.when(g + 1 < PH)
                def _next():
                    pltpu.async_copy(hw_hbm.at[srcv.at[g + 1]],
                                     rows.at[1 - b], gsem)

                pltpu.async_copy(rows.at[b], acc_sh.at[dstv.at[g]],
                                 ssem, add=True)
                return carry

            lax.fori_loop(0, PH, step, 0)
            pltpu.make_async_copy(rows.at[0], acc_sh.at[dstv.at[0]],
                                  ssem).wait()
        plsc.subcore_barrier()

        @pl.when(s < 15)
        def _out_a():
            pltpu.sync_copy(acc_sh.at[pl.ds(s * R_A, R_A)],
                            out_hbm.at[c].at[pl.ds(s * R_A, R_A)])

        @pl.when(s == 15)
        def _out_b():
            pltpu.sync_copy(acc_sh.at[pl.ds(15 * R_A, R_LAST)],
                            out_hbm.at[c].at[pl.ds(15 * R_A, R_LAST)])

    return body(hw, src3, dst3, zeros_nf)



def _dense_first(degT, featp, W1):

    def body(degT_ref, feat_ref, w1_ref, ns_ref, nd_ref, hw_ref):
        deg_out = degT_ref[0, :, 0:1] + degT_ref[2, :, 0:1]
        deg_in = degT_ref[1, :, 0:1] + degT_ref[3, :, 0:1]
        ns = lax.rsqrt(jnp.maximum(deg_out, 1.0))
        nd = lax.rsqrt(jnp.maximum(deg_in, 1.0))
        ns_b = jnp.broadcast_to(ns, (N, H))
        nd_b = jnp.broadcast_to(nd, (N, H))
        ns_ref[...] = ns_b
        nd_ref[...] = nd_b
        feat = feat_ref[...][:N]
        hw_ref[...] = jnp.concatenate(
            [jnp.dot(feat * ns_b, w1_ref[...],
                     preferred_element_type=jnp.float32),
             jnp.zeros((PAD_R, H), jnp.float32)], axis=0)

    return pl.pallas_call(
        body,
        out_shape=(
            jax.ShapeDtypeStruct((N, H), jnp.float32),
            jax.ShapeDtypeStruct((N, H), jnp.float32),
            jax.ShapeDtypeStruct((NP, H), jnp.float32),
        ),
    )(degT, featp, W1)


def _dense_mid(aggp, ns_b, nd_b, W):
    Fo = W.shape[1]

    def body(aggp_ref, ns_ref, nd_ref, w_ref, out_ref):
        agg = aggp_ref[0] + aggp_ref[1]
        h = jax.nn.relu(agg * nd_ref[...]) * ns_ref[...]
        out_ref[...] = jnp.concatenate(
            [jnp.dot(h, w_ref[...], preferred_element_type=jnp.float32),
             jnp.zeros((PAD_R, Fo), jnp.float32)], axis=0)

    return pl.pallas_call(
        body,
        out_shape=jax.ShapeDtypeStruct((NP, Fo), jnp.float32),
    )(aggp, ns_b, nd_b, W)


def _dense_act(aggp, ns_b, nd_b):

    def body(aggp_ref, ns_ref, nd_ref, out_ref):
        agg = aggp_ref[0] + aggp_ref[1]
        h = jax.nn.relu(agg * nd_ref[...]) * ns_ref[...]
        out_ref[...] = jnp.concatenate(
            [h, jnp.zeros((PAD_R, H), jnp.float32)], axis=0)

    return pl.pallas_call(
        body,
        out_shape=jax.ShapeDtypeStruct((NP, H), jnp.float32),
    )(aggp, ns_b, nd_b)


def _dense_out(aggp, nd_b, W3, b3):

    def body(aggp_ref, nd_ref, w_ref, b_ref, out_ref):
        agg = aggp_ref[0] + aggp_ref[1]
        mm = jnp.dot(agg, w_ref[...], preferred_element_type=jnp.float32)
        out_ref[...] = mm * nd_ref[:, :C] + b_ref[...][None, :]

    return pl.pallas_call(
        body,
        out_shape=jax.ShapeDtypeStruct((N, C), jnp.float32),
    )(aggp, nd_b, W3, b3)



def kernel(feat, edge_index, W1, W2, W3, b3):
    pad = N + (jnp.arange(EP - E, dtype=jnp.int32) % PAD_R)
    src3 = jnp.concatenate([edge_index[0], pad]).reshape(NW, NCHUNK, K)
    dst3 = jnp.concatenate([edge_index[1], pad]).reshape(NW, NCHUNK, K)
    featp = jnp.concatenate([feat, jnp.zeros((PAD_R, D), jnp.float32)])

    ones_k = jnp.ones((K, H), jnp.float32)
    z128 = jnp.zeros((N, H), jnp.float32)

    degp = _deg_partials(src3, dst3, ones_k, z128)
    degT = degp.reshape(2 * 2, N, H)
    ns_b, nd_b, hw1 = _dense_first(degT, featp, W1)
    aggp1 = _agg_partials(hw1, src3, dst3, z128, H)
    hw2 = _dense_mid(aggp1, ns_b, nd_b, W2)
    aggp2 = _agg_partials(hw2, src3, dst3, z128, H)
    u3 = _dense_act(aggp2, ns_b, nd_b)
    aggp3 = _agg_partials(u3, src3, dst3, z128, H)
    return _dense_out(aggp3, nd_b, W3, b3)

# --- scband reference (transcript-rebuilt; emitter-appended) ---
"""Pipeline reference for scband-gcn-74234214744298 (READ-ONLY COPY).

The authoritative reference and input builder live on the scoring server;
editing this copy changes nothing except your own understanding.
"""

import jax, jax.numpy as jnp
import numpy as np

N = 10000
E = 320000
D = 128
H = 128
C = 64


def setup_inputs(seed: int = 0) -> dict:
    key = jax.random.key(seed)
    k1, k2, k3, k4, k5, k6 = jax.random.split(key, 6)
    feat = jax.random.normal(k1, (N, D), dtype=jnp.float32)
    edge_index = jax.random.randint(k2, (2, E), 0, N, dtype=jnp.int32)
    W1 = jax.random.normal(k3, (D, H), dtype=jnp.float32) * 0.05
    W2 = jax.random.normal(k4, (H, H), dtype=jnp.float32) * 0.05
    W3 = jax.random.normal(k5, (H, C), dtype=jnp.float32) * 0.05
    b3 = jnp.zeros((C,), dtype=jnp.float32)
    return {"feat": feat, "edge_index": edge_index, "W1": W1, "W2": W2, "W3": W3, "b3": b3}


def reference(feat, edge_index, W1, W2, W3, b3):
    src = edge_index[0]
    dst = edge_index[1]
    ones = jnp.ones((E,), dtype=jnp.float32)
    deg_out = jax.ops.segment_sum(ones, src, num_segments=N)
    deg_in = jax.ops.segment_sum(ones, dst, num_segments=N)
    norm_src = jnp.clip(deg_out, 1.0, None) ** (-0.5)
    norm_dst = jnp.clip(deg_in, 1.0, None) ** (-0.5)

    def conv(h, W, b):
        # GraphConv with norm='both': D_out^{-1/2} scaling on src, sum aggregate, D_in^{-1/2} on dst
        h = h * norm_src[:, None]
        h = h @ W
        msg = h[src]
        agg = jax.ops.segment_sum(msg, dst, num_segments=N)
        agg = agg * norm_dst[:, None]
        if b is not None:
            agg = agg + b
        return agg

    h = conv(feat, W1, None)
    h = jax.nn.relu(h)  # dropout is identity in eval mode
    h = conv(h, W2, None)
    h = jax.nn.relu(h)
    h = conv(h, W3, b3)
    return h

if __name__ == "__main__":
    import jax
    _d = setup_inputs()
    print(jax.jit(kernel)(*tuple(_d.values())))

</pallas_src>

<mosaic_0001>
#map = affine_map<(d0, d1) -> (0, 0)>
#map1 = affine_map<(d0, d1) -> (0, 0, 0)>
module attributes {stable_mosaic.version = 14 : i64} {
  func.func @body(%arg0: i32, %arg1: i32, %arg2: memref<10128x128xf32, #tpu.memory_space<hbm>>, %arg3: memref<32x80x128xi32, #tpu.memory_space<hbm>>, %arg4: memref<32x80x128xi32, #tpu.memory_space<hbm>>, %arg5: memref<10000x128xf32, #tpu.memory_space<hbm>>, %arg6: memref<2x10000x128xf32, #tpu.memory_space<hbm>>, %arg7: memref<40x128xi32, #tpu.memory_space<vmem>>, %arg8: memref<40x128xi32, #tpu.memory_space<vmem>>, %arg9: memref<2x128x128xf32, #tpu.memory_space<vmem>>, %arg10: memref<10128x128xf32, #tpu.memory_space<vmem_shared>>, %arg11: memref<!tpu.dma_semaphore, #tpu.memory_space<semaphore_mem>>, %arg12: memref<!tpu.dma_semaphore, #tpu.memory_space<semaphore_mem>>) attributes {dimension_semantics = [#tpu.dimension_semantics<core_parallel>, #tpu.dimension_semantics<subcore_parallel>], iteration_bounds = array<i64: 2, 16>, scalar_prefetch = 0 : i64, scratch_operands = 6 : i64, tpu.core_type = #tpu.core_type<sc_vector_subcore>, window_params = [{transform_indices = #map}, {transform_indices = #map1}, {transform_indices = #map1}, {transform_indices = #map}, {transform_indices = #map1}]} {
    %mul3A = arith.constant 16 : i32
    %mul3A_0 = arith.muli %arg0, %mul3A : i32
    %add3A = arith.addi %mul3A_0, %arg1 : i32
    %lt3A = arith.constant 15 : i32
    %lt3A_1 = arith.cmpi slt, %arg1, %lt3A : i32
    %convert_element_type3A = arith.extui %lt3A_1 : i1 to i32
    %cond3A = arith.constant 0 : i32
    %cond3A_2 = arith.cmpi ne, %convert_element_type3A, %cond3A : i32
    scf.if %cond3A_2 {
      %mul3A_75 = arith.constant 632 : i32
      %mul3A_76 = arith.muli %arg1, %mul3A_75 : i32
      %mul3A_77 = arith.constant 632 : i32
      %mul3A_78 = arith.muli %arg1, %mul3A_77 : i32
      "tpu.region"() ({
        %run_scoped3A = tpu.sem_alloc : memref<!tpu.dma_semaphore, #tpu.memory_space<semaphore_mem>>
        %dma_start3A_79 = arith.constant 0 : i32
        %dma_start3A_80 = tpu.memref_slice %arg10[%mul3A_78, %dma_start3A_79] : memref<10128x128xf32, #tpu.memory_space<vmem_shared>> -> memref<632x128xf32, #tpu.memory_space<vmem_shared>>
        %dma_start3A_81 = arith.constant 0 : i32
        %dma_start3A_82 = tpu.memref_slice %arg5[%mul3A_76, %dma_start3A_81] : memref<10000x128xf32, #tpu.memory_space<hbm>> -> memref<632x128xf32, #tpu.memory_space<hbm>>
        tpu.enqueue_dma source(%dma_start3A_82 : memref<632x128xf32, #tpu.memory_space<hbm>>) target(%dma_start3A_80 : memref<632x128xf32, #tpu.memory_space<vmem_shared>>) target_semaphore(%run_scoped3A : memref<!tpu.dma_semaphore, #tpu.memory_space<semaphore_mem>>)
        %dma_wait3A_83 = arith.constant 0 : i32
        %dma_wait3A_84 = tpu.memref_slice %arg10[%mul3A_78, %dma_wait3A_83] : memref<10128x128xf32, #tpu.memory_space<vmem_shared>> -> memref<632x128xf32, #tpu.memory_space<vmem_shared>>
        %dma_wait3A_85 = arith.constant 0 : i32
        %dma_wait3A_86 = tpu.memref_slice %arg5[%mul3A_76, %dma_wait3A_85] : memref<10000x128xf32, #tpu.memory_space<hbm>> -> memref<632x128xf32, #tpu.memory_space<hbm>>
        tpu.wait_dma2 semaphore(%run_scoped3A : memref<!tpu.dma_semaphore, #tpu.memory_space<semaphore_mem>>) src(%dma_wait3A_86 : memref<632x128xf32, #tpu.memory_space<hbm>>) dst(%dma_wait3A_84 : memref<632x128xf32, #tpu.memory_space<vmem_shared>>)
        tpu.yield
      }) : () -> ()
    } else {
    }
    %eq3A = arith.constant 15 : i32
    %eq3A_3 = arith.cmpi eq, %arg1, %eq3A : i32
    %convert_element_type3A_4 = arith.extui %eq3A_3 : i1 to i32
    %cond3A_5 = arith.constant 0 : i32
    %cond3A_6 = arith.cmpi ne, %convert_element_type3A_4, %cond3A_5 : i32
    scf.if %cond3A_6 {
      "tpu.region"() ({
        %run_scoped3A = tpu.sem_alloc : memref<!tpu.dma_semaphore, #tpu.memory_space<semaphore_mem>>
        %dma_start3A_75 = arith.constant 9480 : i32
        %dma_start3A_76 = arith.constant 0 : i32
        %dma_start3A_77 = tpu.memref_slice %arg10[%dma_start3A_75, %dma_start3A_76] : memref<10128x128xf32, #tpu.memory_space<vmem_shared>> -> memref<520x128xf32, #tpu.memory_space<vmem_shared>>
        %dma_start3A_78 = arith.constant 9480 : i32
        %dma_start3A_79 = arith.constant 0 : i32
        %dma_start3A_80 = tpu.memref_slice %arg5[%dma_start3A_78, %dma_start3A_79] : memref<10000x128xf32, #tpu.memory_space<hbm>> -> memref<520x128xf32, #tpu.memory_space<hbm>>
        tpu.enqueue_dma source(%dma_start3A_80 : memref<520x128xf32, #tpu.memory_space<hbm>>) target(%dma_start3A_77 : memref<520x128xf32, #tpu.memory_space<vmem_shared>>) target_semaphore(%run_scoped3A : memref<!tpu.dma_semaphore, #tpu.memory_space<semaphore_mem>>)
        %dma_wait3A_81 = arith.constant 9480 : i32
        %dma_wait3A_82 = arith.constant 0 : i32
        %dma_wait3A_83 = tpu.memref_slice %arg10[%dma_wait3A_81, %dma_wait3A_82] : memref<10128x128xf32, #tpu.memory_space<vmem_shared>> -> memref<520x128xf32, #tpu.memory_space<vmem_shared>>
        %dma_wait3A_84 = arith.constant 9480 : i32
        %dma_wait3A_85 = arith.constant 0 : i32
        %dma_wait3A_86 = tpu.memref_slice %arg5[%dma_wait3A_84, %dma_wait3A_85] : memref<10000x128xf32, #tpu.memory_space<hbm>> -> memref<520x128xf32, #tpu.memory_space<hbm>>
        tpu.wait_dma2 semaphore(%run_scoped3A : memref<!tpu.dma_semaphore, #tpu.memory_space<semaphore_mem>>) src(%dma_wait3A_86 : memref<520x128xf32, #tpu.memory_space<hbm>>) dst(%dma_wait3A_83 : memref<520x128xf32, #tpu.memory_space<vmem_shared>>)
        tpu.yield
      }) : () -> ()
    } else {
    }
    %barrier3A = arith.constant 0 : index
    tpu.barrier barrier_id(%barrier3A)
    "tpu.region"() ({
      %run_scoped3A = tpu.sem_alloc : memref<!tpu.dma_semaphore, #tpu.memory_space<semaphore_mem>>
      %dma_start3A_75 = arith.constant 0 : i32
      %dma_start3A_76 = arith.constant 0 : i32
      %dma_start3A_77 = tpu.memref_slice %arg3[%add3A, %dma_start3A_75, %dma_start3A_76] : memref<32x80x128xi32, #tpu.memory_space<hbm>> -> memref<1x80x128xi32, #tpu.memory_space<hbm>>
      %dma_start3A_78 = tpu.memref_squeeze %dma_start3A_77 : memref<1x80x128xi32, #tpu.memory_space<hbm>> -> memref<80x128xi32, #tpu.memory_space<hbm>>
      %dma_start3A_79 = arith.constant 0 : i32
      %dma_start3A_80 = arith.constant 0 : i32
      %dma_start3A_81 = tpu.memref_slice %dma_start3A_78[%dma_start3A_79, %dma_start3A_80] : memref<80x128xi32, #tpu.memory_space<hbm>> -> memref<40x128xi32, #tpu.memory_space<hbm>>
      %dma_start3A_82 = arith.constant 0 : i32
      %dma_start3A_83 = arith.constant 0 : i32
      %dma_start3A_84 = tpu.memref_slice %arg3[%add3A, %dma_start3A_82, %dma_start3A_83] : memref<32x80x128xi32, #tpu.memory_space<hbm>> -> memref<1x80x128xi32, #tpu.memory_space<hbm>>
      %dma_start3A_85 = tpu.memref_squeeze %dma_start3A_84 : memref<1x80x128xi32, #tpu.memory_space<hbm>> -> memref<80x128xi32, #tpu.memory_space<hbm>>
      %dma_start3A_86 = arith.constant 0 : i32
      %dma_start3A_87 = arith.constant 0 : i32
      %dma_start3A_88 = tpu.memref_slice %dma_start3A_85[%dma_start3A_86, %dma_start3A_87] : memref<80x128xi32, #tpu.memory_space<hbm>> -> memref<40x128xi32, #tpu.memory_space<hbm>>
      tpu.enqueue_dma source(%dma_start3A_88 : memref<40x128xi32, #tpu.memory_space<hbm>>) target(%arg7 : memref<40x128xi32, #tpu.memory_space<vmem>>) target_semaphore(%run_scoped3A : memref<!tpu.dma_semaphore, #tpu.memory_space<semaphore_mem>>)
      %dma_wait3A_89 = arith.constant 0 : i32
      %dma_wait3A_90 = arith.constant 0 : i32
      %dma_wait3A_91 = tpu.memref_slice %arg3[%add3A, %dma_wait3A_89, %dma_wait3A_90] : memref<32x80x128xi32, #tpu.memory_space<hbm>> -> memref<1x80x128xi32, #tpu.memory_space<hbm>>
      %dma_wait3A_92 = tpu.memref_squeeze %dma_wait3A_91 : memref<1x80x128xi32, #tpu.memory_space<hbm>> -> memref<80x128xi32, #tpu.memory_space<hbm>>
      %dma_wait3A_93 = arith.constant 0 : i32
      %dma_wait3A_94 = arith.constant 0 : i32
      %dma_wait3A_95 = tpu.memref_slice %dma_wait3A_92[%dma_wait3A_93, %dma_wait3A_94] : memref<80x128xi32, #tpu.memory_space<hbm>> -> memref<40x128xi32, #tpu.memory_space<hbm>>
      %dma_wait3A_96 = arith.constant 0 : i32
      %dma_wait3A_97 = arith.constant 0 : i32
      %dma_wait3A_98 = tpu.memref_slice %arg3[%add3A, %dma_wait3A_96, %dma_wait3A_97] : memref<32x80x128xi32, #tpu.memory_space<hbm>> -> memref<1x80x128xi32, #tpu.memory_space<hbm>>
      %dma_wait3A_99 = tpu.memref_squeeze %dma_wait3A_98 : memref<1x80x128xi32, #tpu.memory_space<hbm>> -> memref<80x128xi32, #tpu.memory_space<hbm>>
      %dma_wait3A_100 = arith.constant 0 : i32
      %dma_wait3A_101 = arith.constant 0 : i32
      %dma_wait3A_102 = tpu.memref_slice %dma_wait3A_99[%dma_wait3A_100, %dma_wait3A_101] : memref<80x128xi32, #tpu.memory_space<hbm>> -> memref<40x128xi32, #tpu.memory_space<hbm>>
      tpu.wait_dma2 semaphore(%run_scoped3A : memref<!tpu.dma_semaphore, #tpu.memory_space<semaphore_mem>>) src(%dma_wait3A_102 : memref<40x128xi32, #tpu.memory_space<hbm>>) dst(%arg7 : memref<40x128xi32, #tpu.memory_space<vmem>>)
      tpu.yield
    }) : () -> ()
    "tpu.region"() ({
      %run_scoped3A = tpu.sem_alloc : memref<!tpu.dma_semaphore, #tpu.memory_space<semaphore_mem>>
      %dma_start3A_75 = arith.constant 0 : i32
      %dma_start3A_76 = arith.constant 0 : i32
      %dma_start3A_77 = tpu.memref_slice %arg4[%add3A, %dma_start3A_75, %dma_start3A_76] : memref<32x80x128xi32, #tpu.memory_space<hbm>> -> memref<1x80x128xi32, #tpu.memory_space<hbm>>
      %dma_start3A_78 = tpu.memref_squeeze %dma_start3A_77 : memref<1x80x128xi32, #tpu.memory_space<hbm>> -> memref<80x128xi32, #tpu.memory_space<hbm>>
      %dma_start3A_79 = arith.constant 0 : i32
      %dma_start3A_80 = arith.constant 0 : i32
      %dma_start3A_81 = tpu.memref_slice %dma_start3A_78[%dma_start3A_79, %dma_start3A_80] : memref<80x128xi32, #tpu.memory_space<hbm>> -> memref<40x128xi32, #tpu.memory_space<hbm>>
      %dma_start3A_82 = arith.constant 0 : i32
      %dma_start3A_83 = arith.constant 0 : i32
      %dma_start3A_84 = tpu.memref_slice %arg4[%add3A, %dma_start3A_82, %dma_start3A_83] : memref<32x80x128xi32, #tpu.memory_space<hbm>> -> memref<1x80x128xi32, #tpu.memory_space<hbm>>
      %dma_start3A_85 = tpu.memref_squeeze %dma_start3A_84 : memref<1x80x128xi32, #tpu.memory_space<hbm>> -> memref<80x128xi32, #tpu.memory_space<hbm>>
      %dma_start3A_86 = arith.constant 0 : i32
      %dma_start3A_87 = arith.constant 0 : i32
      %dma_start3A_88 = tpu.memref_slice %dma_start3A_85[%dma_start3A_86, %dma_start3A_87] : memref<80x128xi32, #tpu.memory_space<hbm>> -> memref<40x128xi32, #tpu.memory_space<hbm>>
      tpu.enqueue_dma source(%dma_start3A_88 : memref<40x128xi32, #tpu.memory_space<hbm>>) target(%arg8 : memref<40x128xi32, #tpu.memory_space<vmem>>) target_semaphore(%run_scoped3A : memref<!tpu.dma_semaphore, #tpu.memory_space<semaphore_mem>>)
      %dma_wait3A_89 = arith.constant 0 : i32
      %dma_wait3A_90 = arith.constant 0 : i32
      %dma_wait3A_91 = tpu.memref_slice %arg4[%add3A, %dma_wait3A_89, %dma_wait3A_90] : memref<32x80x128xi32, #tpu.memory_space<hbm>> -> memref<1x80x128xi32, #tpu.memory_space<hbm>>
      %dma_wait3A_92 = tpu.memref_squeeze %dma_wait3A_91 : memref<1x80x128xi32, #tpu.memory_space<hbm>> -> memref<80x128xi32, #tpu.memory_space<hbm>>
      %dma_wait3A_93 = arith.constant 0 : i32
      %dma_wait3A_94 = arith.constant 0 : i32
      %dma_wait3A_95 = tpu.memref_slice %dma_wait3A_92[%dma_wait3A_93, %dma_wait3A_94] : memref<80x128xi32, #tpu.memory_space<hbm>> -> memref<40x128xi32, #tpu.memory_space<hbm>>
      %dma_wait3A_96 = arith.constant 0 : i32
      %dma_wait3A_97 = arith.constant 0 : i32
      %dma_wait3A_98 = tpu.memref_slice %arg4[%add3A, %dma_wait3A_96, %dma_wait3A_97] : memref<32x80x128xi32, #tpu.memory_space<hbm>> -> memref<1x80x128xi32, #tpu.memory_space<hbm>>
      %dma_wait3A_99 = tpu.memref_squeeze %dma_wait3A_98 : memref<1x80x128xi32, #tpu.memory_space<hbm>> -> memref<80x128xi32, #tpu.memory_space<hbm>>
      %dma_wait3A_100 = arith.constant 0 : i32
      %dma_wait3A_101 = arith.constant 0 : i32
      %dma_wait3A_102 = tpu.memref_slice %dma_wait3A_99[%dma_wait3A_100, %dma_wait3A_101] : memref<80x128xi32, #tpu.memory_space<hbm>> -> memref<40x128xi32, #tpu.memory_space<hbm>>
      tpu.wait_dma2 semaphore(%run_scoped3A : memref<!tpu.dma_semaphore, #tpu.memory_space<semaphore_mem>>) src(%dma_wait3A_102 : memref<40x128xi32, #tpu.memory_space<hbm>>) dst(%arg8 : memref<40x128xi32, #tpu.memory_space<vmem>>)
      tpu.yield
    }) : () -> ()
    %dma_start3A = arith.constant 0 : i32
    %dma_start3A_7 = arith.constant 0 : i32
    %dma_start3A_8 = arith.constant 0 : i32
    %dma_start3A_9 = arith.constant 0 : i32
    %dma_start3A_10 = tpu.memref_slice %arg9[%dma_start3A_7, %dma_start3A_8, %dma_start3A_9] : memref<2x128x128xf32, #tpu.memory_space<vmem>> -> memref<1x128x128xf32, #tpu.memory_space<vmem>>
    %dma_start3A_11 = tpu.memref_squeeze %dma_start3A_10 : memref<1x128x128xf32, #tpu.memory_space<vmem>> -> memref<128x128xf32, #tpu.memory_space<vmem>>
    %dma_start3A_12 = arith.constant 0 : i32
    %dma_start3A_13 = tpu.memref_slice %arg7[%dma_start3A, %dma_start3A_12] : memref<40x128xi32, #tpu.memory_space<vmem>> -> memref<1x128xi32, #tpu.memory_space<vmem>>
    %dma_start3A_14 = tpu.memref_squeeze %dma_start3A_13 : memref<1x128xi32, #tpu.memory_space<vmem>> -> memref<128xi32, #tpu.memory_space<vmem>>
    %dma_start3A_15 = arith.constant 0 : i32
    %dma_start3A_16 = arith.constant 0 : i32
    %dma_start3A_17 = tpu.memref_slice %arg2[%dma_start3A_15, %dma_start3A_16] : memref<10128x128xf32, #tpu.memory_space<hbm>> -> memref<10128x128xf32, #tpu.memory_space<hbm>>
    tpu.enqueue_indirect_dma source(%dma_start3A_17 : memref<10128x128xf32, #tpu.memory_space<hbm>>) target(%dma_start3A_11 : memref<128x128xf32, #tpu.memory_space<vmem>>) offsets(%dma_start3A_14 : memref<128xi32, #tpu.memory_space<vmem>>) semaphore(%arg11 : memref<!tpu.dma_semaphore, #tpu.memory_space<semaphore_mem>>)
    %scan3A = arith.constant 0 : i32
    %scan3A_18 = arith.constant 0 : i32
    %scan3A_19 = arith.constant 40 : i32
    %scan3A_20 = arith.addi %scan3A_18, %scan3A_19 : i32
    %scan3A_21 = arith.constant 1 : i32
    scf.for %scan3A_75 = %scan3A_18 to %scan3A_20 step %scan3A_21  : i32 {
      %rem3A = arith.constant 2 : i32
      %rem3A_76 = arith.remsi %scan3A_75, %rem3A : i32
      %dma_wait3A_77 = arith.constant 0 : i32
      %dma_wait3A_78 = arith.constant 0 : i32
      %dma_wait3A_79 = arith.constant 0 : i32
      %dma_wait3A_80 = tpu.memref_slice %arg9[%rem3A_76, %dma_wait3A_78, %dma_wait3A_79] : memref<2x128x128xf32, #tpu.memory_space<vmem>> -> memref<1x128x128xf32, #tpu.memory_space<vmem>>
      %dma_wait3A_81 = tpu.memref_squeeze %dma_wait3A_80 : memref<1x128x128xf32, #tpu.memory_space<vmem>> -> memref<128x128xf32, #tpu.memory_space<vmem>>
      %dma_wait3A_82 = arith.constant 0 : i32
      %dma_wait3A_83 = tpu.memref_slice %arg7[%dma_wait3A_77, %dma_wait3A_82] : memref<40x128xi32, #tpu.memory_space<vmem>> -> memref<1x128xi32, #tpu.memory_space<vmem>>
      %dma_wait3A_84 = tpu.memref_squeeze %dma_wait3A_83 : memref<1x128xi32, #tpu.memory_space<vmem>> -> memref<128xi32, #tpu.memory_space<vmem>>
      %dma_wait3A_85 = arith.constant 0 : i32
      %dma_wait3A_86 = arith.constant 0 : i32
      %dma_wait3A_87 = tpu.memref_slice %arg2[%dma_wait3A_85, %dma_wait3A_86] : memref<10128x128xf32, #tpu.memory_space<hbm>> -> memref<10128x128xf32, #tpu.memory_space<hbm>>
      tpu.wait_indirect_dma semaphore(%arg11 : memref<!tpu.dma_semaphore, #tpu.memory_space<semaphore_mem>>) src(%dma_wait3A_87 : memref<10128x128xf32, #tpu.memory_space<hbm>>) dst(%dma_wait3A_81 : memref<128x128xf32, #tpu.memory_space<vmem>>)
      %ge3A = arith.constant 1 : i32
      %ge3A_88 = arith.cmpi sge, %scan3A_75, %ge3A : i32
      %convert_element_type3A_89 = arith.extui %ge3A_88 : i1 to i32
      %cond3A_90 = arith.constant 0 : i32
      %cond3A_91 = arith.cmpi ne, %convert_element_type3A_89, %cond3A_90 : i32
      scf.if %cond3A_91 {
        %dma_wait3A_109 = arith.constant 0 : i32
        %dma_wait3A_110 = arith.constant 0 : i32
        %dma_wait3A_111 = arith.constant 0 : i32
        %dma_wait3A_112 = arith.constant 0 : i32
        %dma_wait3A_113 = tpu.memref_slice %arg9[%dma_wait3A_109, %dma_wait3A_111, %dma_wait3A_112] : memref<2x128x128xf32, #tpu.memory_space<vmem>> -> memref<1x128x128xf32, #tpu.memory_space<vmem>>
        %dma_wait3A_114 = tpu.memref_squeeze %dma_wait3A_113 : memref<1x128x128xf32, #tpu.memory_space<vmem>> -> memref<128x128xf32, #tpu.memory_space<vmem>>
        %dma_wait3A_115 = arith.constant 0 : i32
        %dma_wait3A_116 = tpu.memref_slice %arg8[%dma_wait3A_110, %dma_wait3A_115] : memref<40x128xi32, #tpu.memory_space<vmem>> -> memref<1x128xi32, #tpu.memory_space<vmem>>
        %dma_wait3A_117 = tpu.memref_squeeze %dma_wait3A_116 : memref<1x128xi32, #tpu.memory_space<vmem>> -> memref<128xi32, #tpu.memory_space<vmem>>
        %dma_wait3A_118 = arith.constant 0 : i32
        %dma_wait3A_119 = arith.constant 0 : i32
        %dma_wait3A_120 = tpu.memref_slice %arg10[%dma_wait3A_118, %dma_wait3A_119] : memref<10128x128xf32, #tpu.memory_space<vmem_shared>> -> memref<10128x128xf32, #tpu.memory_space<vmem_shared>>
        tpu.wait_indirect_dma semaphore(%arg12 : memref<!tpu.dma_semaphore, #tpu.memory_space<semaphore_mem>>) src(%dma_wait3A_114 : memref<128x128xf32, #tpu.memory_space<vmem>>) dst(%dma_wait3A_120 : memref<10128x128xf32, #tpu.memory_space<vmem_shared>>)
      } else {
      }
      %add3A_92 = arith.constant 1 : i32
      %add3A_93 = arith.addi %scan3A_75, %add3A_92 : i32
      %lt3A_94 = arith.constant 40 : i32
      %lt3A_95 = arith.cmpi slt, %add3A_93, %lt3A_94 : i32
      %convert_element_type3A_96 = arith.extui %lt3A_95 : i1 to i32
      %cond3A_97 = arith.constant 0 : i32
      %cond3A_98 = arith.cmpi ne, %convert_element_type3A_96, %cond3A_97 : i32
      scf.if %cond3A_98 {
        %add3A_109 = arith.constant 1 : i32
        %add3A_110 = arith.addi %scan3A_75, %add3A_109 : i32
        %sub3A = arith.constant 1 : i32
        %sub3A_111 = arith.subi %sub3A, %rem3A_76 : i32
        %dma_start3A_112 = arith.constant 0 : i32
        %dma_start3A_113 = arith.constant 0 : i32
        %dma_start3A_114 = tpu.memref_slice %arg9[%sub3A_111, %dma_start3A_112, %dma_start3A_113] : memref<2x128x128xf32, #tpu.memory_space<vmem>> -> memref<1x128x128xf32, #tpu.memory_space<vmem>>
        %dma_start3A_115 = tpu.memref_squeeze %dma_start3A_114 : memref<1x128x128xf32, #tpu.memory_space<vmem>> -> memref<128x128xf32, #tpu.memory_space<vmem>>
        %dma_start3A_116 = arith.constant 0 : i32
        %dma_start3A_117 = tpu.memref_slice %arg7[%add3A_110, %dma_start3A_116] : memref<40x128xi32, #tpu.memory_space<vmem>> -> memref<1x128xi32, #tpu.memory_space<vmem>>
        %dma_start3A_118 = tpu.memref_squeeze %dma_start3A_117 : memref<1x128xi32, #tpu.memory_space<vmem>> -> memref<128xi32, #tpu.memory_space<vmem>>
        %dma_start3A_119 = arith.constant 0 : i32
        %dma_start3A_120 = arith.constant 0 : i32
        %dma_start3A_121 = tpu.memref_slice %arg2[%dma_start3A_119, %dma_start3A_120] : memref<10128x128xf32, #tpu.memory_space<hbm>> -> memref<10128x128xf32, #tpu.memory_space<hbm>>
        tpu.enqueue_indirect_dma source(%dma_start3A_121 : memref<10128x128xf32, #tpu.memory_space<hbm>>) target(%dma_start3A_115 : memref<128x128xf32, #tpu.memory_space<vmem>>) offsets(%dma_start3A_118 : memref<128xi32, #tpu.memory_space<vmem>>) semaphore(%arg11 : memref<!tpu.dma_semaphore, #tpu.memory_space<semaphore_mem>>)
      } else {
      }
      %dma_start3A_99 = arith.constant 0 : i32
      %dma_start3A_100 = arith.constant 0 : i32
      %dma_start3A_101 = tpu.memref_slice %arg9[%rem3A_76, %dma_start3A_99, %dma_start3A_100] : memref<2x128x128xf32, #tpu.memory_space<vmem>> -> memref<1x128x128xf32, #tpu.memory_space<vmem>>
      %dma_start3A_102 = tpu.memref_squeeze %dma_start3A_101 : memref<1x128x128xf32, #tpu.memory_space<vmem>> -> memref<128x128xf32, #tpu.memory_space<vmem>>
      %dma_start3A_103 = arith.constant 0 : i32
      %dma_start3A_104 = tpu.memref_slice %arg8[%scan3A_75, %dma_start3A_103] : memref<40x128xi32, #tpu.memory_space<vmem>> -> memref<1x128xi32, #tpu.memory_space<vmem>>
      %dma_start3A_105 = tpu.memref_squeeze %dma_start3A_104 : memref<1x128xi32, #tpu.memory_space<vmem>> -> memref<128xi32, #tpu.memory_space<vmem>>
      %dma_start3A_106 = arith.constant 0 : i32
      %dma_start3A_107 = arith.constant 0 : i32
      %dma_start3A_108 = tpu.memref_slice %arg10[%dma_start3A_106, %dma_start3A_107] : memref<10128x128xf32, #tpu.memory_space<vmem_shared>> -> memref<10128x128xf32, #tpu.memory_space<vmem_shared>>
      tpu.enqueue_indirect_dma source(%dma_start3A_102 : memref<128x128xf32, #tpu.memory_space<vmem>>) target(%dma_start3A_108 : memref<10128x128xf32, #tpu.memory_space<vmem_shared>>) offsets(%dma_start3A_105 : memref<128xi32, #tpu.memory_space<vmem>>) semaphore(%arg12 : memref<!tpu.dma_semaphore, #tpu.memory_space<semaphore_mem>>) {add = true}
    }
    %scan3A_22 = arith.constant 40 : i32
    %dma_wait3A = arith.constant 0 : i32
    %dma_wait3A_23 = arith.constant 0 : i32
    %dma_wait3A_24 = arith.constant 0 : i32
    %dma_wait3A_25 = arith.constant 0 : i32
    %dma_wait3A_26 = tpu.memref_slice %arg9[%dma_wait3A, %dma_wait3A_24, %dma_wait3A_25] : memref<2x128x128xf32, #tpu.memory_space<vmem>> -> memref<1x128x128xf32, #tpu.memory_space<vmem>>
    %dma_wait3A_27 = tpu.memref_squeeze %dma_wait3A_26 : memref<1x128x128xf32, #tpu.memory_space<vmem>> -> memref<128x128xf32, #tpu.memory_space<vmem>>
    %dma_wait3A_28 = arith.constant 0 : i32
    %dma_wait3A_29 = tpu.memref_slice %arg8[%dma_wait3A_23, %dma_wait3A_28] : memref<40x128xi32, #tpu.memory_space<vmem>> -> memref<1x128xi32, #tpu.memory_space<vmem>>
    %dma_wait3A_30 = tpu.memref_squeeze %dma_wait3A_29 : memref<1x128xi32, #tpu.memory_space<vmem>> -> memref<128xi32, #tpu.memory_space<vmem>>
    %dma_wait3A_31 = arith.constant 0 : i32
    %dma_wait3A_32 = arith.constant 0 : i32
    %dma_wait3A_33 = tpu.memref_slice %arg10[%dma_wait3A_31, %dma_wait3A_32] : memref<10128x128xf32, #tpu.memory_space<vmem_shared>> -> memref<10128x128xf32, #tpu.memory_space<vmem_shared>>
    tpu.wait_indirect_dma semaphore(%arg12 : memref<!tpu.dma_semaphore, #tpu.memory_space<semaphore_mem>>) src(%dma_wait3A_27 : memref<128x128xf32, #tpu.memory_space<vmem>>) dst(%dma_wait3A_33 : memref<10128x128xf32, #tpu.memory_space<vmem_shared>>)
    "tpu.region"() ({
      %run_scoped3A = tpu.sem_alloc : memref<!tpu.dma_semaphore, #tpu.memory_space<semaphore_mem>>
      %dma_start3A_75 = arith.constant 0 : i32
      %dma_start3A_76 = arith.constant 0 : i32
      %dma_start3A_77 = tpu.memref_slice %arg3[%add3A, %dma_start3A_75, %dma_start3A_76] : memref<32x80x128xi32, #tpu.memory_space<hbm>> -> memref<1x80x128xi32, #tpu.memory_space<hbm>>
      %dma_start3A_78 = tpu.memref_squeeze %dma_start3A_77 : memref<1x80x128xi32, #tpu.memory_space<hbm>> -> memref<80x128xi32, #tpu.memory_space<hbm>>
      %dma_start3A_79 = arith.constant 40 : i32
      %dma_start3A_80 = arith.constant 0 : i32
      %dma_start3A_81 = tpu.memref_slice %dma_start3A_78[%dma_start3A_79, %dma_start3A_80] : memref<80x128xi32, #tpu.memory_space<hbm>> -> memref<40x128xi32, #tpu.memory_space<hbm>>
      %dma_start3A_82 = arith.constant 0 : i32
      %dma_start3A_83 = arith.constant 0 : i32
      %dma_start3A_84 = tpu.memref_slice %arg3[%add3A, %dma_start3A_82, %dma_start3A_83] : memref<32x80x128xi32, #tpu.memory_space<hbm>> -> memref<1x80x128xi32, #tpu.memory_space<hbm>>
      %dma_start3A_85 = tpu.memref_squeeze %dma_start3A_84 : memref<1x80x128xi32, #tpu.memory_space<hbm>> -> memref<80x128xi32, #tpu.memory_space<hbm>>
      %dma_start3A_86 = arith.constant 40 : i32
      %dma_start3A_87 = arith.constant 0 : i32
      %dma_start3A_88 = tpu.memref_slice %dma_start3A_85[%dma_start3A_86, %dma_start3A_87] : memref<80x128xi32, #tpu.memory_space<hbm>> -> memref<40x128xi32, #tpu.memory_space<hbm>>
      tpu.enqueue_dma source(%dma_start3A_88 : memref<40x128xi32, #tpu.memory_space<hbm>>) target(%arg7 : memref<40x128xi32, #tpu.memory_space<vmem>>) target_semaphore(%run_scoped3A : memref<!tpu.dma_semaphore, #tpu.memory_space<semaphore_mem>>)
      %dma_wait3A_89 = arith.constant 0 : i32
      %dma_wait3A_90 = arith.constant 0 : i32
      %dma_wait3A_91 = tpu.memref_slice %arg3[%add3A, %dma_wait3A_89, %dma_wait3A_90] : memref<32x80x128xi32, #tpu.memory_space<hbm>> -> memref<1x80x128xi32, #tpu.memory_space<hbm>>
      %dma_wait3A_92 = tpu.memref_squeeze %dma_wait3A_91 : memref<1x80x128xi32, #tpu.memory_space<hbm>> -> memref<80x128xi32, #tpu.memory_space<hbm>>
      %dma_wait3A_93 = arith.constant 40 : i32
      %dma_wait3A_94 = arith.constant 0 : i32
      %dma_wait3A_95 = tpu.memref_slice %dma_wait3A_92[%dma_wait3A_93, %dma_wait3A_94] : memref<80x128xi32, #tpu.memory_space<hbm>> -> memref<40x128xi32, #tpu.memory_space<hbm>>
      %dma_wait3A_96 = arith.constant 0 : i32
      %dma_wait3A_97 = arith.constant 0 : i32
      %dma_wait3A_98 = tpu.memref_slice %arg3[%add3A, %dma_wait3A_96, %dma_wait3A_97] : memref<32x80x128xi32, #tpu.memory_space<hbm>> -> memref<1x80x128xi32, #tpu.memory_space<hbm>>
      %dma_wait3A_99 = tpu.memref_squeeze %dma_wait3A_98 : memref<1x80x128xi32, #tpu.memory_space<hbm>> -> memref<80x128xi32, #tpu.memory_space<hbm>>
      %dma_wait3A_100 = arith.constant 40 : i32
      %dma_wait3A_101 = arith.constant 0 : i32
      %dma_wait3A_102 = tpu.memref_slice %dma_wait3A_99[%dma_wait3A_100, %dma_wait3A_101] : memref<80x128xi32, #tpu.memory_space<hbm>> -> memref<40x128xi32, #tpu.memory_space<hbm>>
      tpu.wait_dma2 semaphore(%run_scoped3A : memref<!tpu.dma_semaphore, #tpu.memory_space<semaphore_mem>>) src(%dma_wait3A_102 : memref<40x128xi32, #tpu.memory_space<hbm>>) dst(%arg7 : memref<40x128xi32, #tpu.memory_space<vmem>>)
      tpu.yield
    }) : () -> ()
    "tpu.region"() ({
      %run_scoped3A = tpu.sem_alloc : memref<!tpu.dma_semaphore, #tpu.memory_space<semaphore_mem>>
      %dma_start3A_75 = arith.constant 0 : i32
      %dma_start3A_76 = arith.constant 0 : i32
      %dma_start3A_77 = tpu.memref_slice %arg4[%add3A, %dma_start3A_75, %dma_start3A_76] : memref<32x80x128xi32, #tpu.memory_space<hbm>> -> memref<1x80x128xi32, #tpu.memory_space<hbm>>
      %dma_start3A_78 = tpu.memref_squeeze %dma_start3A_77 : memref<1x80x128xi32, #tpu.memory_space<hbm>> -> memref<80x128xi32, #tpu.memory_space<hbm>>
      %dma_start3A_79 = arith.constant 40 : i32
      %dma_start3A_80 = arith.constant 0 : i32
      %dma_start3A_81 = tpu.memref_slice %dma_start3A_78[%dma_start3A_79, %dma_start3A_80] : memref<80x128xi32, #tpu.memory_space<hbm>> -> memref<40x128xi32, #tpu.memory_space<hbm>>
      %dma_start3A_82 = arith.constant 0 : i32
      %dma_start3A_83 = arith.constant 0 : i32
      %dma_start3A_84 = tpu.memref_slice %arg4[%add3A, %dma_start3A_82, %dma_start3A_83] : memref<32x80x128xi32, #tpu.memory_space<hbm>> -> memref<1x80x128xi32, #tpu.memory_space<hbm>>
      %dma_start3A_85 = tpu.memref_squeeze %dma_start3A_84 : memref<1x80x128xi32, #tpu.memory_space<hbm>> -> memref<80x128xi32, #tpu.memory_space<hbm>>
      %dma_start3A_86 = arith.constant 40 : i32
      %dma_start3A_87 = arith.constant 0 : i32
      %dma_start3A_88 = tpu.memref_slice %dma_start3A_85[%dma_start3A_86, %dma_start3A_87] : memref<80x128xi32, #tpu.memory_space<hbm>> -> memref<40x128xi32, #tpu.memory_space<hbm>>
      tpu.enqueue_dma source(%dma_start3A_88 : memref<40x128xi32, #tpu.memory_space<hbm>>) target(%arg8 : memref<40x128xi32, #tpu.memory_space<vmem>>) target_semaphore(%run_scoped3A : memref<!tpu.dma_semaphore, #tpu.memory_space<semaphore_mem>>)
      %dma_wait3A_89 = arith.constant 0 : i32
      %dma_wait3A_90 = arith.constant 0 : i32
      %dma_wait3A_91 = tpu.memref_slice %arg4[%add3A, %dma_wait3A_89, %dma_wait3A_90] : memref<32x80x128xi32, #tpu.memory_space<hbm>> -> memref<1x80x128xi32, #tpu.memory_space<hbm>>
      %dma_wait3A_92 = tpu.memref_squeeze %dma_wait3A_91 : memref<1x80x128xi32, #tpu.memory_space<hbm>> -> memref<80x128xi32, #tpu.memory_space<hbm>>
      %dma_wait3A_93 = arith.constant 40 : i32
      %dma_wait3A_94 = arith.constant 0 : i32
      %dma_wait3A_95 = tpu.memref_slice %dma_wait3A_92[%dma_wait3A_93, %dma_wait3A_94] : memref<80x128xi32, #tpu.memory_space<hbm>> -> memref<40x128xi32, #tpu.memory_space<hbm>>
      %dma_wait3A_96 = arith.constant 0 : i32
      %dma_wait3A_97 = arith.constant 0 : i32
      %dma_wait3A_98 = tpu.memref_slice %arg4[%add3A, %dma_wait3A_96, %dma_wait3A_97] : memref<32x80x128xi32, #tpu.memory_space<hbm>> -> memref<1x80x128xi32, #tpu.memory_space<hbm>>
      %dma_wait3A_99 = tpu.memref_squeeze %dma_wait3A_98 : memref<1x80x128xi32, #tpu.memory_space<hbm>> -> memref<80x128xi32, #tpu.memory_space<hbm>>
      %dma_wait3A_100 = arith.constant 40 : i32
      %dma_wait3A_101 = arith.constant 0 : i32
      %dma_wait3A_102 = tpu.memref_slice %dma_wait3A_99[%dma_wait3A_100, %dma_wait3A_101] : memref<80x128xi32, #tpu.memory_space<hbm>> -> memref<40x128xi32, #tpu.memory_space<hbm>>
      tpu.wait_dma2 semaphore(%run_scoped3A : memref<!tpu.dma_semaphore, #tpu.memory_space<semaphore_mem>>) src(%dma_wait3A_102 : memref<40x128xi32, #tpu.memory_space<hbm>>) dst(%arg8 : memref<40x128xi32, #tpu.memory_space<vmem>>)
      tpu.yield
    }) : () -> ()
    %dma_start3A_34 = arith.constant 0 : i32
    %dma_start3A_35 = arith.constant 0 : i32
    %dma_start3A_36 = arith.constant 0 : i32
    %dma_start3A_37 = arith.constant 0 : i32
    %dma_start3A_38 = tpu.memref_slice %arg9[%dma_start3A_35, %dma_start3A_36, %dma_start3A_37] : memref<2x128x128xf32, #tpu.memory_space<vmem>> -> memref<1x128x128xf32, #tpu.memory_space<vmem>>
    %dma_start3A_39 = tpu.memref_squeeze %dma_start3A_38 : memref<1x128x128xf32, #tpu.memory_space<vmem>> -> memref<128x128xf32, #tpu.memory_space<vmem>>
    %dma_start3A_40 = arith.constant 0 : i32
    %dma_start3A_41 = tpu.memref_slice %arg7[%dma_start3A_34, %dma_start3A_40] : memref<40x128xi32, #tpu.memory_space<vmem>> -> memref<1x128xi32, #tpu.memory_space<vmem>>
    %dma_start3A_42 = tpu.memref_squeeze %dma_start3A_41 : memref<1x128xi32, #tpu.memory_space<vmem>> -> memref<128xi32, #tpu.memory_space<vmem>>
    %dma_start3A_43 = arith.constant 0 : i32
    %dma_start3A_44 = arith.constant 0 : i32
    %dma_start3A_45 = tpu.memref_slice %arg2[%dma_start3A_43, %dma_start3A_44] : memref<10128x128xf32, #tpu.memory_space<hbm>> -> memref<10128x128xf32, #tpu.memory_space<hbm>>
    tpu.enqueue_indirect_dma source(%dma_start3A_45 : memref<10128x128xf32, #tpu.memory_space<hbm>>) target(%dma_start3A_39 : memref<128x128xf32, #tpu.memory_space<vmem>>) offsets(%dma_start3A_42 : memref<128xi32, #tpu.memory_space<vmem>>) semaphore(%arg11 : memref<!tpu.dma_semaphore, #tpu.memory_space<semaphore_mem>>)
    %scan3A_46 = arith.constant 0 : i32
    %scan3A_47 = arith.constant 0 : i32
    %scan3A_48 = arith.constant 40 : i32
    %scan3A_49 = arith.addi %scan3A_47, %scan3A_48 : i32
    %scan3A_50 = arith.constant 1 : i32
    scf.for %scan3A_75 = %scan3A_47 to %scan3A_49 step %scan3A_50  : i32 {
      %rem3A = arith.constant 2 : i32
      %rem3A_76 = arith.remsi %scan3A_75, %rem3A : i32
      %dma_wait3A_77 = arith.constant 0 : i32
      %dma_wait3A_78 = arith.constant 0 : i32
      %dma_wait3A_79 = arith.constant 0 : i32
      %dma_wait3A_80 = tpu.memref_slice %arg9[%rem3A_76, %dma_wait3A_78, %dma_wait3A_79] : memref<2x128x128xf32, #tpu.memory_space<vmem>> -> memref<1x128x128xf32, #tpu.memory_space<vmem>>
      %dma_wait3A_81 = tpu.memref_squeeze %dma_wait3A_80 : memref<1x128x128xf32, #tpu.memory_space<vmem>> -> memref<128x128xf32, #tpu.memory_space<vmem>>
      %dma_wait3A_82 = arith.constant 0 : i32
      %dma_wait3A_83 = tpu.memref_slice %arg7[%dma_wait3A_77, %dma_wait3A_82] : memref<40x128xi32, #tpu.memory_space<vmem>> -> memref<1x128xi32, #tpu.memory_space<vmem>>
      %dma_wait3A_84 = tpu.memref_squeeze %dma_wait3A_83 : memref<1x128xi32, #tpu.memory_space<vmem>> -> memref<128xi32, #tpu.memory_space<vmem>>
      %dma_wait3A_85 = arith.constant 0 : i32
      %dma_wait3A_86 = arith.constant 0 : i32
      %dma_wait3A_87 = tpu.memref_slice %arg2[%dma_wait3A_85, %dma_wait3A_86] : memref<10128x128xf32, #tpu.memory_space<hbm>> -> memref<10128x128xf32, #tpu.memory_space<hbm>>
      tpu.wait_indirect_dma semaphore(%arg11 : memref<!tpu.dma_semaphore, #tpu.memory_space<semaphore_mem>>) src(%dma_wait3A_87 : memref<10128x128xf32, #tpu.memory_space<hbm>>) dst(%dma_wait3A_81 : memref<128x128xf32, #tpu.memory_space<vmem>>)
      %ge3A = arith.constant 1 : i32
      %ge3A_88 = arith.cmpi sge, %scan3A_75, %ge3A : i32
      %convert_element_type3A_89 = arith.extui %ge3A_88 : i1 to i32
      %cond3A_90 = arith.constant 0 : i32
      %cond3A_91 = arith.cmpi ne, %convert_element_type3A_89, %cond3A_90 : i32
      scf.if %cond3A_91 {
        %dma_wait3A_109 = arith.constant 0 : i32
        %dma_wait3A_110 = arith.constant 0 : i32
        %dma_wait3A_111 = arith.constant 0 : i32
        %dma_wait3A_112 = arith.constant 0 : i32
        %dma_wait3A_113 = tpu.memref_slice %arg9[%dma_wait3A_109, %dma_wait3A_111, %dma_wait3A_112] : memref<2x128x128xf32, #tpu.memory_space<vmem>> -> memref<1x128x128xf32, #tpu.memory_space<vmem>>
        %dma_wait3A_114 = tpu.memref_squeeze %dma_wait3A_113 : memref<1x128x128xf32, #tpu.memory_space<vmem>> -> memref<128x128xf32, #tpu.memory_space<vmem>>
        %dma_wait3A_115 = arith.constant 0 : i32
        %dma_wait3A_116 = tpu.memref_slice %arg8[%dma_wait3A_110, %dma_wait3A_115] : memref<40x128xi32, #tpu.memory_space<vmem>> -> memref<1x128xi32, #tpu.memory_space<vmem>>
        %dma_wait3A_117 = tpu.memref_squeeze %dma_wait3A_116 : memref<1x128xi32, #tpu.memory_space<vmem>> -> memref<128xi32, #tpu.memory_space<vmem>>
        %dma_wait3A_118 = arith.constant 0 : i32
        %dma_wait3A_119 = arith.constant 0 : i32
        %dma_wait3A_120 = tpu.memref_slice %arg10[%dma_wait3A_118, %dma_wait3A_119] : memref<10128x128xf32, #tpu.memory_space<vmem_shared>> -> memref<10128x128xf32, #tpu.memory_space<vmem_shared>>
        tpu.wait_indirect_dma semaphore(%arg12 : memref<!tpu.dma_semaphore, #tpu.memory_space<semaphore_mem>>) src(%dma_wait3A_114 : memref<128x128xf32, #tpu.memory_space<vmem>>) dst(%dma_wait3A_120 : memref<10128x128xf32, #tpu.memory_space<vmem_shared>>)
      } else {
      }
      %add3A_92 = arith.constant 1 : i32
      %add3A_93 = arith.addi %scan3A_75, %add3A_92 : i32
      %lt3A_94 = arith.constant 40 : i32
      %lt3A_95 = arith.cmpi slt, %add3A_93, %lt3A_94 : i32
      %convert_element_type3A_96 = arith.extui %lt3A_95 : i1 to i32
      %cond3A_97 = arith.constant 0 : i32
      %cond3A_98 = arith.cmpi ne, %convert_element_type3A_96, %cond3A_97 : i32
      scf.if %cond3A_98 {
        %add3A_109 = arith.constant 1 : i32
        %add3A_110 = arith.addi %scan3A_75, %add3A_109 : i32
        %sub3A = arith.constant 1 : i32
        %sub3A_111 = arith.subi %sub3A, %rem3A_76 : i32
        %dma_start3A_112 = arith.constant 0 : i32
        %dma_start3A_113 = arith.constant 0 : i32
        %dma_start3A_114 = tpu.memref_slice %arg9[%sub3A_111, %dma_start3A_112, %dma_start3A_113] : memref<2x128x128xf32, #tpu.memory_space<vmem>> -> memref<1x128x128xf32, #tpu.memory_space<vmem>>
        %dma_start3A_115 = tpu.memref_squeeze %dma_start3A_114 : memref<1x128x128xf32, #tpu.memory_space<vmem>> -> memref<128x128xf32, #tpu.memory_space<vmem>>
        %dma_start3A_116 = arith.constant 0 : i32
        %dma_start3A_117 = tpu.memref_slice %arg7[%add3A_110, %dma_start3A_116] : memref<40x128xi32, #tpu.memory_space<vmem>> -> memref<1x128xi32, #tpu.memory_space<vmem>>
        %dma_start3A_118 = tpu.memref_squeeze %dma_start3A_117 : memref<1x128xi32, #tpu.memory_space<vmem>> -> memref<128xi32, #tpu.memory_space<vmem>>
        %dma_start3A_119 = arith.constant 0 : i32
        %dma_start3A_120 = arith.constant 0 : i32
        %dma_start3A_121 = tpu.memref_slice %arg2[%dma_start3A_119, %dma_start3A_120] : memref<10128x128xf32, #tpu.memory_space<hbm>> -> memref<10128x128xf32, #tpu.memory_space<hbm>>
        tpu.enqueue_indirect_dma source(%dma_start3A_121 : memref<10128x128xf32, #tpu.memory_space<hbm>>) target(%dma_start3A_115 : memref<128x128xf32, #tpu.memory_space<vmem>>) offsets(%dma_start3A_118 : memref<128xi32, #tpu.memory_space<vmem>>) semaphore(%arg11 : memref<!tpu.dma_semaphore, #tpu.memory_space<semaphore_mem>>)
      } else {
      }
      %dma_start3A_99 = arith.constant 0 : i32
      %dma_start3A_100 = arith.constant 0 : i32
      %dma_start3A_101 = tpu.memref_slice %arg9[%rem3A_76, %dma_start3A_99, %dma_start3A_100] : memref<2x128x128xf32, #tpu.memory_space<vmem>> -> memref<1x128x128xf32, #tpu.memory_space<vmem>>
      %dma_start3A_102 = tpu.memref_squeeze %dma_start3A_101 : memref<1x128x128xf32, #tpu.memory_space<vmem>> -> memref<128x128xf32, #tpu.memory_space<vmem>>
      %dma_start3A_103 = arith.constant 0 : i32
      %dma_start3A_104 = tpu.memref_slice %arg8[%scan3A_75, %dma_start3A_103] : memref<40x128xi32, #tpu.memory_space<vmem>> -> memref<1x128xi32, #tpu.memory_space<vmem>>
      %dma_start3A_105 = tpu.memref_squeeze %dma_start3A_104 : memref<1x128xi32, #tpu.memory_space<vmem>> -> memref<128xi32, #tpu.memory_space<vmem>>
      %dma_start3A_106 = arith.constant 0 : i32
      %dma_start3A_107 = arith.constant 0 : i32
      %dma_start3A_108 = tpu.memref_slice %arg10[%dma_start3A_106, %dma_start3A_107] : memref<10128x128xf32, #tpu.memory_space<vmem_shared>> -> memref<10128x128xf32, #tpu.memory_space<vmem_shared>>
      tpu.enqueue_indirect_dma source(%dma_start3A_102 : memref<128x128xf32, #tpu.memory_space<vmem>>) target(%dma_start3A_108 : memref<10128x128xf32, #tpu.memory_space<vmem_shared>>) offsets(%dma_start3A_105 : memref<128xi32, #tpu.memory_space<vmem>>) semaphore(%arg12 : memref<!tpu.dma_semaphore, #tpu.memory_space<semaphore_mem>>) {add = true}
    }
    %scan3A_51 = arith.constant 40 : i32
    %dma_wait3A_52 = arith.constant 0 : i32
    %dma_wait3A_53 = arith.constant 0 : i32
    %dma_wait3A_54 = arith.constant 0 : i32
    %dma_wait3A_55 = arith.constant 0 : i32
    %dma_wait3A_56 = tpu.memref_slice %arg9[%dma_wait3A_52, %dma_wait3A_54, %dma_wait3A_55] : memref<2x128x128xf32, #tpu.memory_space<vmem>> -> memref<1x128x128xf32, #tpu.memory_space<vmem>>
    %dma_wait3A_57 = tpu.memref_squeeze %dma_wait3A_56 : memref<1x128x128xf32, #tpu.memory_space<vmem>> -> memref<128x128xf32, #tpu.memory_space<vmem>>
    %dma_wait3A_58 = arith.constant 0 : i32
    %dma_wait3A_59 = tpu.memref_slice %arg8[%dma_wait3A_53, %dma_wait3A_58] : memref<40x128xi32, #tpu.memory_space<vmem>> -> memref<1x128xi32, #tpu.memory_space<vmem>>
    %dma_wait3A_60 = tpu.memref_squeeze %dma_wait3A_59 : memref<1x128xi32, #tpu.memory_space<vmem>> -> memref<128xi32, #tpu.memory_space<vmem>>
    %dma_wait3A_61 = arith.constant 0 : i32
    %dma_wait3A_62 = arith.constant 0 : i32
    %dma_wait3A_63 = tpu.memref_slice %arg10[%dma_wait3A_61, %dma_wait3A_62] : memref<10128x128xf32, #tpu.memory_space<vmem_shared>> -> memref<10128x128xf32, #tpu.memory_space<vmem_shared>>
    tpu.wait_indirect_dma semaphore(%arg12 : memref<!tpu.dma_semaphore, #tpu.memory_space<semaphore_mem>>) src(%dma_wait3A_57 : memref<128x128xf32, #tpu.memory_space<vmem>>) dst(%dma_wait3A_63 : memref<10128x128xf32, #tpu.memory_space<vmem_shared>>)
    %barrier3A_64 = arith.constant 0 : index
    tpu.barrier barrier_id(%barrier3A_64)
    %lt3A_65 = arith.constant 15 : i32
    %lt3A_66 = arith.cmpi slt, %arg1, %lt3A_65 : i32
    %convert_element_type3A_67 = arith.extui %lt3A_66 : i1 to i32
    %cond3A_68 = arith.constant 0 : i32
    %cond3A_69 = arith.cmpi ne, %convert_element_type3A_67, %cond3A_68 : i32
    scf.if %cond3A_69 {
      %mul3A_75 = arith.constant 632 : i32
      %mul3A_76 = arith.muli %arg1, %mul3A_75 : i32
      %mul3A_77 = arith.constant 632 : i32
      %mul3A_78 = arith.muli %arg1, %mul3A_77 : i32
      "tpu.region"() ({
        %run_scoped3A = tpu.sem_alloc : memref<!tpu.dma_semaphore, #tpu.memory_space<semaphore_mem>>
        %dma_start3A_79 = arith.constant 0 : i32
        %dma_start3A_80 = arith.constant 0 : i32
        %dma_start3A_81 = tpu.memref_slice %arg6[%arg0, %dma_start3A_79, %dma_start3A_80] : memref<2x10000x128xf32, #tpu.memory_space<hbm>> -> memref<1x10000x128xf32, #tpu.memory_space<hbm>>
        %dma_start3A_82 = tpu.memref_squeeze %dma_start3A_81 : memref<1x10000x128xf32, #tpu.memory_space<hbm>> -> memref<10000x128xf32, #tpu.memory_space<hbm>>
        %dma_start3A_83 = arith.constant 0 : i32
        %dma_start3A_84 = tpu.memref_slice %dma_start3A_82[%mul3A_78, %dma_start3A_83] : memref<10000x128xf32, #tpu.memory_space<hbm>> -> memref<632x128xf32, #tpu.memory_space<hbm>>
        %dma_start3A_85 = arith.constant 0 : i32
        %dma_start3A_86 = tpu.memref_slice %arg10[%mul3A_76, %dma_start3A_85] : memref<10128x128xf32, #tpu.memory_space<vmem_shared>> -> memref<632x128xf32, #tpu.memory_space<vmem_shared>>
        tpu.enqueue_dma source(%dma_start3A_86 : memref<632x128xf32, #tpu.memory_space<vmem_shared>>) target(%dma_start3A_84 : memref<632x128xf32, #tpu.memory_space<hbm>>) target_semaphore(%run_scoped3A : memref<!tpu.dma_semaphore, #tpu.memory_space<semaphore_mem>>)
        %dma_wait3A_87 = arith.constant 0 : i32
        %dma_wait3A_88 = arith.constant 0 : i32
        %dma_wait3A_89 = tpu.memref_slice %arg6[%arg0, %dma_wait3A_87, %dma_wait3A_88] : memref<2x10000x128xf32, #tpu.memory_space<hbm>> -> memref<1x10000x128xf32, #tpu.memory_space<hbm>>
        %dma_wait3A_90 = tpu.memref_squeeze %dma_wait3A_89 : memref<1x10000x128xf32, #tpu.memory_space<hbm>> -> memref<10000x128xf32, #tpu.memory_space<hbm>>
        %dma_wait3A_91 = arith.constant 0 : i32
        %dma_wait3A_92 = tpu.memref_slice %dma_wait3A_90[%mul3A_78, %dma_wait3A_91] : memref<10000x128xf32, #tpu.memory_space<hbm>> -> memref<632x128xf32, #tpu.memory_space<hbm>>
        %dma_wait3A_93 = arith.constant 0 : i32
        %dma_wait3A_94 = tpu.memref_slice %arg10[%mul3A_76, %dma_wait3A_93] : memref<10128x128xf32, #tpu.memory_space<vmem_shared>> -> memref<632x128xf32, #tpu.memory_space<vmem_shared>>
        tpu.wait_dma2 semaphore(%run_scoped3A : memref<!tpu.dma_semaphore, #tpu.memory_space<semaphore_mem>>) src(%dma_wait3A_94 : memref<632x128xf32, #tpu.memory_space<vmem_shared>>) dst(%dma_wait3A_92 : memref<632x128xf32, #tpu.memory_space<hbm>>)
        tpu.yield
      }) : () -> ()
    } else {
    }
    %eq3A_70 = arith.constant 15 : i32
    %eq3A_71 = arith.cmpi eq, %arg1, %eq3A_70 : i32
    %convert_element_type3A_72 = arith.extui %eq3A_71 : i1 to i32
    %cond3A_73 = arith.constant 0 : i32
    %cond3A_74 = arith.cmpi ne, %convert_element_type3A_72, %cond3A_73 : i32
    scf.if %cond3A_74 {
      "tpu.region"() ({
        %run_scoped3A = tpu.sem_alloc : memref<!tpu.dma_semaphore, #tpu.memory_space<semaphore_mem>>
        %dma_start3A_75 = arith.constant 0 : i32
        %dma_start3A_76 = arith.constant 0 : i32
        %dma_start3A_77 = tpu.memref_slice %arg6[%arg0, %dma_start3A_75, %dma_start3A_76] : memref<2x10000x128xf32, #tpu.memory_space<hbm>> -> memref<1x10000x128xf32, #tpu.memory_space<hbm>>
        %dma_start3A_78 = tpu.memref_squeeze %dma_start3A_77 : memref<1x10000x128xf32, #tpu.memory_space<hbm>> -> memref<10000x128xf32, #tpu.memory_space<hbm>>
        %dma_start3A_79 = arith.constant 9480 : i32
        %dma_start3A_80 = arith.constant 0 : i32
        %dma_start3A_81 = tpu.memref_slice %dma_start3A_78[%dma_start3A_79, %dma_start3A_80] : memref<10000x128xf32, #tpu.memory_space<hbm>> -> memref<520x128xf32, #tpu.memory_space<hbm>>
        %dma_start3A_82 = arith.constant 9480 : i32
        %dma_start3A_83 = arith.constant 0 : i32
        %dma_start3A_84 = tpu.memref_slice %arg10[%dma_start3A_82, %dma_start3A_83] : memref<10128x128xf32, #tpu.memory_space<vmem_shared>> -> memref<520x128xf32, #tpu.memory_space<vmem_shared>>
        tpu.enqueue_dma source(%dma_start3A_84 : memref<520x128xf32, #tpu.memory_space<vmem_shared>>) target(%dma_start3A_81 : memref<520x128xf32, #tpu.memory_space<hbm>>) target_semaphore(%run_scoped3A : memref<!tpu.dma_semaphore, #tpu.memory_space<semaphore_mem>>)
        %dma_wait3A_85 = arith.constant 0 : i32
        %dma_wait3A_86 = arith.constant 0 : i32
        %dma_wait3A_87 = tpu.memref_slice %arg6[%arg0, %dma_wait3A_85, %dma_wait3A_86] : memref<2x10000x128xf32, #tpu.memory_space<hbm>> -> memref<1x10000x128xf32, #tpu.memory_space<hbm>>
        %dma_wait3A_88 = tpu.memref_squeeze %dma_wait3A_87 : memref<1x10000x128xf32, #tpu.memory_space<hbm>> -> memref<10000x128xf32, #tpu.memory_space<hbm>>
        %dma_wait3A_89 = arith.constant 9480 : i32
        %dma_wait3A_90 = arith.constant 0 : i32
        %dma_wait3A_91 = tpu.memref_slice %dma_wait3A_88[%dma_wait3A_89, %dma_wait3A_90] : memref<10000x128xf32, #tpu.memory_space<hbm>> -> memref<520x128xf32, #tpu.memory_space<hbm>>
        %dma_wait3A_92 = arith.constant 9480 : i32
        %dma_wait3A_93 = arith.constant 0 : i32
        %dma_wait3A_94 = tpu.memref_slice %arg10[%dma_wait3A_92, %dma_wait3A_93] : memref<10128x128xf32, #tpu.memory_space<vmem_shared>> -> memref<520x128xf32, #tpu.memory_space<vmem_shared>>
        tpu.wait_dma2 semaphore(%run_scoped3A : memref<!tpu.dma_semaphore, #tpu.memory_space<semaphore_mem>>) src(%dma_wait3A_94 : memref<520x128xf32, #tpu.memory_space<vmem_shared>>) dst(%dma_wait3A_91 : memref<520x128xf32, #tpu.memory_space<hbm>>)
        tpu.yield
      }) : () -> ()
    } else {
    }
    return
  }
}

#map = affine_map<(d0, d1) -> (0, 0, 0)>
#map1 = affine_map<(d0, d1) -> (0, 0)>
#map2 = affine_map<(d0, d1) -> (0, 0, 0, 0)>
module attributes {stable_mosaic.version = 14 : i64} {
  func.func @body(%arg0: i32, %arg1: i32, %arg2: memref<32x80x128xi32, #tpu.memory_space<hbm>>, %arg3: memref<32x80x128xi32, #tpu.memory_space<hbm>>, %arg4: memref<128x128xf32, #tpu.memory_space<hbm>>, %arg5: memref<10000x128xf32, #tpu.memory_space<hbm>>, %arg6: memref<2x2x10000x128xf32, #tpu.memory_space<hbm>>, %arg7: memref<80x128xi32, #tpu.memory_space<vmem>>, %arg8: memref<80x128xi32, #tpu.memory_space<vmem>>, %arg9: memref<128x128xf32, #tpu.memory_space<vmem>>, %arg10: memref<10128x128xf32, #tpu.memory_space<vmem_shared>>, %arg11: memref<!tpu.dma_semaphore, #tpu.memory_space<semaphore_mem>>) attributes {dimension_semantics = [#tpu.dimension_semantics<core_parallel>, #tpu.dimension_semantics<subcore_parallel>], iteration_bounds = array<i64: 2, 16>, scalar_prefetch = 0 : i64, scratch_operands = 5 : i64, tpu.core_type = #tpu.core_type<sc_vector_subcore>, window_params = [{transform_indices = #map}, {transform_indices = #map}, {transform_indices = #map1}, {transform_indices = #map1}, {transform_indices = #map2}]} {
    %mul3A = arith.constant 16 : i32
    %mul3A_0 = arith.muli %arg0, %mul3A : i32
    %add3A = arith.addi %mul3A_0, %arg1 : i32
    "tpu.region"() ({
      %run_scoped3A = tpu.sem_alloc : memref<!tpu.dma_semaphore, #tpu.memory_space<semaphore_mem>>
      %dma_start3A = arith.constant 0 : i32
      %dma_start3A_63 = arith.constant 0 : i32
      %dma_start3A_64 = tpu.memref_slice %arg2[%add3A, %dma_start3A, %dma_start3A_63] : memref<32x80x128xi32, #tpu.memory_space<hbm>> -> memref<1x80x128xi32, #tpu.memory_space<hbm>>
      %dma_start3A_65 = tpu.memref_squeeze %dma_start3A_64 : memref<1x80x128xi32, #tpu.memory_space<hbm>> -> memref<80x128xi32, #tpu.memory_space<hbm>>
      %dma_start3A_66 = arith.constant 0 : i32
      %dma_start3A_67 = arith.constant 0 : i32
      %dma_start3A_68 = tpu.memref_slice %arg2[%add3A, %dma_start3A_66, %dma_start3A_67] : memref<32x80x128xi32, #tpu.memory_space<hbm>> -> memref<1x80x128xi32, #tpu.memory_space<hbm>>
      %dma_start3A_69 = tpu.memref_squeeze %dma_start3A_68 : memref<1x80x128xi32, #tpu.memory_space<hbm>> -> memref<80x128xi32, #tpu.memory_space<hbm>>
      tpu.enqueue_dma source(%dma_start3A_69 : memref<80x128xi32, #tpu.memory_space<hbm>>) target(%arg7 : memref<80x128xi32, #tpu.memory_space<vmem>>) target_semaphore(%run_scoped3A : memref<!tpu.dma_semaphore, #tpu.memory_space<semaphore_mem>>)
      %dma_wait3A = arith.constant 0 : i32
      %dma_wait3A_70 = arith.constant 0 : i32
      %dma_wait3A_71 = tpu.memref_slice %arg2[%add3A, %dma_wait3A, %dma_wait3A_70] : memref<32x80x128xi32, #tpu.memory_space<hbm>> -> memref<1x80x128xi32, #tpu.memory_space<hbm>>
      %dma_wait3A_72 = tpu.memref_squeeze %dma_wait3A_71 : memref<1x80x128xi32, #tpu.memory_space<hbm>> -> memref<80x128xi32, #tpu.memory_space<hbm>>
      %dma_wait3A_73 = arith.constant 0 : i32
      %dma_wait3A_74 = arith.constant 0 : i32
      %dma_wait3A_75 = tpu.memref_slice %arg2[%add3A, %dma_wait3A_73, %dma_wait3A_74] : memref<32x80x128xi32, #tpu.memory_space<hbm>> -> memref<1x80x128xi32, #tpu.memory_space<hbm>>
      %dma_wait3A_76 = tpu.memref_squeeze %dma_wait3A_75 : memref<1x80x128xi32, #tpu.memory_space<hbm>> -> memref<80x128xi32, #tpu.memory_space<hbm>>
      tpu.wait_dma2 semaphore(%run_scoped3A : memref<!tpu.dma_semaphore, #tpu.memory_space<semaphore_mem>>) src(%dma_wait3A_76 : memref<80x128xi32, #tpu.memory_space<hbm>>) dst(%arg7 : memref<80x128xi32, #tpu.memory_space<vmem>>)
      tpu.yield
    }) : () -> ()
    "tpu.region"() ({
      %run_scoped3A = tpu.sem_alloc : memref<!tpu.dma_semaphore, #tpu.memory_space<semaphore_mem>>
      %dma_start3A = arith.constant 0 : i32
      %dma_start3A_63 = arith.constant 0 : i32
      %dma_start3A_64 = tpu.memref_slice %arg3[%add3A, %dma_start3A, %dma_start3A_63] : memref<32x80x128xi32, #tpu.memory_space<hbm>> -> memref<1x80x128xi32, #tpu.memory_space<hbm>>
      %dma_start3A_65 = tpu.memref_squeeze %dma_start3A_64 : memref<1x80x128xi32, #tpu.memory_space<hbm>> -> memref<80x128xi32, #tpu.memory_space<hbm>>
      %dma_start3A_66 = arith.constant 0 : i32
      %dma_start3A_67 = arith.constant 0 : i32
      %dma_start3A_68 = tpu.memref_slice %arg3[%add3A, %dma_start3A_66, %dma_start3A_67] : memref<32x80x128xi32, #tpu.memory_space<hbm>> -> memref<1x80x128xi32, #tpu.memory_space<hbm>>
      %dma_start3A_69 = tpu.memref_squeeze %dma_start3A_68 : memref<1x80x128xi32, #tpu.memory_space<hbm>> -> memref<80x128xi32, #tpu.memory_space<hbm>>
      tpu.enqueue_dma source(%dma_start3A_69 : memref<80x128xi32, #tpu.memory_space<hbm>>) target(%arg8 : memref<80x128xi32, #tpu.memory_space<vmem>>) target_semaphore(%run_scoped3A : memref<!tpu.dma_semaphore, #tpu.memory_space<semaphore_mem>>)
      %dma_wait3A = arith.constant 0 : i32
      %dma_wait3A_70 = arith.constant 0 : i32
      %dma_wait3A_71 = tpu.memref_slice %arg3[%add3A, %dma_wait3A, %dma_wait3A_70] : memref<32x80x128xi32, #tpu.memory_space<hbm>> -> memref<1x80x128xi32, #tpu.memory_space<hbm>>
      %dma_wait3A_72 = tpu.memref_squeeze %dma_wait3A_71 : memref<1x80x128xi32, #tpu.memory_space<hbm>> -> memref<80x128xi32, #tpu.memory_space<hbm>>
      %dma_wait3A_73 = arith.constant 0 : i32
      %dma_wait3A_74 = arith.constant 0 : i32
      %dma_wait3A_75 = tpu.memref_slice %arg3[%add3A, %dma_wait3A_73, %dma_wait3A_74] : memref<32x80x128xi32, #tpu.memory_space<hbm>> -> memref<1x80x128xi32, #tpu.memory_space<hbm>>
      %dma_wait3A_76 = tpu.memref_squeeze %dma_wait3A_75 : memref<1x80x128xi32, #tpu.memory_space<hbm>> -> memref<80x128xi32, #tpu.memory_space<hbm>>
      tpu.wait_dma2 semaphore(%run_scoped3A : memref<!tpu.dma_semaphore, #tpu.memory_space<semaphore_mem>>) src(%dma_wait3A_76 : memref<80x128xi32, #tpu.memory_space<hbm>>) dst(%arg8 : memref<80x128xi32, #tpu.memory_space<vmem>>)
      tpu.yield
    }) : () -> ()
    "tpu.region"() ({
      %run_scoped3A = tpu.sem_alloc : memref<!tpu.dma_semaphore, #tpu.memory_space<semaphore_mem>>
      tpu.enqueue_dma source(%arg4 : memref<128x128xf32, #tpu.memory_space<hbm>>) target(%arg9 : memref<128x128xf32, #tpu.memory_space<vmem>>) target_semaphore(%run_scoped3A : memref<!tpu.dma_semaphore, #tpu.memory_space<semaphore_mem>>)
      tpu.wait_dma2 semaphore(%run_scoped3A : memref<!tpu.dma_semaphore, #tpu.memory_space<semaphore_mem>>) src(%arg4 : memref<128x128xf32, #tpu.memory_space<hbm>>) dst(%arg9 : memref<128x128xf32, #tpu.memory_space<vmem>>)
      tpu.yield
    }) : () -> ()
    %lt3A = arith.constant 15 : i32
    %lt3A_1 = arith.cmpi slt, %arg1, %lt3A : i32
    %convert_element_type3A = arith.extui %lt3A_1 : i1 to i32
    %cond3A = arith.constant 0 : i32
    %cond3A_2 = arith.cmpi ne, %convert_element_type3A, %cond3A : i32
    scf.if %cond3A_2 {
      %mul3A_63 = arith.constant 632 : i32
      %mul3A_64 = arith.muli %arg1, %mul3A_63 : i32
      %mul3A_65 = arith.constant 632 : i32
      %mul3A_66 = arith.muli %arg1, %mul3A_65 : i32
      "tpu.region"() ({
        %run_scoped3A = tpu.sem_alloc : memref<!tpu.dma_semaphore, #tpu.memory_space<semaphore_mem>>
        %dma_start3A = arith.constant 0 : i32
        %dma_start3A_67 = tpu.memref_slice %arg10[%mul3A_66, %dma_start3A] : memref<10128x128xf32, #tpu.memory_space<vmem_shared>> -> memref<632x128xf32, #tpu.memory_space<vmem_shared>>
        %dma_start3A_68 = arith.constant 0 : i32
        %dma_start3A_69 = tpu.memref_slice %arg5[%mul3A_64, %dma_start3A_68] : memref<10000x128xf32, #tpu.memory_space<hbm>> -> memref<632x128xf32, #tpu.memory_space<hbm>>
        tpu.enqueue_dma source(%dma_start3A_69 : memref<632x128xf32, #tpu.memory_space<hbm>>) target(%dma_start3A_67 : memref<632x128xf32, #tpu.memory_space<vmem_shared>>) target_semaphore(%run_scoped3A : memref<!tpu.dma_semaphore, #tpu.memory_space<semaphore_mem>>)
        %dma_wait3A = arith.constant 0 : i32
        %dma_wait3A_70 = tpu.memref_slice %arg10[%mul3A_66, %dma_wait3A] : memref<10128x128xf32, #tpu.memory_space<vmem_shared>> -> memref<632x128xf32, #tpu.memory_space<vmem_shared>>
        %dma_wait3A_71 = arith.constant 0 : i32
        %dma_wait3A_72 = tpu.memref_slice %arg5[%mul3A_64, %dma_wait3A_71] : memref<10000x128xf32, #tpu.memory_space<hbm>> -> memref<632x128xf32, #tpu.memory_space<hbm>>
        tpu.wait_dma2 semaphore(%run_scoped3A : memref<!tpu.dma_semaphore, #tpu.memory_space<semaphore_mem>>) src(%dma_wait3A_72 : memref<632x128xf32, #tpu.memory_space<hbm>>) dst(%dma_wait3A_70 : memref<632x128xf32, #tpu.memory_space<vmem_shared>>)
        tpu.yield
      }) : () -> ()
    } else {
    }
    %eq3A = arith.constant 15 : i32
    %eq3A_3 = arith.cmpi eq, %arg1, %eq3A : i32
    %convert_element_type3A_4 = arith.extui %eq3A_3 : i1 to i32
    %cond3A_5 = arith.constant 0 : i32
    %cond3A_6 = arith.cmpi ne, %convert_element_type3A_4, %cond3A_5 : i32
    scf.if %cond3A_6 {
      "tpu.region"() ({
        %run_scoped3A = tpu.sem_alloc : memref<!tpu.dma_semaphore, #tpu.memory_space<semaphore_mem>>
        %dma_start3A = arith.constant 9480 : i32
        %dma_start3A_63 = arith.constant 0 : i32
        %dma_start3A_64 = tpu.memref_slice %arg10[%dma_start3A, %dma_start3A_63] : memref<10128x128xf32, #tpu.memory_space<vmem_shared>> -> memref<520x128xf32, #tpu.memory_space<vmem_shared>>
        %dma_start3A_65 = arith.constant 9480 : i32
        %dma_start3A_66 = arith.constant 0 : i32
        %dma_start3A_67 = tpu.memref_slice %arg5[%dma_start3A_65, %dma_start3A_66] : memref<10000x128xf32, #tpu.memory_space<hbm>> -> memref<520x128xf32, #tpu.memory_space<hbm>>
        tpu.enqueue_dma source(%dma_start3A_67 : memref<520x128xf32, #tpu.memory_space<hbm>>) target(%dma_start3A_64 : memref<520x128xf32, #tpu.memory_space<vmem_shared>>) target_semaphore(%run_scoped3A : memref<!tpu.dma_semaphore, #tpu.memory_space<semaphore_mem>>)
        %dma_wait3A = arith.constant 9480 : i32
        %dma_wait3A_68 = arith.constant 0 : i32
        %dma_wait3A_69 = tpu.memref_slice %arg10[%dma_wait3A, %dma_wait3A_68] : memref<10128x128xf32, #tpu.memory_space<vmem_shared>> -> memref<520x128xf32, #tpu.memory_space<vmem_shared>>
        %dma_wait3A_70 = arith.constant 9480 : i32
        %dma_wait3A_71 = arith.constant 0 : i32
        %dma_wait3A_72 = tpu.memref_slice %arg5[%dma_wait3A_70, %dma_wait3A_71] : memref<10000x128xf32, #tpu.memory_space<hbm>> -> memref<520x128xf32, #tpu.memory_space<hbm>>
        tpu.wait_dma2 semaphore(%run_scoped3A : memref<!tpu.dma_semaphore, #tpu.memory_space<semaphore_mem>>) src(%dma_wait3A_72 : memref<520x128xf32, #tpu.memory_space<hbm>>) dst(%dma_wait3A_69 : memref<520x128xf32, #tpu.memory_space<vmem_shared>>)
        tpu.yield
      }) : () -> ()
    } else {
    }
    %barrier3A = arith.constant 0 : index
    tpu.barrier barrier_id(%barrier3A)
    %scan3A = arith.constant 0 : i32
    %scan3A_7 = arith.constant 0 : i32
    %scan3A_8 = arith.constant 80 : i32
    %scan3A_9 = arith.addi %scan3A_7, %scan3A_8 : i32
    %scan3A_10 = arith.constant 1 : i32
    scf.for %scan3A_63 = %scan3A_7 to %scan3A_9 step %scan3A_10  : i32 {
      %dma_start3A = arith.constant 0 : i32
      %dma_start3A_64 = tpu.memref_slice %arg7[%scan3A_63, %dma_start3A] : memref<80x128xi32, #tpu.memory_space<vmem>> -> memref<1x128xi32, #tpu.memory_space<vmem>>
      %dma_start3A_65 = tpu.memref_squeeze %dma_start3A_64 : memref<1x128xi32, #tpu.memory_space<vmem>> -> memref<128xi32, #tpu.memory_space<vmem>>
      %dma_start3A_66 = arith.constant 0 : i32
      %dma_start3A_67 = arith.constant 0 : i32
      %dma_start3A_68 = tpu.memref_slice %arg10[%dma_start3A_66, %dma_start3A_67] : memref<10128x128xf32, #tpu.memory_space<vmem_shared>> -> memref<10128x128xf32, #tpu.memory_space<vmem_shared>>
      tpu.enqueue_indirect_dma source(%arg9 : memref<128x128xf32, #tpu.memory_space<vmem>>) target(%dma_start3A_68 : memref<10128x128xf32, #tpu.memory_space<vmem_shared>>) offsets(%dma_start3A_65 : memref<128xi32, #tpu.memory_space<vmem>>) semaphore(%arg11 : memref<!tpu.dma_semaphore, #tpu.memory_space<semaphore_mem>>) {add = true}
    }
    %scan3A_11 = arith.constant 80 : i32
    %scan3A_12 = arith.constant 0 : i32
    %scan3A_13 = arith.constant 0 : i32
    %scan3A_14 = arith.constant 80 : i32
    %scan3A_15 = arith.addi %scan3A_13, %scan3A_14 : i32
    %scan3A_16 = arith.constant 1 : i32
    scf.for %scan3A_63 = %scan3A_13 to %scan3A_15 step %scan3A_16  : i32 {
      %dma_wait3A = arith.constant 0 : i32
      %dma_wait3A_64 = arith.constant 0 : i32
      %dma_wait3A_65 = tpu.memref_slice %arg7[%dma_wait3A, %dma_wait3A_64] : memref<80x128xi32, #tpu.memory_space<vmem>> -> memref<1x128xi32, #tpu.memory_space<vmem>>
      %dma_wait3A_66 = tpu.memref_squeeze %dma_wait3A_65 : memref<1x128xi32, #tpu.memory_space<vmem>> -> memref<128xi32, #tpu.memory_space<vmem>>
      %dma_wait3A_67 = arith.constant 0 : i32
      %dma_wait3A_68 = arith.constant 0 : i32
      %dma_wait3A_69 = tpu.memref_slice %arg10[%dma_wait3A_67, %dma_wait3A_68] : memref<10128x128xf32, #tpu.memory_space<vmem_shared>> -> memref<10128x128xf32, #tpu.memory_space<vmem_shared>>
      tpu.wait_indirect_dma semaphore(%arg11 : memref<!tpu.dma_semaphore, #tpu.memory_space<semaphore_mem>>) src(%arg9 : memref<128x128xf32, #tpu.memory_space<vmem>>) dst(%dma_wait3A_69 : memref<10128x128xf32, #tpu.memory_space<vmem_shared>>)
    }
    %scan3A_17 = arith.constant 80 : i32
    %barrier3A_18 = arith.constant 0 : index
    tpu.barrier barrier_id(%barrier3A_18)
    %lt3A_19 = arith.constant 15 : i32
    %lt3A_20 = arith.cmpi slt, %arg1, %lt3A_19 : i32
    %convert_element_type3A_21 = arith.extui %lt3A_20 : i1 to i32
    %cond3A_22 = arith.constant 0 : i32
    %cond3A_23 = arith.cmpi ne, %convert_element_type3A_21, %cond3A_22 : i32
    scf.if %cond3A_23 {
      %mul3A_63 = arith.constant 632 : i32
      %mul3A_64 = arith.muli %arg1, %mul3A_63 : i32
      %mul3A_65 = arith.constant 632 : i32
      %mul3A_66 = arith.muli %arg1, %mul3A_65 : i32
      %run_scoped3A = arith.constant 0 : i32
      "tpu.region"() ({
        %run_scoped3A_67 = tpu.sem_alloc : memref<!tpu.dma_semaphore, #tpu.memory_space<semaphore_mem>>
        %dma_start3A = arith.constant 0 : i32
        %dma_start3A_68 = arith.constant 0 : i32
        %dma_start3A_69 = tpu.memref_slice %arg6[%arg0, %run_scoped3A, %dma_start3A, %dma_start3A_68] : memref<2x2x10000x128xf32, #tpu.memory_space<hbm>> -> memref<1x1x10000x128xf32, #tpu.memory_space<hbm>>
        %dma_start3A_70 = tpu.memref_squeeze %dma_start3A_69 : memref<1x1x10000x128xf32, #tpu.memory_space<hbm>> -> memref<10000x128xf32, #tpu.memory_space<hbm>>
        %dma_start3A_71 = arith.constant 0 : i32
        %dma_start3A_72 = tpu.memref_slice %dma_start3A_70[%mul3A_66, %dma_start3A_71] : memref<10000x128xf32, #tpu.memory_space<hbm>> -> memref<632x128xf32, #tpu.memory_space<hbm>>
        %dma_start3A_73 = arith.constant 0 : i32
        %dma_start3A_74 = tpu.memref_slice %arg10[%mul3A_64, %dma_start3A_73] : memref<10128x128xf32, #tpu.memory_space<vmem_shared>> -> memref<632x128xf32, #tpu.memory_space<vmem_shared>>
        tpu.enqueue_dma source(%dma_start3A_74 : memref<632x128xf32, #tpu.memory_space<vmem_shared>>) target(%dma_start3A_72 : memref<632x128xf32, #tpu.memory_space<hbm>>) target_semaphore(%run_scoped3A_67 : memref<!tpu.dma_semaphore, #tpu.memory_space<semaphore_mem>>)
        %dma_wait3A = arith.constant 0 : i32
        %dma_wait3A_75 = arith.constant 0 : i32
        %dma_wait3A_76 = tpu.memref_slice %arg6[%arg0, %run_scoped3A, %dma_wait3A, %dma_wait3A_75] : memref<2x2x10000x128xf32, #tpu.memory_space<hbm>> -> memref<1x1x10000x128xf32, #tpu.memory_space<hbm>>
        %dma_wait3A_77 = tpu.memref_squeeze %dma_wait3A_76 : memref<1x1x10000x128xf32, #tpu.memory_space<hbm>> -> memref<10000x128xf32, #tpu.memory_space<hbm>>
        %dma_wait3A_78 = arith.constant 0 : i32
        %dma_wait3A_79 = tpu.memref_slice %dma_wait3A_77[%mul3A_66, %dma_wait3A_78] : memref<10000x128xf32, #tpu.memory_space<hbm>> -> memref<632x128xf32, #tpu.memory_space<hbm>>
        %dma_wait3A_80 = arith.constant 0 : i32
        %dma_wait3A_81 = tpu.memref_slice %arg10[%mul3A_64, %dma_wait3A_80] : memref<10128x128xf32, #tpu.memory_space<vmem_shared>> -> memref<632x128xf32, #tpu.memory_space<vmem_shared>>
        tpu.wait_dma2 semaphore(%run_scoped3A_67 : memref<!tpu.dma_semaphore, #tpu.memory_space<semaphore_mem>>) src(%dma_wait3A_81 : memref<632x128xf32, #tpu.memory_space<vmem_shared>>) dst(%dma_wait3A_79 : memref<632x128xf32, #tpu.memory_space<hbm>>)
        tpu.yield
      }) : () -> ()
    } else {
    }
    %eq3A_24 = arith.constant 15 : i32
    %eq3A_25 = arith.cmpi eq, %arg1, %eq3A_24 : i32
    %convert_element_type3A_26 = arith.extui %eq3A_25 : i1 to i32
    %cond3A_27 = arith.constant 0 : i32
    %cond3A_28 = arith.cmpi ne, %convert_element_type3A_26, %cond3A_27 : i32
    scf.if %cond3A_28 {
      %run_scoped3A = arith.constant 0 : i32
      "tpu.region"() ({
        %run_scoped3A_63 = tpu.sem_alloc : memref<!tpu.dma_semaphore, #tpu.memory_space<semaphore_mem>>
        %dma_start3A = arith.constant 0 : i32
        %dma_start3A_64 = arith.constant 0 : i32
        %dma_start3A_65 = tpu.memref_slice %arg6[%arg0, %run_scoped3A, %dma_start3A, %dma_start3A_64] : memref<2x2x10000x128xf32, #tpu.memory_space<hbm>> -> memref<1x1x10000x128xf32, #tpu.memory_space<hbm>>
        %dma_start3A_66 = tpu.memref_squeeze %dma_start3A_65 : memref<1x1x10000x128xf32, #tpu.memory_space<hbm>> -> memref<10000x128xf32, #tpu.memory_space<hbm>>
        %dma_start3A_67 = arith.constant 9480 : i32
        %dma_start3A_68 = arith.constant 0 : i32
        %dma_start3A_69 = tpu.memref_slice %dma_start3A_66[%dma_start3A_67, %dma_start3A_68] : memref<10000x128xf32, #tpu.memory_space<hbm>> -> memref<520x128xf32, #tpu.memory_space<hbm>>
        %dma_start3A_70 = arith.constant 9480 : i32
        %dma_start3A_71 = arith.constant 0 : i32
        %dma_start3A_72 = tpu.memref_slice %arg10[%dma_start3A_70, %dma_start3A_71] : memref<10128x128xf32, #tpu.memory_space<vmem_shared>> -> memref<520x128xf32, #tpu.memory_space<vmem_shared>>
        tpu.enqueue_dma source(%dma_start3A_72 : memref<520x128xf32, #tpu.memory_space<vmem_shared>>) target(%dma_start3A_69 : memref<520x128xf32, #tpu.memory_space<hbm>>) target_semaphore(%run_scoped3A_63 : memref<!tpu.dma_semaphore, #tpu.memory_space<semaphore_mem>>)
        %dma_wait3A = arith.constant 0 : i32
        %dma_wait3A_73 = arith.constant 0 : i32
        %dma_wait3A_74 = tpu.memref_slice %arg6[%arg0, %run_scoped3A, %dma_wait3A, %dma_wait3A_73] : memref<2x2x10000x128xf32, #tpu.memory_space<hbm>> -> memref<1x1x10000x128xf32, #tpu.memory_space<hbm>>
        %dma_wait3A_75 = tpu.memref_squeeze %dma_wait3A_74 : memref<1x1x10000x128xf32, #tpu.memory_space<hbm>> -> memref<10000x128xf32, #tpu.memory_space<hbm>>
        %dma_wait3A_76 = arith.constant 9480 : i32
        %dma_wait3A_77 = arith.constant 0 : i32
        %dma_wait3A_78 = tpu.memref_slice %dma_wait3A_75[%dma_wait3A_76, %dma_wait3A_77] : memref<10000x128xf32, #tpu.memory_space<hbm>> -> memref<520x128xf32, #tpu.memory_space<hbm>>
        %dma_wait3A_79 = arith.constant 9480 : i32
        %dma_wait3A_80 = arith.constant 0 : i32
        %dma_wait3A_81 = tpu.memref_slice %arg10[%dma_wait3A_79, %dma_wait3A_80] : memref<10128x128xf32, #tpu.memory_space<vmem_shared>> -> memref<520x128xf32, #tpu.memory_space<vmem_shared>>
        tpu.wait_dma2 semaphore(%run_scoped3A_63 : memref<!tpu.dma_semaphore, #tpu.memory_space<semaphore_mem>>) src(%dma_wait3A_81 : memref<520x128xf32, #tpu.memory_space<vmem_shared>>) dst(%dma_wait3A_78 : memref<520x128xf32, #tpu.memory_space<hbm>>)
        tpu.yield
      }) : () -> ()
    } else {
    }
    %lt3A_29 = arith.constant 15 : i32
    %lt3A_30 = arith.cmpi slt, %arg1, %lt3A_29 : i32
    %convert_element_type3A_31 = arith.extui %lt3A_30 : i1 to i32
    %cond3A_32 = arith.constant 0 : i32
    %cond3A_33 = arith.cmpi ne, %convert_element_type3A_31, %cond3A_32 : i32
    scf.if %cond3A_33 {
      %mul3A_63 = arith.constant 632 : i32
      %mul3A_64 = arith.muli %arg1, %mul3A_63 : i32
      %mul3A_65 = arith.constant 632 : i32
      %mul3A_66 = arith.muli %arg1, %mul3A_65 : i32
      "tpu.region"() ({
        %run_scoped3A = tpu.sem_alloc : memref<!tpu.dma_semaphore, #tpu.memory_space<semaphore_mem>>
        %dma_start3A = arith.constant 0 : i32
        %dma_start3A_67 = tpu.memref_slice %arg10[%mul3A_66, %dma_start3A] : memref<10128x128xf32, #tpu.memory_space<vmem_shared>> -> memref<632x128xf32, #tpu.memory_space<vmem_shared>>
        %dma_start3A_68 = arith.constant 0 : i32
        %dma_start3A_69 = tpu.memref_slice %arg5[%mul3A_64, %dma_start3A_68] : memref<10000x128xf32, #tpu.memory_space<hbm>> -> memref<632x128xf32, #tpu.memory_space<hbm>>
        tpu.enqueue_dma source(%dma_start3A_69 : memref<632x128xf32, #tpu.memory_space<hbm>>) target(%dma_start3A_67 : memref<632x128xf32, #tpu.memory_space<vmem_shared>>) target_semaphore(%run_scoped3A : memref<!tpu.dma_semaphore, #tpu.memory_space<semaphore_mem>>)
        %dma_wait3A = arith.constant 0 : i32
        %dma_wait3A_70 = tpu.memref_slice %arg10[%mul3A_66, %dma_wait3A] : memref<10128x128xf32, #tpu.memory_space<vmem_shared>> -> memref<632x128xf32, #tpu.memory_space<vmem_shared>>
        %dma_wait3A_71 = arith.constant 0 : i32
        %dma_wait3A_72 = tpu.memref_slice %arg5[%mul3A_64, %dma_wait3A_71] : memref<10000x128xf32, #tpu.memory_space<hbm>> -> memref<632x128xf32, #tpu.memory_space<hbm>>
        tpu.wait_dma2 semaphore(%run_scoped3A : memref<!tpu.dma_semaphore, #tpu.memory_space<semaphore_mem>>) src(%dma_wait3A_72 : memref<632x128xf32, #tpu.memory_space<hbm>>) dst(%dma_wait3A_70 : memref<632x128xf32, #tpu.memory_space<vmem_shared>>)
        tpu.yield
      }) : () -> ()
    } else {
    }
    %eq3A_34 = arith.constant 15 : i32
    %eq3A_35 = arith.cmpi eq, %arg1, %eq3A_34 : i32
    %convert_element_type3A_36 = arith.extui %eq3A_35 : i1 to i32
    %cond3A_37 = arith.constant 0 : i32
    %cond3A_38 = arith.cmpi ne, %convert_element_type3A_36, %cond3A_37 : i32
    scf.if %cond3A_38 {
      "tpu.region"() ({
        %run_scoped3A = tpu.sem_alloc : memref<!tpu.dma_semaphore, #tpu.memory_space<semaphore_mem>>
        %dma_start3A = arith.constant 9480 : i32
        %dma_start3A_63 = arith.constant 0 : i32
        %dma_start3A_64 = tpu.memref_slice %arg10[%dma_start3A, %dma_start3A_63] : memref<10128x128xf32, #tpu.memory_space<vmem_shared>> -> memref<520x128xf32, #tpu.memory_space<vmem_shared>>
        %dma_start3A_65 = arith.constant 9480 : i32
        %dma_start3A_66 = arith.constant 0 : i32
        %dma_start3A_67 = tpu.memref_slice %arg5[%dma_start3A_65, %dma_start3A_66] : memref<10000x128xf32, #tpu.memory_space<hbm>> -> memref<520x128xf32, #tpu.memory_space<hbm>>
        tpu.enqueue_dma source(%dma_start3A_67 : memref<520x128xf32, #tpu.memory_space<hbm>>) target(%dma_start3A_64 : memref<520x128xf32, #tpu.memory_space<vmem_shared>>) target_semaphore(%run_scoped3A : memref<!tpu.dma_semaphore, #tpu.memory_space<semaphore_mem>>)
        %dma_wait3A = arith.constant 9480 : i32
        %dma_wait3A_68 = arith.constant 0 : i32
        %dma_wait3A_69 = tpu.memref_slice %arg10[%dma_wait3A, %dma_wait3A_68] : memref<10128x128xf32, #tpu.memory_space<vmem_shared>> -> memref<520x128xf32, #tpu.memory_space<vmem_shared>>
        %dma_wait3A_70 = arith.constant 9480 : i32
        %dma_wait3A_71 = arith.constant 0 : i32
        %dma_wait3A_72 = tpu.memref_slice %arg5[%dma_wait3A_70, %dma_wait3A_71] : memref<10000x128xf32, #tpu.memory_space<hbm>> -> memref<520x128xf32, #tpu.memory_space<hbm>>
        tpu.wait_dma2 semaphore(%run_scoped3A : memref<!tpu.dma_semaphore, #tpu.memory_space<semaphore_mem>>) src(%dma_wait3A_72 : memref<520x128xf32, #tpu.memory_space<hbm>>) dst(%dma_wait3A_69 : memref<520x128xf32, #tpu.memory_space<vmem_shared>>)
        tpu.yield
      }) : () -> ()
    } else {
    }
    %barrier3A_39 = arith.constant 0 : index
    tpu.barrier barrier_id(%barrier3A_39)
    %scan3A_40 = arith.constant 0 : i32
    %scan3A_41 = arith.constant 0 : i32
    %scan3A_42 = arith.constant 80 : i32
    %scan3A_43 = arith.addi %scan3A_41, %scan3A_42 : i32
    %scan3A_44 = arith.constant 1 : i32
    scf.for %scan3A_63 = %scan3A_41 to %scan3A_43 step %scan3A_44  : i32 {
      %dma_start3A = arith.constant 0 : i32
      %dma_start3A_64 = tpu.memref_slice %arg8[%scan3A_63, %dma_start3A] : memref<80x128xi32, #tpu.memory_space<vmem>> -> memref<1x128xi32, #tpu.memory_space<vmem>>
      %dma_start3A_65 = tpu.memref_squeeze %dma_start3A_64 : memref<1x128xi32, #tpu.memory_space<vmem>> -> memref<128xi32, #tpu.memory_space<vmem>>
      %dma_start3A_66 = arith.constant 0 : i32
      %dma_start3A_67 = arith.constant 0 : i32
      %dma_start3A_68 = tpu.memref_slice %arg10[%dma_start3A_66, %dma_start3A_67] : memref<10128x128xf32, #tpu.memory_space<vmem_shared>> -> memref<10128x128xf32, #tpu.memory_space<vmem_shared>>
      tpu.enqueue_indirect_dma source(%arg9 : memref<128x128xf32, #tpu.memory_space<vmem>>) target(%dma_start3A_68 : memref<10128x128xf32, #tpu.memory_space<vmem_shared>>) offsets(%dma_start3A_65 : memref<128xi32, #tpu.memory_space<vmem>>) semaphore(%arg11 : memref<!tpu.dma_semaphore, #tpu.memory_space<semaphore_mem>>) {add = true}
    }
    %scan3A_45 = arith.constant 80 : i32
    %scan3A_46 = arith.constant 0 : i32
    %scan3A_47 = arith.constant 0 : i32
    %scan3A_48 = arith.constant 80 : i32
    %scan3A_49 = arith.addi %scan3A_47, %scan3A_48 : i32
    %scan3A_50 = arith.constant 1 : i32
    scf.for %scan3A_63 = %scan3A_47 to %scan3A_49 step %scan3A_50  : i32 {
      %dma_wait3A = arith.constant 0 : i32
      %dma_wait3A_64 = arith.constant 0 : i32
      %dma_wait3A_65 = tpu.memref_slice %arg8[%dma_wait3A, %dma_wait3A_64] : memref<80x128xi32, #tpu.memory_space<vmem>> -> memref<1x128xi32, #tpu.memory_space<vmem>>
      %dma_wait3A_66 = tpu.memref_squeeze %dma_wait3A_65 : memref<1x128xi32, #tpu.memory_space<vmem>> -> memref<128xi32, #tpu.memory_space<vmem>>
      %dma_wait3A_67 = arith.constant 0 : i32
      %dma_wait3A_68 = arith.constant 0 : i32
      %dma_wait3A_69 = tpu.memref_slice %arg10[%dma_wait3A_67, %dma_wait3A_68] : memref<10128x128xf32, #tpu.memory_space<vmem_shared>> -> memref<10128x128xf32, #tpu.memory_space<vmem_shared>>
      tpu.wait_indirect_dma semaphore(%arg11 : memref<!tpu.dma_semaphore, #tpu.memory_space<semaphore_mem>>) src(%arg9 : memref<128x128xf32, #tpu.memory_space<vmem>>) dst(%dma_wait3A_69 : memref<10128x128xf32, #tpu.memory_space<vmem_shared>>)
    }
    %scan3A_51 = arith.constant 80 : i32
    %barrier3A_52 = arith.constant 0 : index
    tpu.barrier barrier_id(%barrier3A_52)
    %lt3A_53 = arith.constant 15 : i32
    %lt3A_54 = arith.cmpi slt, %arg1, %lt3A_53 : i32
    %convert_element_type3A_55 = arith.extui %lt3A_54 : i1 to i32
    %cond3A_56 = arith.constant 0 : i32
    %cond3A_57 = arith.cmpi ne, %convert_element_type3A_55, %cond3A_56 : i32
    scf.if %cond3A_57 {
      %mul3A_63 = arith.constant 632 : i32
      %mul3A_64 = arith.muli %arg1, %mul3A_63 : i32
      %mul3A_65 = arith.constant 632 : i32
      %mul3A_66 = arith.muli %arg1, %mul3A_65 : i32
      %run_scoped3A = arith.constant 1 : i32
      "tpu.region"() ({
        %run_scoped3A_67 = tpu.sem_alloc : memref<!tpu.dma_semaphore, #tpu.memory_space<semaphore_mem>>
        %dma_start3A = arith.constant 0 : i32
        %dma_start3A_68 = arith.constant 0 : i32
        %dma_start3A_69 = tpu.memref_slice %arg6[%arg0, %run_scoped3A, %dma_start3A, %dma_start3A_68] : memref<2x2x10000x128xf32, #tpu.memory_space<hbm>> -> memref<1x1x10000x128xf32, #tpu.memory_space<hbm>>
        %dma_start3A_70 = tpu.memref_squeeze %dma_start3A_69 : memref<1x1x10000x128xf32, #tpu.memory_space<hbm>> -> memref<10000x128xf32, #tpu.memory_space<hbm>>
        %dma_start3A_71 = arith.constant 0 : i32
        %dma_start3A_72 = tpu.memref_slice %dma_start3A_70[%mul3A_66, %dma_start3A_71] : memref<10000x128xf32, #tpu.memory_space<hbm>> -> memref<632x128xf32, #tpu.memory_space<hbm>>
        %dma_start3A_73 = arith.constant 0 : i32
        %dma_start3A_74 = tpu.memref_slice %arg10[%mul3A_64, %dma_start3A_73] : memref<10128x128xf32, #tpu.memory_space<vmem_shared>> -> memref<632x128xf32, #tpu.memory_space<vmem_shared>>
        tpu.enqueue_dma source(%dma_start3A_74 : memref<632x128xf32, #tpu.memory_space<vmem_shared>>) target(%dma_start3A_72 : memref<632x128xf32, #tpu.memory_space<hbm>>) target_semaphore(%run_scoped3A_67 : memref<!tpu.dma_semaphore, #tpu.memory_space<semaphore_mem>>)
        %dma_wait3A = arith.constant 0 : i32
        %dma_wait3A_75 = arith.constant 0 : i32
        %dma_wait3A_76 = tpu.memref_slice %arg6[%arg0, %run_scoped3A, %dma_wait3A, %dma_wait3A_75] : memref<2x2x10000x128xf32, #tpu.memory_space<hbm>> -> memref<1x1x10000x128xf32, #tpu.memory_space<hbm>>
        %dma_wait3A_77 = tpu.memref_squeeze %dma_wait3A_76 : memref<1x1x10000x128xf32, #tpu.memory_space<hbm>> -> memref<10000x128xf32, #tpu.memory_space<hbm>>
        %dma_wait3A_78 = arith.constant 0 : i32
        %dma_wait3A_79 = tpu.memref_slice %dma_wait3A_77[%mul3A_66, %dma_wait3A_78] : memref<10000x128xf32, #tpu.memory_space<hbm>> -> memref<632x128xf32, #tpu.memory_space<hbm>>
        %dma_wait3A_80 = arith.constant 0 : i32
        %dma_wait3A_81 = tpu.memref_slice %arg10[%mul3A_64, %dma_wait3A_80] : memref<10128x128xf32, #tpu.memory_space<vmem_shared>> -> memref<632x128xf32, #tpu.memory_space<vmem_shared>>
        tpu.wait_dma2 semaphore(%run_scoped3A_67 : memref<!tpu.dma_semaphore, #tpu.memory_space<semaphore_mem>>) src(%dma_wait3A_81 : memref<632x128xf32, #tpu.memory_space<vmem_shared>>) dst(%dma_wait3A_79 : memref<632x128xf32, #tpu.memory_space<hbm>>)
        tpu.yield
      }) : () -> ()
    } else {
    }
    %eq3A_58 = arith.constant 15 : i32
    %eq3A_59 = arith.cmpi eq, %arg1, %eq3A_58 : i32
    %convert_element_type3A_60 = arith.extui %eq3A_59 : i1 to i32
    %cond3A_61 = arith.constant 0 : i32
    %cond3A_62 = arith.cmpi ne, %convert_element_type3A_60, %cond3A_61 : i32
    scf.if %cond3A_62 {
      %run_scoped3A = arith.constant 1 : i32
      "tpu.region"() ({
        %run_scoped3A_63 = tpu.sem_alloc : memref<!tpu.dma_semaphore, #tpu.memory_space<semaphore_mem>>
        %dma_start3A = arith.constant 0 : i32
        %dma_start3A_64 = arith.constant 0 : i32
        %dma_start3A_65 = tpu.memref_slice %arg6[%arg0, %run_scoped3A, %dma_start3A, %dma_start3A_64] : memref<2x2x10000x128xf32, #tpu.memory_space<hbm>> -> memref<1x1x10000x128xf32, #tpu.memory_space<hbm>>
        %dma_start3A_66 = tpu.memref_squeeze %dma_start3A_65 : memref<1x1x10000x128xf32, #tpu.memory_space<hbm>> -> memref<10000x128xf32, #tpu.memory_space<hbm>>
        %dma_start3A_67 = arith.constant 9480 : i32
        %dma_start3A_68 = arith.constant 0 : i32
        %dma_start3A_69 = tpu.memref_slice %dma_start3A_66[%dma_start3A_67, %dma_start3A_68] : memref<10000x128xf32, #tpu.memory_space<hbm>> -> memref<520x128xf32, #tpu.memory_space<hbm>>
        %dma_start3A_70 = arith.constant 9480 : i32
        %dma_start3A_71 = arith.constant 0 : i32
        %dma_start3A_72 = tpu.memref_slice %arg10[%dma_start3A_70, %dma_start3A_71] : memref<10128x128xf32, #tpu.memory_space<vmem_shared>> -> memref<520x128xf32, #tpu.memory_space<vmem_shared>>
        tpu.enqueue_dma source(%dma_start3A_72 : memref<520x128xf32, #tpu.memory_space<vmem_shared>>) target(%dma_start3A_69 : memref<520x128xf32, #tpu.memory_space<hbm>>) target_semaphore(%run_scoped3A_63 : memref<!tpu.dma_semaphore, #tpu.memory_space<semaphore_mem>>)
        %dma_wait3A = arith.constant 0 : i32
        %dma_wait3A_73 = arith.constant 0 : i32
        %dma_wait3A_74 = tpu.memref_slice %arg6[%arg0, %run_scoped3A, %dma_wait3A, %dma_wait3A_73] : memref<2x2x10000x128xf32, #tpu.memory_space<hbm>> -> memref<1x1x10000x128xf32, #tpu.memory_space<hbm>>
        %dma_wait3A_75 = tpu.memref_squeeze %dma_wait3A_74 : memref<1x1x10000x128xf32, #tpu.memory_space<hbm>> -> memref<10000x128xf32, #tpu.memory_space<hbm>>
        %dma_wait3A_76 = arith.constant 9480 : i32
        %dma_wait3A_77 = arith.constant 0 : i32
        %dma_wait3A_78 = tpu.memref_slice %dma_wait3A_75[%dma_wait3A_76, %dma_wait3A_77] : memref<10000x128xf32, #tpu.memory_space<hbm>> -> memref<520x128xf32, #tpu.memory_space<hbm>>
        %dma_wait3A_79 = arith.constant 9480 : i32
        %dma_wait3A_80 = arith.constant 0 : i32
        %dma_wait3A_81 = tpu.memref_slice %arg10[%dma_wait3A_79, %dma_wait3A_80] : memref<10128x128xf32, #tpu.memory_space<vmem_shared>> -> memref<520x128xf32, #tpu.memory_space<vmem_shared>>
        tpu.wait_dma2 semaphore(%run_scoped3A_63 : memref<!tpu.dma_semaphore, #tpu.memory_space<semaphore_mem>>) src(%dma_wait3A_81 : memref<520x128xf32, #tpu.memory_space<vmem_shared>>) dst(%dma_wait3A_78 : memref<520x128xf32, #tpu.memory_space<hbm>>)
        tpu.yield
      }) : () -> ()
    } else {
    }
    return
  }
}

#map = affine_map<(d0, d1) -> (0, 0)>
#map1 = affine_map<(d0, d1) -> (0, 0, 0)>
module attributes {stable_mosaic.version = 14 : i64} {
  func.func @body(%arg0: i32, %arg1: i32, %arg2: memref<10128x128xf32, #tpu.memory_space<hbm>>, %arg3: memref<32x80x128xi32, #tpu.memory_space<hbm>>, %arg4: memref<32x80x128xi32, #tpu.memory_space<hbm>>, %arg5: memref<10000x128xf32, #tpu.memory_space<hbm>>, %arg6: memref<2x10000x128xf32, #tpu.memory_space<hbm>>, %arg7: memref<40x128xi32, #tpu.memory_space<vmem>>, %arg8: memref<40x128xi32, #tpu.memory_space<vmem>>, %arg9: memref<2x128x128xf32, #tpu.memory_space<vmem>>, %arg10: memref<10128x128xf32, #tpu.memory_space<vmem_shared>>, %arg11: memref<!tpu.dma_semaphore, #tpu.memory_space<semaphore_mem>>, %arg12: memref<!tpu.dma_semaphore, #tpu.memory_space<semaphore_mem>>) attributes {dimension_semantics = [#tpu.dimension_semantics<core_parallel>, #tpu.dimension_semantics<subcore_parallel>], iteration_bounds = array<i64: 2, 16>, scalar_prefetch = 0 : i64, scratch_operands = 6 : i64, tpu.core_type = #tpu.core_type<sc_vector_subcore>, window_params = [{transform_indices = #map}, {transform_indices = #map1}, {transform_indices = #map1}, {transform_indices = #map}, {transform_indices = #map1}]} {
    %mul3A = arith.constant 16 : i32
    %mul3A_0 = arith.muli %arg0, %mul3A : i32
    %add3A = arith.addi %mul3A_0, %arg1 : i32
    %lt3A = arith.constant 15 : i32
    %lt3A_1 = arith.cmpi slt, %arg1, %lt3A : i32
    %convert_element_type3A = arith.extui %lt3A_1 : i1 to i32
    %cond3A = arith.constant 0 : i32
    %cond3A_2 = arith.cmpi ne, %convert_element_type3A, %cond3A : i32
    scf.if %cond3A_2 {
      %mul3A_75 = arith.constant 632 : i32
      %mul3A_76 = arith.muli %arg1, %mul3A_75 : i32
      %mul3A_77 = arith.constant 632 : i32
      %mul3A_78 = arith.muli %arg1, %mul3A_77 : i32
      "tpu.region"() ({
        %run_scoped3A = tpu.sem_alloc : memref<!tpu.dma_semaphore, #tpu.memory_space<semaphore_mem>>
        %dma_start3A_79 = arith.constant 0 : i32
        %dma_start3A_80 = tpu.memref_slice %arg10[%mul3A_78, %dma_start3A_79] : memref<10128x128xf32, #tpu.memory_space<vmem_shared>> -> memref<632x128xf32, #tpu.memory_space<vmem_shared>>
        %dma_start3A_81 = arith.constant 0 : i32
        %dma_start3A_82 = tpu.memref_slice %arg5[%mul3A_76, %dma_start3A_81] : memref<10000x128xf32, #tpu.memory_space<hbm>> -> memref<632x128xf32, #tpu.memory_space<hbm>>
        tpu.enqueue_dma source(%dma_start3A_82 : memref<632x128xf32, #tpu.memory_space<hbm>>) target(%dma_start3A_80 : memref<632x128xf32, #tpu.memory_space<vmem_shared>>) target_semaphore(%run_scoped3A : memref<!tpu.dma_semaphore, #tpu.memory_space<semaphore_mem>>)
        %dma_wait3A_83 = arith.constant 0 : i32
        %dma_wait3A_84 = tpu.memref_slice %arg10[%mul3A_78, %dma_wait3A_83] : memref<10128x128xf32, #tpu.memory_space<vmem_shared>> -> memref<632x128xf32, #tpu.memory_space<vmem_shared>>
        %dma_wait3A_85 = arith.constant 0 : i32
        %dma_wait3A_86 = tpu.memref_slice %arg5[%mul3A_76, %dma_wait3A_85] : memref<10000x128xf32, #tpu.memory_space<hbm>> -> memref<632x128xf32, #tpu.memory_space<hbm>>
        tpu.wait_dma2 semaphore(%run_scoped3A : memref<!tpu.dma_semaphore, #tpu.memory_space<semaphore_mem>>) src(%dma_wait3A_86 : memref<632x128xf32, #tpu.memory_space<hbm>>) dst(%dma_wait3A_84 : memref<632x128xf32, #tpu.memory_space<vmem_shared>>)
        tpu.yield
      }) : () -> ()
    } else {
    }
    %eq3A = arith.constant 15 : i32
    %eq3A_3 = arith.cmpi eq, %arg1, %eq3A : i32
    %convert_element_type3A_4 = arith.extui %eq3A_3 : i1 to i32
    %cond3A_5 = arith.constant 0 : i32
    %cond3A_6 = arith.cmpi ne, %convert_element_type3A_4, %cond3A_5 : i32
    scf.if %cond3A_6 {
      "tpu.region"() ({
        %run_scoped3A = tpu.sem_alloc : memref<!tpu.dma_semaphore, #tpu.memory_space<semaphore_mem>>
        %dma_start3A_75 = arith.constant 9480 : i32
        %dma_start3A_76 = arith.constant 0 : i32
        %dma_start3A_77 = tpu.memref_slice %arg10[%dma_start3A_75, %dma_start3A_76] : memref<10128x128xf32, #tpu.memory_space<vmem_shared>> -> memref<520x128xf32, #tpu.memory_space<vmem_shared>>
        %dma_start3A_78 = arith.constant 9480 : i32
        %dma_start3A_79 = arith.constant 0 : i32
        %dma_start3A_80 = tpu.memref_slice %arg5[%dma_start3A_78, %dma_start3A_79] : memref<10000x128xf32, #tpu.memory_space<hbm>> -> memref<520x128xf32, #tpu.memory_space<hbm>>
        tpu.enqueue_dma source(%dma_start3A_80 : memref<520x128xf32, #tpu.memory_space<hbm>>) target(%dma_start3A_77 : memref<520x128xf32, #tpu.memory_space<vmem_shared>>) target_semaphore(%run_scoped3A : memref<!tpu.dma_semaphore, #tpu.memory_space<semaphore_mem>>)
        %dma_wait3A_81 = arith.constant 9480 : i32
        %dma_wait3A_82 = arith.constant 0 : i32
        %dma_wait3A_83 = tpu.memref_slice %arg10[%dma_wait3A_81, %dma_wait3A_82] : memref<10128x128xf32, #tpu.memory_space<vmem_shared>> -> memref<520x128xf32, #tpu.memory_space<vmem_shared>>
        %dma_wait3A_84 = arith.constant 9480 : i32
        %dma_wait3A_85 = arith.constant 0 : i32
        %dma_wait3A_86 = tpu.memref_slice %arg5[%dma_wait3A_84, %dma_wait3A_85] : memref<10000x128xf32, #tpu.memory_space<hbm>> -> memref<520x128xf32, #tpu.memory_space<hbm>>
        tpu.wait_dma2 semaphore(%run_scoped3A : memref<!tpu.dma_semaphore, #tpu.memory_space<semaphore_mem>>) src(%dma_wait3A_86 : memref<520x128xf32, #tpu.memory_space<hbm>>) dst(%dma_wait3A_83 : memref<520x128xf32, #tpu.memory_space<vmem_shared>>)
        tpu.yield
      }) : () -> ()
    } else {
    }
    %barrier3A = arith.constant 0 : index
    tpu.barrier barrier_id(%barrier3A)
    "tpu.region"() ({
      %run_scoped3A = tpu.sem_alloc : memref<!tpu.dma_semaphore, #tpu.memory_space<semaphore_mem>>
      %dma_start3A_75 = arith.constant 0 : i32
      %dma_start3A_76 = arith.constant 0 : i32
      %dma_start3A_77 = tpu.memref_slice %arg3[%add3A, %dma_start3A_75, %dma_start3A_76] : memref<32x80x128xi32, #tpu.memory_space<hbm>> -> memref<1x80x128xi32, #tpu.memory_space<hbm>>
      %dma_start3A_78 = tpu.memref_squeeze %dma_start3A_77 : memref<1x80x128xi32, #tpu.memory_space<hbm>> -> memref<80x128xi32, #tpu.memory_space<hbm>>
      %dma_start3A_79 = arith.constant 0 : i32
      %dma_start3A_80 = arith.constant 0 : i32
      %dma_start3A_81 = tpu.memref_slice %dma_start3A_78[%dma_start3A_79, %dma_start3A_80] : memref<80x128xi32, #tpu.memory_space<hbm>> -> memref<40x128xi32, #tpu.memory_space<hbm>>
      %dma_start3A_82 = arith.constant 0 : i32
      %dma_start3A_83 = arith.constant 0 : i32
      %dma_start3A_84 = tpu.memref_slice %arg3[%add3A, %dma_start3A_82, %dma_start3A_83] : memref<32x80x128xi32, #tpu.memory_space<hbm>> -> memref<1x80x128xi32, #tpu.memory_space<hbm>>
      %dma_start3A_85 = tpu.memref_squeeze %dma_start3A_84 : memref<1x80x128xi32, #tpu.memory_space<hbm>> -> memref<80x128xi32, #tpu.memory_space<hbm>>
      %dma_start3A_86 = arith.constant 0 : i32
      %dma_start3A_87 = arith.constant 0 : i32
      %dma_start3A_88 = tpu.memref_slice %dma_start3A_85[%dma_start3A_86, %dma_start3A_87] : memref<80x128xi32, #tpu.memory_space<hbm>> -> memref<40x128xi32, #tpu.memory_space<hbm>>
      tpu.enqueue_dma source(%dma_start3A_88 : memref<40x128xi32, #tpu.memory_space<hbm>>) target(%arg7 : memref<40x128xi32, #tpu.memory_space<vmem>>) target_semaphore(%run_scoped3A : memref<!tpu.dma_semaphore, #tpu.memory_space<semaphore_mem>>)
      %dma_wait3A_89 = arith.constant 0 : i32
      %dma_wait3A_90 = arith.constant 0 : i32
      %dma_wait3A_91 = tpu.memref_slice %arg3[%add3A, %dma_wait3A_89, %dma_wait3A_90] : memref<32x80x128xi32, #tpu.memory_space<hbm>> -> memref<1x80x128xi32, #tpu.memory_space<hbm>>
      %dma_wait3A_92 = tpu.memref_squeeze %dma_wait3A_91 : memref<1x80x128xi32, #tpu.memory_space<hbm>> -> memref<80x128xi32, #tpu.memory_space<hbm>>
      %dma_wait3A_93 = arith.constant 0 : i32
      %dma_wait3A_94 = arith.constant 0 : i32
      %dma_wait3A_95 = tpu.memref_slice %dma_wait3A_92[%dma_wait3A_93, %dma_wait3A_94] : memref<80x128xi32, #tpu.memory_space<hbm>> -> memref<40x128xi32, #tpu.memory_space<hbm>>
      %dma_wait3A_96 = arith.constant 0 : i32
      %dma_wait3A_97 = arith.constant 0 : i32
      %dma_wait3A_98 = tpu.memref_slice %arg3[%add3A, %dma_wait3A_96, %dma_wait3A_97] : memref<32x80x128xi32, #tpu.memory_space<hbm>> -> memref<1x80x128xi32, #tpu.memory_space<hbm>>
      %dma_wait3A_99 = tpu.memref_squeeze %dma_wait3A_98 : memref<1x80x128xi32, #tpu.memory_space<hbm>> -> memref<80x128xi32, #tpu.memory_space<hbm>>
      %dma_wait3A_100 = arith.constant 0 : i32
      %dma_wait3A_101 = arith.constant 0 : i32
      %dma_wait3A_102 = tpu.memref_slice %dma_wait3A_99[%dma_wait3A_100, %dma_wait3A_101] : memref<80x128xi32, #tpu.memory_space<hbm>> -> memref<40x128xi32, #tpu.memory_space<hbm>>
      tpu.wait_dma2 semaphore(%run_scoped3A : memref<!tpu.dma_semaphore, #tpu.memory_space<semaphore_mem>>) src(%dma_wait3A_102 : memref<40x128xi32, #tpu.memory_space<hbm>>) dst(%arg7 : memref<40x128xi32, #tpu.memory_space<vmem>>)
      tpu.yield
    }) : () -> ()
    "tpu.region"() ({
      %run_scoped3A = tpu.sem_alloc : memref<!tpu.dma_semaphore, #tpu.memory_space<semaphore_mem>>
      %dma_start3A_75 = arith.constant 0 : i32
      %dma_start3A_76 = arith.constant 0 : i32
      %dma_start3A_77 = tpu.memref_slice %arg4[%add3A, %dma_start3A_75, %dma_start3A_76] : memref<32x80x128xi32, #tpu.memory_space<hbm>> -> memref<1x80x128xi32, #tpu.memory_space<hbm>>
      %dma_start3A_78 = tpu.memref_squeeze %dma_start3A_77 : memref<1x80x128xi32, #tpu.memory_space<hbm>> -> memref<80x128xi32, #tpu.memory_space<hbm>>
      %dma_start3A_79 = arith.constant 0 : i32
      %dma_start3A_80 = arith.constant 0 : i32
      %dma_start3A_81 = tpu.memref_slice %dma_start3A_78[%dma_start3A_79, %dma_start3A_80] : memref<80x128xi32, #tpu.memory_space<hbm>> -> memref<40x128xi32, #tpu.memory_space<hbm>>
      %dma_start3A_82 = arith.constant 0 : i32
      %dma_start3A_83 = arith.constant 0 : i32
      %dma_start3A_84 = tpu.memref_slice %arg4[%add3A, %dma_start3A_82, %dma_start3A_83] : memref<32x80x128xi32, #tpu.memory_space<hbm>> -> memref<1x80x128xi32, #tpu.memory_space<hbm>>
      %dma_start3A_85 = tpu.memref_squeeze %dma_start3A_84 : memref<1x80x128xi32, #tpu.memory_space<hbm>> -> memref<80x128xi32, #tpu.memory_space<hbm>>
      %dma_start3A_86 = arith.constant 0 : i32
      %dma_start3A_87 = arith.constant 0 : i32
      %dma_start3A_88 = tpu.memref_slice %dma_start3A_85[%dma_start3A_86, %dma_start3A_87] : memref<80x128xi32, #tpu.memory_space<hbm>> -> memref<40x128xi32, #tpu.memory_space<hbm>>
      tpu.enqueue_dma source(%dma_start3A_88 : memref<40x128xi32, #tpu.memory_space<hbm>>) target(%arg8 : memref<40x128xi32, #tpu.memory_space<vmem>>) target_semaphore(%run_scoped3A : memref<!tpu.dma_semaphore, #tpu.memory_space<semaphore_mem>>)
      %dma_wait3A_89 = arith.constant 0 : i32
      %dma_wait3A_90 = arith.constant 0 : i32
      %dma_wait3A_91 = tpu.memref_slice %arg4[%add3A, %dma_wait3A_89, %dma_wait3A_90] : memref<32x80x128xi32, #tpu.memory_space<hbm>> -> memref<1x80x128xi32, #tpu.memory_space<hbm>>
      %dma_wait3A_92 = tpu.memref_squeeze %dma_wait3A_91 : memref<1x80x128xi32, #tpu.memory_space<hbm>> -> memref<80x128xi32, #tpu.memory_space<hbm>>
      %dma_wait3A_93 = arith.constant 0 : i32
      %dma_wait3A_94 = arith.constant 0 : i32
      %dma_wait3A_95 = tpu.memref_slice %dma_wait3A_92[%dma_wait3A_93, %dma_wait3A_94] : memref<80x128xi32, #tpu.memory_space<hbm>> -> memref<40x128xi32, #tpu.memory_space<hbm>>
      %dma_wait3A_96 = arith.constant 0 : i32
      %dma_wait3A_97 = arith.constant 0 : i32
      %dma_wait3A_98 = tpu.memref_slice %arg4[%add3A, %dma_wait3A_96, %dma_wait3A_97] : memref<32x80x128xi32, #tpu.memory_space<hbm>> -> memref<1x80x128xi32, #tpu.memory_space<hbm>>
      %dma_wait3A_99 = tpu.memref_squeeze %dma_wait3A_98 : memref<1x80x128xi32, #tpu.memory_space<hbm>> -> memref<80x128xi32, #tpu.memory_space<hbm>>
      %dma_wait3A_100 = arith.constant 0 : i32
      %dma_wait3A_101 = arith.constant 0 : i32
      %dma_wait3A_102 = tpu.memref_slice %dma_wait3A_99[%dma_wait3A_100, %dma_wait3A_101] : memref<80x128xi32, #tpu.memory_space<hbm>> -> memref<40x128xi32, #tpu.memory_space<hbm>>
      tpu.wait_dma2 semaphore(%run_scoped3A : memref<!tpu.dma_semaphore, #tpu.memory_space<semaphore_mem>>) src(%dma_wait3A_102 : memref<40x128xi32, #tpu.memory_space<hbm>>) dst(%arg8 : memref<40x128xi32, #tpu.memory_space<vmem>>)
      tpu.yield
    }) : () -> ()
    %dma_start3A = arith.constant 0 : i32
    %dma_start3A_7 = arith.constant 0 : i32
    %dma_start3A_8 = arith.constant 0 : i32
    %dma_start3A_9 = arith.constant 0 : i32
    %dma_start3A_10 = tpu.memref_slice %arg9[%dma_start3A_7, %dma_start3A_8, %dma_start3A_9] : memref<2x128x128xf32, #tpu.memory_space<vmem>> -> memref<1x128x128xf32, #tpu.memory_space<vmem>>
    %dma_start3A_11 = tpu.memref_squeeze %dma_start3A_10 : memref<1x128x128xf32, #tpu.memory_space<vmem>> -> memref<128x128xf32, #tpu.memory_space<vmem>>
    %dma_start3A_12 = arith.constant 0 : i32
    %dma_start3A_13 = tpu.memref_slice %arg7[%dma_start3A, %dma_start3A_12] : memref<40x128xi32, #tpu.memory_space<vmem>> -> memref<1x128xi32, #tpu.memory_space<vmem>>
    %dma_start3A_14 = tpu.memref_squeeze %dma_start3A_13 : memref<1x128xi32, #tpu.memory_space<vmem>> -> memref<128xi32, #tpu.memory_space<vmem>>
    %dma_start3A_15 = arith.constant 0 : i32
    %dma_start3A_16 = arith.constant 0 : i32
    %dma_start3A_17 = tpu.memref_slice %arg2[%dma_start3A_15, %dma_start3A_16] : memref<10128x128xf32, #tpu.memory_space<hbm>> -> memref<10128x128xf32, #tpu.memory_space<hbm>>
    tpu.enqueue_indirect_dma source(%dma_start3A_17 : memref<10128x128xf32, #tpu.memory_space<hbm>>) target(%dma_start3A_11 : memref<128x128xf32, #tpu.memory_space<vmem>>) offsets(%dma_start3A_14 : memref<128xi32, #tpu.memory_space<vmem>>) semaphore(%arg11 : memref<!tpu.dma_semaphore, #tpu.memory_space<semaphore_mem>>)
    %scan3A = arith.constant 0 : i32
    %scan3A_18 = arith.constant 0 : i32
    %scan3A_19 = arith.constant 40 : i32
    %scan3A_20 = arith.addi %scan3A_18, %scan3A_19 : i32
    %scan3A_21 = arith.constant 1 : i32
    scf.for %scan3A_75 = %scan3A_18 to %scan3A_20 step %scan3A_21  : i32 {
      %rem3A = arith.constant 2 : i32
      %rem3A_76 = arith.remsi %scan3A_75, %rem3A : i32
      %dma_wait3A_77 = arith.constant 0 : i32
      %dma_wait3A_78 = arith.constant 0 : i32
      %dma_wait3A_79 = arith.constant 0 : i32
      %dma_wait3A_80 = tpu.memref_slice %arg9[%rem3A_76, %dma_wait3A_78, %dma_wait3A_79] : memref<2x128x128xf32, #tpu.memory_space<vmem>> -> memref<1x128x128xf32, #tpu.memory_space<vmem>>
      %dma_wait3A_81 = tpu.memref_squeeze %dma_wait3A_80 : memref<1x128x128xf32, #tpu.memory_space<vmem>> -> memref<128x128xf32, #tpu.memory_space<vmem>>
      %dma_wait3A_82 = arith.constant 0 : i32
      %dma_wait3A_83 = tpu.memref_slice %arg7[%dma_wait3A_77, %dma_wait3A_82] : memref<40x128xi32, #tpu.memory_space<vmem>> -> memref<1x128xi32, #tpu.memory_space<vmem>>
      %dma_wait3A_84 = tpu.memref_squeeze %dma_wait3A_83 : memref<1x128xi32, #tpu.memory_space<vmem>> -> memref<128xi32, #tpu.memory_space<vmem>>
      %dma_wait3A_85 = arith.constant 0 : i32
      %dma_wait3A_86 = arith.constant 0 : i32
      %dma_wait3A_87 = tpu.memref_slice %arg2[%dma_wait3A_85, %dma_wait3A_86] : memref<10128x128xf32, #tpu.memory_space<hbm>> -> memref<10128x128xf32, #tpu.memory_space<hbm>>
      tpu.wait_indirect_dma semaphore(%arg11 : memref<!tpu.dma_semaphore, #tpu.memory_space<semaphore_mem>>) src(%dma_wait3A_87 : memref<10128x128xf32, #tpu.memory_space<hbm>>) dst(%dma_wait3A_81 : memref<128x128xf32, #tpu.memory_space<vmem>>)
      %ge3A = arith.constant 1 : i32
      %ge3A_88 = arith.cmpi sge, %scan3A_75, %ge3A : i32
      %convert_element_type3A_89 = arith.extui %ge3A_88 : i1 to i32
      %cond3A_90 = arith.constant 0 : i32
      %cond3A_91 = arith.cmpi ne, %convert_element_type3A_89, %cond3A_90 : i32
      scf.if %cond3A_91 {
        %dma_wait3A_109 = arith.constant 0 : i32
        %dma_wait3A_110 = arith.constant 0 : i32
        %dma_wait3A_111 = arith.constant 0 : i32
        %dma_wait3A_112 = arith.constant 0 : i32
        %dma_wait3A_113 = tpu.memref_slice %arg9[%dma_wait3A_109, %dma_wait3A_111, %dma_wait3A_112] : memref<2x128x128xf32, #tpu.memory_space<vmem>> -> memref<1x128x128xf32, #tpu.memory_space<vmem>>
        %dma_wait3A_114 = tpu.memref_squeeze %dma_wait3A_113 : memref<1x128x128xf32, #tpu.memory_space<vmem>> -> memref<128x128xf32, #tpu.memory_space<vmem>>
        %dma_wait3A_115 = arith.constant 0 : i32
        %dma_wait3A_116 = tpu.memref_slice %arg8[%dma_wait3A_110, %dma_wait3A_115] : memref<40x128xi32, #tpu.memory_space<vmem>> -> memref<1x128xi32, #tpu.memory_space<vmem>>
        %dma_wait3A_117 = tpu.memref_squeeze %dma_wait3A_116 : memref<1x128xi32, #tpu.memory_space<vmem>> -> memref<128xi32, #tpu.memory_space<vmem>>
        %dma_wait3A_118 = arith.constant 0 : i32
        %dma_wait3A_119 = arith.constant 0 : i32
        %dma_wait3A_120 = tpu.memref_slice %arg10[%dma_wait3A_118, %dma_wait3A_119] : memref<10128x128xf32, #tpu.memory_space<vmem_shared>> -> memref<10128x128xf32, #tpu.memory_space<vmem_shared>>
        tpu.wait_indirect_dma semaphore(%arg12 : memref<!tpu.dma_semaphore, #tpu.memory_space<semaphore_mem>>) src(%dma_wait3A_114 : memref<128x128xf32, #tpu.memory_space<vmem>>) dst(%dma_wait3A_120 : memref<10128x128xf32, #tpu.memory_space<vmem_shared>>)
      } else {
      }
      %add3A_92 = arith.constant 1 : i32
      %add3A_93 = arith.addi %scan3A_75, %add3A_92 : i32
      %lt3A_94 = arith.constant 40 : i32
      %lt3A_95 = arith.cmpi slt, %add3A_93, %lt3A_94 : i32
      %convert_element_type3A_96 = arith.extui %lt3A_95 : i1 to i32
      %cond3A_97 = arith.constant 0 : i32
      %cond3A_98 = arith.cmpi ne, %convert_element_type3A_96, %cond3A_97 : i32
      scf.if %cond3A_98 {
        %add3A_109 = arith.constant 1 : i32
        %add3A_110 = arith.addi %scan3A_75, %add3A_109 : i32
        %sub3A = arith.constant 1 : i32
        %sub3A_111 = arith.subi %sub3A, %rem3A_76 : i32
        %dma_start3A_112 = arith.constant 0 : i32
        %dma_start3A_113 = arith.constant 0 : i32
        %dma_start3A_114 = tpu.memref_slice %arg9[%sub3A_111, %dma_start3A_112, %dma_start3A_113] : memref<2x128x128xf32, #tpu.memory_space<vmem>> -> memref<1x128x128xf32, #tpu.memory_space<vmem>>
        %dma_start3A_115 = tpu.memref_squeeze %dma_start3A_114 : memref<1x128x128xf32, #tpu.memory_space<vmem>> -> memref<128x128xf32, #tpu.memory_space<vmem>>
        %dma_start3A_116 = arith.constant 0 : i32
        %dma_start3A_117 = tpu.memref_slice %arg7[%add3A_110, %dma_start3A_116] : memref<40x128xi32, #tpu.memory_space<vmem>> -> memref<1x128xi32, #tpu.memory_space<vmem>>
        %dma_start3A_118 = tpu.memref_squeeze %dma_start3A_117 : memref<1x128xi32, #tpu.memory_space<vmem>> -> memref<128xi32, #tpu.memory_space<vmem>>
        %dma_start3A_119 = arith.constant 0 : i32
        %dma_start3A_120 = arith.constant 0 : i32
        %dma_start3A_121 = tpu.memref_slice %arg2[%dma_start3A_119, %dma_start3A_120] : memref<10128x128xf32, #tpu.memory_space<hbm>> -> memref<10128x128xf32, #tpu.memory_space<hbm>>
        tpu.enqueue_indirect_dma source(%dma_start3A_121 : memref<10128x128xf32, #tpu.memory_space<hbm>>) target(%dma_start3A_115 : memref<128x128xf32, #tpu.memory_space<vmem>>) offsets(%dma_start3A_118 : memref<128xi32, #tpu.memory_space<vmem>>) semaphore(%arg11 : memref<!tpu.dma_semaphore, #tpu.memory_space<semaphore_mem>>)
      } else {
      }
      %dma_start3A_99 = arith.constant 0 : i32
      %dma_start3A_100 = arith.constant 0 : i32
      %dma_start3A_101 = tpu.memref_slice %arg9[%rem3A_76, %dma_start3A_99, %dma_start3A_100] : memref<2x128x128xf32, #tpu.memory_space<vmem>> -> memref<1x128x128xf32, #tpu.memory_space<vmem>>
      %dma_start3A_102 = tpu.memref_squeeze %dma_start3A_101 : memref<1x128x128xf32, #tpu.memory_space<vmem>> -> memref<128x128xf32, #tpu.memory_space<vmem>>
      %dma_start3A_103 = arith.constant 0 : i32
      %dma_start3A_104 = tpu.memref_slice %arg8[%scan3A_75, %dma_start3A_103] : memref<40x128xi32, #tpu.memory_space<vmem>> -> memref<1x128xi32, #tpu.memory_space<vmem>>
      %dma_start3A_105 = tpu.memref_squeeze %dma_start3A_104 : memref<1x128xi32, #tpu.memory_space<vmem>> -> memref<128xi32, #tpu.memory_space<vmem>>
      %dma_start3A_106 = arith.constant 0 : i32
      %dma_start3A_107 = arith.constant 0 : i32
      %dma_start3A_108 = tpu.memref_slice %arg10[%dma_start3A_106, %dma_start3A_107] : memref<10128x128xf32, #tpu.memory_space<vmem_shared>> -> memref<10128x128xf32, #tpu.memory_space<vmem_shared>>
      tpu.enqueue_indirect_dma source(%dma_start3A_102 : memref<128x128xf32, #tpu.memory_space<vmem>>) target(%dma_start3A_108 : memref<10128x128xf32, #tpu.memory_space<vmem_shared>>) offsets(%dma_start3A_105 : memref<128xi32, #tpu.memory_space<vmem>>) semaphore(%arg12 : memref<!tpu.dma_semaphore, #tpu.memory_space<semaphore_mem>>) {add = true}
    }
    %scan3A_22 = arith.constant 40 : i32
    %dma_wait3A = arith.constant 0 : i32
    %dma_wait3A_23 = arith.constant 0 : i32
    %dma_wait3A_24 = arith.constant 0 : i32
    %dma_wait3A_25 = arith.constant 0 : i32
    %dma_wait3A_26 = tpu.memref_slice %arg9[%dma_wait3A, %dma_wait3A_24, %dma_wait3A_25] : memref<2x128x128xf32, #tpu.memory_space<vmem>> -> memref<1x128x128xf32, #tpu.memory_space<vmem>>
    %dma_wait3A_27 = tpu.memref_squeeze %dma_wait3A_26 : memref<1x128x128xf32, #tpu.memory_space<vmem>> -> memref<128x128xf32, #tpu.memory_space<vmem>>
    %dma_wait3A_28 = arith.constant 0 : i32
    %dma_wait3A_29 = tpu.memref_slice %arg8[%dma_wait3A_23, %dma_wait3A_28] : memref<40x128xi32, #tpu.memory_space<vmem>> -> memref<1x128xi32, #tpu.memory_space<vmem>>
    %dma_wait3A_30 = tpu.memref_squeeze %dma_wait3A_29 : memref<1x128xi32, #tpu.memory_space<vmem>> -> memref<128xi32, #tpu.memory_space<vmem>>
    %dma_wait3A_31 = arith.constant 0 : i32
    %dma_wait3A_32 = arith.constant 0 : i32
    %dma_wait3A_33 = tpu.memref_slice %arg10[%dma_wait3A_31, %dma_wait3A_32] : memref<10128x128xf32, #tpu.memory_space<vmem_shared>> -> memref<10128x128xf32, #tpu.memory_space<vmem_shared>>
    tpu.wait_indirect_dma semaphore(%arg12 : memref<!tpu.dma_semaphore, #tpu.memory_space<semaphore_mem>>) src(%dma_wait3A_27 : memref<128x128xf32, #tpu.memory_space<vmem>>) dst(%dma_wait3A_33 : memref<10128x128xf32, #tpu.memory_space<vmem_shared>>)
    "tpu.region"() ({
      %run_scoped3A = tpu.sem_alloc : memref<!tpu.dma_semaphore, #tpu.memory_space<semaphore_mem>>
      %dma_start3A_75 = arith.constant 0 : i32
      %dma_start3A_76 = arith.constant 0 : i32
      %dma_start3A_77 = tpu.memref_slice %arg3[%add3A, %dma_start3A_75, %dma_start3A_76] : memref<32x80x128xi32, #tpu.memory_space<hbm>> -> memref<1x80x128xi32, #tpu.memory_space<hbm>>
      %dma_start3A_78 = tpu.memref_squeeze %dma_start3A_77 : memref<1x80x128xi32, #tpu.memory_space<hbm>> -> memref<80x128xi32, #tpu.memory_space<hbm>>
      %dma_start3A_79 = arith.constant 40 : i32
      %dma_start3A_80 = arith.constant 0 : i32
      %dma_start3A_81 = tpu.memref_slice %dma_start3A_78[%dma_start3A_79, %dma_start3A_80] : memref<80x128xi32, #tpu.memory_space<hbm>> -> memref<40x128xi32, #tpu.memory_space<hbm>>
      %dma_start3A_82 = arith.constant 0 : i32
      %dma_start3A_83 = arith.constant 0 : i32
      %dma_start3A_84 = tpu.memref_slice %arg3[%add3A, %dma_start3A_82, %dma_start3A_83] : memref<32x80x128xi32, #tpu.memory_space<hbm>> -> memref<1x80x128xi32, #tpu.memory_space<hbm>>
      %dma_start3A_85 = tpu.memref_squeeze %dma_start3A_84 : memref<1x80x128xi32, #tpu.memory_space<hbm>> -> memref<80x128xi32, #tpu.memory_space<hbm>>
      %dma_start3A_86 = arith.constant 40 : i32
      %dma_start3A_87 = arith.constant 0 : i32
      %dma_start3A_88 = tpu.memref_slice %dma_start3A_85[%dma_start3A_86, %dma_start3A_87] : memref<80x128xi32, #tpu.memory_space<hbm>> -> memref<40x128xi32, #tpu.memory_space<hbm>>
      tpu.enqueue_dma source(%dma_start3A_88 : memref<40x128xi32, #tpu.memory_space<hbm>>) target(%arg7 : memref<40x128xi32, #tpu.memory_space<vmem>>) target_semaphore(%run_scoped3A : memref<!tpu.dma_semaphore, #tpu.memory_space<semaphore_mem>>)
      %dma_wait3A_89 = arith.constant 0 : i32
      %dma_wait3A_90 = arith.constant 0 : i32
      %dma_wait3A_91 = tpu.memref_slice %arg3[%add3A, %dma_wait3A_89, %dma_wait3A_90] : memref<32x80x128xi32, #tpu.memory_space<hbm>> -> memref<1x80x128xi32, #tpu.memory_space<hbm>>
      %dma_wait3A_92 = tpu.memref_squeeze %dma_wait3A_91 : memref<1x80x128xi32, #tpu.memory_space<hbm>> -> memref<80x128xi32, #tpu.memory_space<hbm>>
      %dma_wait3A_93 = arith.constant 40 : i32
      %dma_wait3A_94 = arith.constant 0 : i32
      %dma_wait3A_95 = tpu.memref_slice %dma_wait3A_92[%dma_wait3A_93, %dma_wait3A_94] : memref<80x128xi32, #tpu.memory_space<hbm>> -> memref<40x128xi32, #tpu.memory_space<hbm>>
      %dma_wait3A_96 = arith.constant 0 : i32
      %dma_wait3A_97 = arith.constant 0 : i32
      %dma_wait3A_98 = tpu.memref_slice %arg3[%add3A, %dma_wait3A_96, %dma_wait3A_97] : memref<32x80x128xi32, #tpu.memory_space<hbm>> -> memref<1x80x128xi32, #tpu.memory_space<hbm>>
      %dma_wait3A_99 = tpu.memref_squeeze %dma_wait3A_98 : memref<1x80x128xi32, #tpu.memory_space<hbm>> -> memref<80x128xi32, #tpu.memory_space<hbm>>
      %dma_wait3A_100 = arith.constant 40 : i32
      %dma_wait3A_101 = arith.constant 0 : i32
      %dma_wait3A_102 = tpu.memref_slice %dma_wait3A_99[%dma_wait3A_100, %dma_wait3A_101] : memref<80x128xi32, #tpu.memory_space<hbm>> -> memref<40x128xi32, #tpu.memory_space<hbm>>
      tpu.wait_dma2 semaphore(%run_scoped3A : memref<!tpu.dma_semaphore, #tpu.memory_space<semaphore_mem>>) src(%dma_wait3A_102 : memref<40x128xi32, #tpu.memory_space<hbm>>) dst(%arg7 : memref<40x128xi32, #tpu.memory_space<vmem>>)
      tpu.yield
    }) : () -> ()
    "tpu.region"() ({
      %run_scoped3A = tpu.sem_alloc : memref<!tpu.dma_semaphore, #tpu.memory_space<semaphore_mem>>
      %dma_start3A_75 = arith.constant 0 : i32
      %dma_start3A_76 = arith.constant 0 : i32
      %dma_start3A_77 = tpu.memref_slice %arg4[%add3A, %dma_start3A_75, %dma_start3A_76] : memref<32x80x128xi32, #tpu.memory_space<hbm>> -> memref<1x80x128xi32, #tpu.memory_space<hbm>>
      %dma_start3A_78 = tpu.memref_squeeze %dma_start3A_77 : memref<1x80x128xi32, #tpu.memory_space<hbm>> -> memref<80x128xi32, #tpu.memory_space<hbm>>
      %dma_start3A_79 = arith.constant 40 : i32
      %dma_start3A_80 = arith.constant 0 : i32
      %dma_start3A_81 = tpu.memref_slice %dma_start3A_78[%dma_start3A_79, %dma_start3A_80] : memref<80x128xi32, #tpu.memory_space<hbm>> -> memref<40x128xi32, #tpu.memory_space<hbm>>
      %dma_start3A_82 = arith.constant 0 : i32
      %dma_start3A_83 = arith.constant 0 : i32
      %dma_start3A_84 = tpu.memref_slice %arg4[%add3A, %dma_start3A_82, %dma_start3A_83] : memref<32x80x128xi32, #tpu.memory_space<hbm>> -> memref<1x80x128xi32, #tpu.memory_space<hbm>>
      %dma_start3A_85 = tpu.memref_squeeze %dma_start3A_84 : memref<1x80x128xi32, #tpu.memory_space<hbm>> -> memref<80x128xi32, #tpu.memory_space<hbm>>
      %dma_start3A_86 = arith.constant 40 : i32
      %dma_start3A_87 = arith.constant 0 : i32
      %dma_start3A_88 = tpu.memref_slice %dma_start3A_85[%dma_start3A_86, %dma_start3A_87] : memref<80x128xi32, #tpu.memory_space<hbm>> -> memref<40x128xi32, #tpu.memory_space<hbm>>
      tpu.enqueue_dma source(%dma_start3A_88 : memref<40x128xi32, #tpu.memory_space<hbm>>) target(%arg8 : memref<40x128xi32, #tpu.memory_space<vmem>>) target_semaphore(%run_scoped3A : memref<!tpu.dma_semaphore, #tpu.memory_space<semaphore_mem>>)
      %dma_wait3A_89 = arith.constant 0 : i32
      %dma_wait3A_90 = arith.constant 0 : i32
      %dma_wait3A_91 = tpu.memref_slice %arg4[%add3A, %dma_wait3A_89, %dma_wait3A_90] : memref<32x80x128xi32, #tpu.memory_space<hbm>> -> memref<1x80x128xi32, #tpu.memory_space<hbm>>
      %dma_wait3A_92 = tpu.memref_squeeze %dma_wait3A_91 : memref<1x80x128xi32, #tpu.memory_space<hbm>> -> memref<80x128xi32, #tpu.memory_space<hbm>>
      %dma_wait3A_93 = arith.constant 40 : i32
      %dma_wait3A_94 = arith.constant 0 : i32
      %dma_wait3A_95 = tpu.memref_slice %dma_wait3A_92[%dma_wait3A_93, %dma_wait3A_94] : memref<80x128xi32, #tpu.memory_space<hbm>> -> memref<40x128xi32, #tpu.memory_space<hbm>>
      %dma_wait3A_96 = arith.constant 0 : i32
      %dma_wait3A_97 = arith.constant 0 : i32
      %dma_wait3A_98 = tpu.memref_slice %arg4[%add3A, %dma_wait3A_96, %dma_wait3A_97] : memref<32x80x128xi32, #tpu.memory_space<hbm>> -> memref<1x80x128xi32, #tpu.memory_space<hbm>>
      %dma_wait3A_99 = tpu.memref_squeeze %dma_wait3A_98 : memref<1x80x128xi32, #tpu.memory_space<hbm>> -> memref<80x128xi32, #tpu.memory_space<hbm>>
      %dma_wait3A_100 = arith.constant 40 : i32
      %dma_wait3A_101 = arith.constant 0 : i32
      %dma_wait3A_102 = tpu.memref_slice %dma_wait3A_99[%dma_wait3A_100, %dma_wait3A_101] : memref<80x128xi32, #tpu.memory_space<hbm>> -> memref<40x128xi32, #tpu.memory_space<hbm>>
      tpu.wait_dma2 semaphore(%run_scoped3A : memref<!tpu.dma_semaphore, #tpu.memory_space<semaphore_mem>>) src(%dma_wait3A_102 : memref<40x128xi32, #tpu.memory_space<hbm>>) dst(%arg8 : memref<40x128xi32, #tpu.memory_space<vmem>>)
      tpu.yield
    }) : () -> ()
    %dma_start3A_34 = arith.constant 0 : i32
    %dma_start3A_35 = arith.constant 0 : i32
    %dma_start3A_36 = arith.constant 0 : i32
    %dma_start3A_37 = arith.constant 0 : i32
    %dma_start3A_38 = tpu.memref_slice %arg9[%dma_start3A_35, %dma_start3A_36, %dma_start3A_37] : memref<2x128x128xf32, #tpu.memory_space<vmem>> -> memref<1x128x128xf32, #tpu.memory_space<vmem>>
    %dma_start3A_39 = tpu.memref_squeeze %dma_start3A_38 : memref<1x128x128xf32, #tpu.memory_space<vmem>> -> memref<128x128xf32, #tpu.memory_space<vmem>>
    %dma_start3A_40 = arith.constant 0 : i32
    %dma_start3A_41 = tpu.memref_slice %arg7[%dma_start3A_34, %dma_start3A_40] : memref<40x128xi32, #tpu.memory_space<vmem>> -> memref<1x128xi32, #tpu.memory_space<vmem>>
    %dma_start3A_42 = tpu.memref_squeeze %dma_start3A_41 : memref<1x128xi32, #tpu.memory_space<vmem>> -> memref<128xi32, #tpu.memory_space<vmem>>
    %dma_start3A_43 = arith.constant 0 : i32
    %dma_start3A_44 = arith.constant 0 : i32
    %dma_start3A_45 = tpu.memref_slice %arg2[%dma_start3A_43, %dma_start3A_44] : memref<10128x128xf32, #tpu.memory_space<hbm>> -> memref<10128x128xf32, #tpu.memory_space<hbm>>
    tpu.enqueue_indirect_dma source(%dma_start3A_45 : memref<10128x128xf32, #tpu.memory_space<hbm>>) target(%dma_start3A_39 : memref<128x128xf32, #tpu.memory_space<vmem>>) offsets(%dma_start3A_42 : memref<128xi32, #tpu.memory_space<vmem>>) semaphore(%arg11 : memref<!tpu.dma_semaphore, #tpu.memory_space<semaphore_mem>>)
    %scan3A_46 = arith.constant 0 : i32
    %scan3A_47 = arith.constant 0 : i32
    %scan3A_48 = arith.constant 40 : i32
    %scan3A_49 = arith.addi %scan3A_47, %scan3A_48 : i32
    %scan3A_50 = arith.constant 1 : i32
    scf.for %scan3A_75 = %scan3A_47 to %scan3A_49 step %scan3A_50  : i32 {
      %rem3A = arith.constant 2 : i32
      %rem3A_76 = arith.remsi %scan3A_75, %rem3A : i32
      %dma_wait3A_77 = arith.constant 0 : i32
      %dma_wait3A_78 = arith.constant 0 : i32
      %dma_wait3A_79 = arith.constant 0 : i32
      %dma_wait3A_80 = tpu.memref_slice %arg9[%rem3A_76, %dma_wait3A_78, %dma_wait3A_79] : memref<2x128x128xf32, #tpu.memory_space<vmem>> -> memref<1x128x128xf32, #tpu.memory_space<vmem>>
      %dma_wait3A_81 = tpu.memref_squeeze %dma_wait3A_80 : memref<1x128x128xf32, #tpu.memory_space<vmem>> -> memref<128x128xf32, #tpu.memory_space<vmem>>
      %dma_wait3A_82 = arith.constant 0 : i32
      %dma_wait3A_83 = tpu.memref_slice %arg7[%dma_wait3A_77, %dma_wait3A_82] : memref<40x128xi32, #tpu.memory_space<vmem>> -> memref<1x128xi32, #tpu.memory_space<vmem>>
      %dma_wait3A_84 = tpu.memref_squeeze %dma_wait3A_83 : memref<1x128xi32, #tpu.memory_space<vmem>> -> memref<128xi32, #tpu.memory_space<vmem>>
      %dma_wait3A_85 = arith.constant 0 : i32
      %dma_wait3A_86 = arith.constant 0 : i32
      %dma_wait3A_87 = tpu.memref_slice %arg2[%dma_wait3A_85, %dma_wait3A_86] : memref<10128x128xf32, #tpu.memory_space<hbm>> -> memref<10128x128xf32, #tpu.memory_space<hbm>>
      tpu.wait_indirect_dma semaphore(%arg11 : memref<!tpu.dma_semaphore, #tpu.memory_space<semaphore_mem>>) src(%dma_wait3A_87 : memref<10128x128xf32, #tpu.memory_space<hbm>>) dst(%dma_wait3A_81 : memref<128x128xf32, #tpu.memory_space<vmem>>)
      %ge3A = arith.constant 1 : i32
      %ge3A_88 = arith.cmpi sge, %scan3A_75, %ge3A : i32
      %convert_element_type3A_89 = arith.extui %ge3A_88 : i1 to i32
      %cond3A_90 = arith.constant 0 : i32
      %cond3A_91 = arith.cmpi ne, %convert_element_type3A_89, %cond3A_90 : i32
      scf.if %cond3A_91 {
        %dma_wait3A_109 = arith.constant 0 : i32
        %dma_wait3A_110 = arith.constant 0 : i32
        %dma_wait3A_111 = arith.constant 0 : i32
        %dma_wait3A_112 = arith.constant 0 : i32
        %dma_wait3A_113 = tpu.memref_slice %arg9[%dma_wait3A_109, %dma_wait3A_111, %dma_wait3A_112] : memref<2x128x128xf32, #tpu.memory_space<vmem>> -> memref<1x128x128xf32, #tpu.memory_space<vmem>>
        %dma_wait3A_114 = tpu.memref_squeeze %dma_wait3A_113 : memref<1x128x128xf32, #tpu.memory_space<vmem>> -> memref<128x128xf32, #tpu.memory_space<vmem>>
        %dma_wait3A_115 = arith.constant 0 : i32
        %dma_wait3A_116 = tpu.memref_slice %arg8[%dma_wait3A_110, %dma_wait3A_115] : memref<40x128xi32, #tpu.memory_space<vmem>> -> memref<1x128xi32, #tpu.memory_space<vmem>>
        %dma_wait3A_117 = tpu.memref_squeeze %dma_wait3A_116 : memref<1x128xi32, #tpu.memory_space<vmem>> -> memref<128xi32, #tpu.memory_space<vmem>>
        %dma_wait3A_118 = arith.constant 0 : i32
        %dma_wait3A_119 = arith.constant 0 : i32
        %dma_wait3A_120 = tpu.memref_slice %arg10[%dma_wait3A_118, %dma_wait3A_119] : memref<10128x128xf32, #tpu.memory_space<vmem_shared>> -> memref<10128x128xf32, #tpu.memory_space<vmem_shared>>
        tpu.wait_indirect_dma semaphore(%arg12 : memref<!tpu.dma_semaphore, #tpu.memory_space<semaphore_mem>>) src(%dma_wait3A_114 : memref<128x128xf32, #tpu.memory_space<vmem>>) dst(%dma_wait3A_120 : memref<10128x128xf32, #tpu.memory_space<vmem_shared>>)
      } else {
      }
      %add3A_92 = arith.constant 1 : i32
      %add3A_93 = arith.addi %scan3A_75, %add3A_92 : i32
      %lt3A_94 = arith.constant 40 : i32
      %lt3A_95 = arith.cmpi slt, %add3A_93, %lt3A_94 : i32
      %convert_element_type3A_96 = arith.extui %lt3A_95 : i1 to i32
      %cond3A_97 = arith.constant 0 : i32
      %cond3A_98 = arith.cmpi ne, %convert_element_type3A_96, %cond3A_97 : i32
      scf.if %cond3A_98 {
        %add3A_109 = arith.constant 1 : i32
        %add3A_110 = arith.addi %scan3A_75, %add3A_109 : i32
        %sub3A = arith.constant 1 : i32
        %sub3A_111 = arith.subi %sub3A, %rem3A_76 : i32
        %dma_start3A_112 = arith.constant 0 : i32
        %dma_start3A_113 = arith.constant 0 : i32
        %dma_start3A_114 = tpu.memref_slice %arg9[%sub3A_111, %dma_start3A_112, %dma_start3A_113] : memref<2x128x128xf32, #tpu.memory_space<vmem>> -> memref<1x128x128xf32, #tpu.memory_space<vmem>>
        %dma_start3A_115 = tpu.memref_squeeze %dma_start3A_114 : memref<1x128x128xf32, #tpu.memory_space<vmem>> -> memref<128x128xf32, #tpu.memory_space<vmem>>
        %dma_start3A_116 = arith.constant 0 : i32
        %dma_start3A_117 = tpu.memref_slice %arg7[%add3A_110, %dma_start3A_116] : memref<40x128xi32, #tpu.memory_space<vmem>> -> memref<1x128xi32, #tpu.memory_space<vmem>>
        %dma_start3A_118 = tpu.memref_squeeze %dma_start3A_117 : memref<1x128xi32, #tpu.memory_space<vmem>> -> memref<128xi32, #tpu.memory_space<vmem>>
        %dma_start3A_119 = arith.constant 0 : i32
        %dma_start3A_120 = arith.constant 0 : i32
        %dma_start3A_121 = tpu.memref_slice %arg2[%dma_start3A_119, %dma_start3A_120] : memref<10128x128xf32, #tpu.memory_space<hbm>> -> memref<10128x128xf32, #tpu.memory_space<hbm>>
        tpu.enqueue_indirect_dma source(%dma_start3A_121 : memref<10128x128xf32, #tpu.memory_space<hbm>>) target(%dma_start3A_115 : memref<128x128xf32, #tpu.memory_space<vmem>>) offsets(%dma_start3A_118 : memref<128xi32, #tpu.memory_space<vmem>>) semaphore(%arg11 : memref<!tpu.dma_semaphore, #tpu.memory_space<semaphore_mem>>)
      } else {
      }
      %dma_start3A_99 = arith.constant 0 : i32
      %dma_start3A_100 = arith.constant 0 : i32
      %dma_start3A_101 = tpu.memref_slice %arg9[%rem3A_76, %dma_start3A_99, %dma_start3A_100] : memref<2x128x128xf32, #tpu.memory_space<vmem>> -> memref<1x128x128xf32, #tpu.memory_space<vmem>>
      %dma_start3A_102 = tpu.memref_squeeze %dma_start3A_101 : memref<1x128x128xf32, #tpu.memory_space<vmem>> -> memref<128x128xf32, #tpu.memory_space<vmem>>
      %dma_start3A_103 = arith.constant 0 : i32
      %dma_start3A_104 = tpu.memref_slice %arg8[%scan3A_75, %dma_start3A_103] : memref<40x128xi32, #tpu.memory_space<vmem>> -> memref<1x128xi32, #tpu.memory_space<vmem>>
      %dma_start3A_105 = tpu.memref_squeeze %dma_start3A_104 : memref<1x128xi32, #tpu.memory_space<vmem>> -> memref<128xi32, #tpu.memory_space<vmem>>
      %dma_start3A_106 = arith.constant 0 : i32
      %dma_start3A_107 = arith.constant 0 : i32
      %dma_start3A_108 = tpu.memref_slice %arg10[%dma_start3A_106, %dma_start3A_107] : memref<10128x128xf32, #tpu.memory_space<vmem_shared>> -> memref<10128x128xf32, #tpu.memory_space<vmem_shared>>
      tpu.enqueue_indirect_dma source(%dma_start3A_102 : memref<128x128xf32, #tpu.memory_space<vmem>>) target(%dma_start3A_108 : memref<10128x128xf32, #tpu.memory_space<vmem_shared>>) offsets(%dma_start3A_105 : memref<128xi32, #tpu.memory_space<vmem>>) semaphore(%arg12 : memref<!tpu.dma_semaphore, #tpu.memory_space<semaphore_mem>>) {add = true}
    }
    %scan3A_51 = arith.constant 40 : i32
    %dma_wait3A_52 = arith.constant 0 : i32
    %dma_wait3A_53 = arith.constant 0 : i32
    %dma_wait3A_54 = arith.constant 0 : i32
    %dma_wait3A_55 = arith.constant 0 : i32
    %dma_wait3A_56 = tpu.memref_slice %arg9[%dma_wait3A_52, %dma_wait3A_54, %dma_wait3A_55] : memref<2x128x128xf32, #tpu.memory_space<vmem>> -> memref<1x128x128xf32, #tpu.memory_space<vmem>>
    %dma_wait3A_57 = tpu.memref_squeeze %dma_wait3A_56 : memref<1x128x128xf32, #tpu.memory_space<vmem>> -> memref<128x128xf32, #tpu.memory_space<vmem>>
    %dma_wait3A_58 = arith.constant 0 : i32
    %dma_wait3A_59 = tpu.memref_slice %arg8[%dma_wait3A_53, %dma_wait3A_58] : memref<40x128xi32, #tpu.memory_space<vmem>> -> memref<1x128xi32, #tpu.memory_space<vmem>>
    %dma_wait3A_60 = tpu.memref_squeeze %dma_wait3A_59 : memref<1x128xi32, #tpu.memory_space<vmem>> -> memref<128xi32, #tpu.memory_space<vmem>>
    %dma_wait3A_61 = arith.constant 0 : i32
    %dma_wait3A_62 = arith.constant 0 : i32
    %dma_wait3A_63 = tpu.memref_slice %arg10[%dma_wait3A_61, %dma_wait3A_62] : memref<10128x128xf32, #tpu.memory_space<vmem_shared>> -> memref<10128x128xf32, #tpu.memory_space<vmem_shared>>
    tpu.wait_indirect_dma semaphore(%arg12 : memref<!tpu.dma_semaphore, #tpu.memory_space<semaphore_mem>>) src(%dma_wait3A_57 : memref<128x128xf32, #tpu.memory_space<vmem>>) dst(%dma_wait3A_63 : memref<10128x128xf32, #tpu.memory_space<vmem_shared>>)
    %barrier3A_64 = arith.constant 0 : index
    tpu.barrier barrier_id(%barrier3A_64)
    %lt3A_65 = arith.constant 15 : i32
    %lt3A_66 = arith.cmpi slt, %arg1, %lt3A_65 : i32
    %convert_element_type3A_67 = arith.extui %lt3A_66 : i1 to i32
    %cond3A_68 = arith.constant 0 : i32
    %cond3A_69 = arith.cmpi ne, %convert_element_type3A_67, %cond3A_68 : i32
    scf.if %cond3A_69 {
      %mul3A_75 = arith.constant 632 : i32
      %mul3A_76 = arith.muli %arg1, %mul3A_75 : i32
      %mul3A_77 = arith.constant 632 : i32
      %mul3A_78 = arith.muli %arg1, %mul3A_77 : i32
      "tpu.region"() ({
        %run_scoped3A = tpu.sem_alloc : memref<!tpu.dma_semaphore, #tpu.memory_space<semaphore_mem>>
        %dma_start3A_79 = arith.constant 0 : i32
        %dma_start3A_80 = arith.constant 0 : i32
        %dma_start3A_81 = tpu.memref_slice %arg6[%arg0, %dma_start3A_79, %dma_start3A_80] : memref<2x10000x128xf32, #tpu.memory_space<hbm>> -> memref<1x10000x128xf32, #tpu.memory_space<hbm>>
        %dma_start3A_82 = tpu.memref_squeeze %dma_start3A_81 : memref<1x10000x128xf32, #tpu.memory_space<hbm>> -> memref<10000x128xf32, #tpu.memory_space<hbm>>
        %dma_start3A_83 = arith.constant 0 : i32
        %dma_start3A_84 = tpu.memref_slice %dma_start3A_82[%mul3A_78, %dma_start3A_83] : memref<10000x128xf32, #tpu.memory_space<hbm>> -> memref<632x128xf32, #tpu.memory_space<hbm>>
        %dma_start3A_85 = arith.constant 0 : i32
        %dma_start3A_86 = tpu.memref_slice %arg10[%mul3A_76, %dma_start3A_85] : memref<10128x128xf32, #tpu.memory_space<vmem_shared>> -> memref<632x128xf32, #tpu.memory_space<vmem_shared>>
        tpu.enqueue_dma source(%dma_start3A_86 : memref<632x128xf32, #tpu.memory_space<vmem_shared>>) target(%dma_start3A_84 : memref<632x128xf32, #tpu.memory_space<hbm>>) target_semaphore(%run_scoped3A : memref<!tpu.dma_semaphore, #tpu.memory_space<semaphore_mem>>)
        %dma_wait3A_87 = arith.constant 0 : i32
        %dma_wait3A_88 = arith.constant 0 : i32
        %dma_wait3A_89 = tpu.memref_slice %arg6[%arg0, %dma_wait3A_87, %dma_wait3A_88] : memref<2x10000x128xf32, #tpu.memory_space<hbm>> -> memref<1x10000x128xf32, #tpu.memory_space<hbm>>
        %dma_wait3A_90 = tpu.memref_squeeze %dma_wait3A_89 : memref<1x10000x128xf32, #tpu.memory_space<hbm>> -> memref<10000x128xf32, #tpu.memory_space<hbm>>
        %dma_wait3A_91 = arith.constant 0 : i32
        %dma_wait3A_92 = tpu.memref_slice %dma_wait3A_90[%mul3A_78, %dma_wait3A_91] : memref<10000x128xf32, #tpu.memory_space<hbm>> -> memref<632x128xf32, #tpu.memory_space<hbm>>
        %dma_wait3A_93 = arith.constant 0 : i32
        %dma_wait3A_94 = tpu.memref_slice %arg10[%mul3A_76, %dma_wait3A_93] : memref<10128x128xf32, #tpu.memory_space<vmem_shared>> -> memref<632x128xf32, #tpu.memory_space<vmem_shared>>
        tpu.wait_dma2 semaphore(%run_scoped3A : memref<!tpu.dma_semaphore, #tpu.memory_space<semaphore_mem>>) src(%dma_wait3A_94 : memref<632x128xf32, #tpu.memory_space<vmem_shared>>) dst(%dma_wait3A_92 : memref<632x128xf32, #tpu.memory_space<hbm>>)
        tpu.yield
      }) : () -> ()
    } else {
    }
    %eq3A_70 = arith.constant 15 : i32
    %eq3A_71 = arith.cmpi eq, %arg1, %eq3A_70 : i32
    %convert_element_type3A_72 = arith.extui %eq3A_71 : i1 to i32
    %cond3A_73 = arith.constant 0 : i32
    %cond3A_74 = arith.cmpi ne, %convert_element_type3A_72, %cond3A_73 : i32
    scf.if %cond3A_74 {
      "tpu.region"() ({
        %run_scoped3A = tpu.sem_alloc : memref<!tpu.dma_semaphore, #tpu.memory_space<semaphore_mem>>
        %dma_start3A_75 = arith.constant 0 : i32
        %dma_start3A_76 = arith.constant 0 : i32
        %dma_start3A_77 = tpu.memref_slice %arg6[%arg0, %dma_start3A_75, %dma_start3A_76] : memref<2x10000x128xf32, #tpu.memory_space<hbm>> -> memref<1x10000x128xf32, #tpu.memory_space<hbm>>
        %dma_start3A_78 = tpu.memref_squeeze %dma_start3A_77 : memref<1x10000x128xf32, #tpu.memory_space<hbm>> -> memref<10000x128xf32, #tpu.memory_space<hbm>>
        %dma_start3A_79 = arith.constant 9480 : i32
        %dma_start3A_80 = arith.constant 0 : i32
        %dma_start3A_81 = tpu.memref_slice %dma_start3A_78[%dma_start3A_79, %dma_start3A_80] : memref<10000x128xf32, #tpu.memory_space<hbm>> -> memref<520x128xf32, #tpu.memory_space<hbm>>
        %dma_start3A_82 = arith.constant 9480 : i32
        %dma_start3A_83 = arith.constant 0 : i32
        %dma_start3A_84 = tpu.memref_slice %arg10[%dma_start3A_82, %dma_start3A_83] : memref<10128x128xf32, #tpu.memory_space<vmem_shared>> -> memref<520x128xf32, #tpu.memory_space<vmem_shared>>
        tpu.enqueue_dma source(%dma_start3A_84 : memref<520x128xf32, #tpu.memory_space<vmem_shared>>) target(%dma_start3A_81 : memref<520x128xf32, #tpu.memory_space<hbm>>) target_semaphore(%run_scoped3A : memref<!tpu.dma_semaphore, #tpu.memory_space<semaphore_mem>>)
        %dma_wait3A_85 = arith.constant 0 : i32
        %dma_wait3A_86 = arith.constant 0 : i32
        %dma_wait3A_87 = tpu.memref_slice %arg6[%arg0, %dma_wait3A_85, %dma_wait3A_86] : memref<2x10000x128xf32, #tpu.memory_space<hbm>> -> memref<1x10000x128xf32, #tpu.memory_space<hbm>>
        %dma_wait3A_88 = tpu.memref_squeeze %dma_wait3A_87 : memref<1x10000x128xf32, #tpu.memory_space<hbm>> -> memref<10000x128xf32, #tpu.memory_space<hbm>>
        %dma_wait3A_89 = arith.constant 9480 : i32
        %dma_wait3A_90 = arith.constant 0 : i32
        %dma_wait3A_91 = tpu.memref_slice %dma_wait3A_88[%dma_wait3A_89, %dma_wait3A_90] : memref<10000x128xf32, #tpu.memory_space<hbm>> -> memref<520x128xf32, #tpu.memory_space<hbm>>
        %dma_wait3A_92 = arith.constant 9480 : i32
        %dma_wait3A_93 = arith.constant 0 : i32
        %dma_wait3A_94 = tpu.memref_slice %arg10[%dma_wait3A_92, %dma_wait3A_93] : memref<10128x128xf32, #tpu.memory_space<vmem_shared>> -> memref<520x128xf32, #tpu.memory_space<vmem_shared>>
        tpu.wait_dma2 semaphore(%run_scoped3A : memref<!tpu.dma_semaphore, #tpu.memory_space<semaphore_mem>>) src(%dma_wait3A_94 : memref<520x128xf32, #tpu.memory_space<vmem_shared>>) dst(%dma_wait3A_91 : memref<520x128xf32, #tpu.memory_space<hbm>>)
        tpu.yield
      }) : () -> ()
    } else {
    }
    return
  }
}

#map = affine_map<(d0, d1) -> (0, 0)>
#map1 = affine_map<(d0, d1) -> (0, 0, 0)>
module attributes {stable_mosaic.version = 14 : i64} {
  func.func @body(%arg0: i32, %arg1: i32, %arg2: memref<10128x128xf32, #tpu.memory_space<hbm>>, %arg3: memref<32x80x128xi32, #tpu.memory_space<hbm>>, %arg4: memref<32x80x128xi32, #tpu.memory_space<hbm>>, %arg5: memref<10000x128xf32, #tpu.memory_space<hbm>>, %arg6: memref<2x10000x128xf32, #tpu.memory_space<hbm>>, %arg7: memref<40x128xi32, #tpu.memory_space<vmem>>, %arg8: memref<40x128xi32, #tpu.memory_space<vmem>>, %arg9: memref<2x128x128xf32, #tpu.memory_space<vmem>>, %arg10: memref<10128x128xf32, #tpu.memory_space<vmem_shared>>, %arg11: memref<!tpu.dma_semaphore, #tpu.memory_space<semaphore_mem>>, %arg12: memref<!tpu.dma_semaphore, #tpu.memory_space<semaphore_mem>>) attributes {dimension_semantics = [#tpu.dimension_semantics<core_parallel>, #tpu.dimension_semantics<subcore_parallel>], iteration_bounds = array<i64: 2, 16>, scalar_prefetch = 0 : i64, scratch_operands = 6 : i64, tpu.core_type = #tpu.core_type<sc_vector_subcore>, window_params = [{transform_indices = #map}, {transform_indices = #map1}, {transform_indices = #map1}, {transform_indices = #map}, {transform_indices = #map1}]} {
    %mul3A = arith.constant 16 : i32
    %mul3A_0 = arith.muli %arg0, %mul3A : i32
    %add3A = arith.addi %mul3A_0, %arg1 : i32
    %lt3A = arith.constant 15 : i32
    %lt3A_1 = arith.cmpi slt, %arg1, %lt3A : i32
    %convert_element_type3A = arith.extui %lt3A_1 : i1 to i32
    %cond3A = arith.constant 0 : i32
    %cond3A_2 = arith.cmpi ne, %convert_element_type3A, %cond3A : i32
    scf.if %cond3A_2 {
      %mul3A_75 = arith.constant 632 : i32
      %mul3A_76 = arith.muli %arg1, %mul3A_75 : i32
      %mul3A_77 = arith.constant 632 : i32
      %mul3A_78 = arith.muli %arg1, %mul3A_77 : i32
      "tpu.region"() ({
        %run_scoped3A = tpu.sem_alloc : memref<!tpu.dma_semaphore, #tpu.memory_space<semaphore_mem>>
        %dma_start3A_79 = arith.constant 0 : i32
        %dma_start3A_80 = tpu.memref_slice %arg10[%mul3A_78, %dma_start3A_79] : memref<10128x128xf32, #tpu.memory_space<vmem_shared>> -> memref<632x128xf32, #tpu.memory_space<vmem_shared>>
        %dma_start3A_81 = arith.constant 0 : i32
        %dma_start3A_82 = tpu.memref_slice %arg5[%mul3A_76, %dma_start3A_81] : memref<10000x128xf32, #tpu.memory_space<hbm>> -> memref<632x128xf32, #tpu.memory_space<hbm>>
        tpu.enqueue_dma source(%dma_start3A_82 : memref<632x128xf32, #tpu.memory_space<hbm>>) target(%dma_start3A_80 : memref<632x128xf32, #tpu.memory_space<vmem_shared>>) target_semaphore(%run_scoped3A : memref<!tpu.dma_semaphore, #tpu.memory_space<semaphore_mem>>)
        %dma_wait3A_83 = arith.constant 0 : i32
        %dma_wait3A_84 = tpu.memref_slice %arg10[%mul3A_78, %dma_wait3A_83] : memref<10128x128xf32, #tpu.memory_space<vmem_shared>> -> memref<632x128xf32, #tpu.memory_space<vmem_shared>>
        %dma_wait3A_85 = arith.constant 0 : i32
        %dma_wait3A_86 = tpu.memref_slice %arg5[%mul3A_76, %dma_wait3A_85] : memref<10000x128xf32, #tpu.memory_space<hbm>> -> memref<632x128xf32, #tpu.memory_space<hbm>>
        tpu.wait_dma2 semaphore(%run_scoped3A : memref<!tpu.dma_semaphore, #tpu.memory_space<semaphore_mem>>) src(%dma_wait3A_86 : memref<632x128xf32, #tpu.memory_space<hbm>>) dst(%dma_wait3A_84 : memref<632x128xf32, #tpu.memory_space<vmem_shared>>)
        tpu.yield
      }) : () -> ()
    } else {
    }
    %eq3A = arith.constant 15 : i32
    %eq3A_3 = arith.cmpi eq, %arg1, %eq3A : i32
    %convert_element_type3A_4 = arith.extui %eq3A_3 : i1 to i32
    %cond3A_5 = arith.constant 0 : i32
    %cond3A_6 = arith.cmpi ne, %convert_element_type3A_4, %cond3A_5 : i32
    scf.if %cond3A_6 {
      "tpu.region"() ({
        %run_scoped3A = tpu.sem_alloc : memref<!tpu.dma_semaphore, #tpu.memory_space<semaphore_mem>>
        %dma_start3A_75 = arith.constant 9480 : i32
        %dma_start3A_76 = arith.constant 0 : i32
        %dma_start3A_77 = tpu.memref_slice %arg10[%dma_start3A_75, %dma_start3A_76] : memref<10128x128xf32, #tpu.memory_space<vmem_shared>> -> memref<520x128xf32, #tpu.memory_space<vmem_shared>>
        %dma_start3A_78 = arith.constant 9480 : i32
        %dma_start3A_79 = arith.constant 0 : i32
        %dma_start3A_80 = tpu.memref_slice %arg5[%dma_start3A_78, %dma_start3A_79] : memref<10000x128xf32, #tpu.memory_space<hbm>> -> memref<520x128xf32, #tpu.memory_space<hbm>>
        tpu.enqueue_dma source(%dma_start3A_80 : memref<520x128xf32, #tpu.memory_space<hbm>>) target(%dma_start3A_77 : memref<520x128xf32, #tpu.memory_space<vmem_shared>>) target_semaphore(%run_scoped3A : memref<!tpu.dma_semaphore, #tpu.memory_space<semaphore_mem>>)
        %dma_wait3A_81 = arith.constant 9480 : i32
        %dma_wait3A_82 = arith.constant 0 : i32
        %dma_wait3A_83 = tpu.memref_slice %arg10[%dma_wait3A_81, %dma_wait3A_82] : memref<10128x128xf32, #tpu.memory_space<vmem_shared>> -> memref<520x128xf32, #tpu.memory_space<vmem_shared>>
        %dma_wait3A_84 = arith.constant 9480 : i32
        %dma_wait3A_85 = arith.constant 0 : i32
        %dma_wait3A_86 = tpu.memref_slice %arg5[%dma_wait3A_84, %dma_wait3A_85] : memref<10000x128xf32, #tpu.memory_space<hbm>> -> memref<520x128xf32, #tpu.memory_space<hbm>>
        tpu.wait_dma2 semaphore(%run_scoped3A : memref<!tpu.dma_semaphore, #tpu.memory_space<semaphore_mem>>) src(%dma_wait3A_86 : memref<520x128xf32, #tpu.memory_space<hbm>>) dst(%dma_wait3A_83 : memref<520x128xf32, #tpu.memory_space<vmem_shared>>)
        tpu.yield
      }) : () -> ()
    } else {
    }
    %barrier3A = arith.constant 0 : index
    tpu.barrier barrier_id(%barrier3A)
    "tpu.region"() ({
      %run_scoped3A = tpu.sem_alloc : memref<!tpu.dma_semaphore, #tpu.memory_space<semaphore_mem>>
      %dma_start3A_75 = arith.constant 0 : i32
      %dma_start3A_76 = arith.constant 0 : i32
      %dma_start3A_77 = tpu.memref_slice %arg3[%add3A, %dma_start3A_75, %dma_start3A_76] : memref<32x80x128xi32, #tpu.memory_space<hbm>> -> memref<1x80x128xi32, #tpu.memory_space<hbm>>
      %dma_start3A_78 = tpu.memref_squeeze %dma_start3A_77 : memref<1x80x128xi32, #tpu.memory_space<hbm>> -> memref<80x128xi32, #tpu.memory_space<hbm>>
      %dma_start3A_79 = arith.constant 0 : i32
      %dma_start3A_80 = arith.constant 0 : i32
      %dma_start3A_81 = tpu.memref_slice %dma_start3A_78[%dma_start3A_79, %dma_start3A_80] : memref<80x128xi32, #tpu.memory_space<hbm>> -> memref<40x128xi32, #tpu.memory_space<hbm>>
      %dma_start3A_82 = arith.constant 0 : i32
      %dma_start3A_83 = arith.constant 0 : i32
      %dma_start3A_84 = tpu.memref_slice %arg3[%add3A, %dma_start3A_82, %dma_start3A_83] : memref<32x80x128xi32, #tpu.memory_space<hbm>> -> memref<1x80x128xi32, #tpu.memory_space<hbm>>
      %dma_start3A_85 = tpu.memref_squeeze %dma_start3A_84 : memref<1x80x128xi32, #tpu.memory_space<hbm>> -> memref<80x128xi32, #tpu.memory_space<hbm>>
      %dma_start3A_86 = arith.constant 0 : i32
      %dma_start3A_87 = arith.constant 0 : i32
      %dma_start3A_88 = tpu.memref_slice %dma_start3A_85[%dma_start3A_86, %dma_start3A_87] : memref<80x128xi32, #tpu.memory_space<hbm>> -> memref<40x128xi32, #tpu.memory_space<hbm>>
      tpu.enqueue_dma source(%dma_start3A_88 : memref<40x128xi32, #tpu.memory_space<hbm>>) target(%arg7 : memref<40x128xi32, #tpu.memory_space<vmem>>) target_semaphore(%run_scoped3A : memref<!tpu.dma_semaphore, #tpu.memory_space<semaphore_mem>>)
      %dma_wait3A_89 = arith.constant 0 : i32
      %dma_wait3A_90 = arith.constant 0 : i32
      %dma_wait3A_91 = tpu.memref_slice %arg3[%add3A, %dma_wait3A_89, %dma_wait3A_90] : memref<32x80x128xi32, #tpu.memory_space<hbm>> -> memref<1x80x128xi32, #tpu.memory_space<hbm>>
      %dma_wait3A_92 = tpu.memref_squeeze %dma_wait3A_91 : memref<1x80x128xi32, #tpu.memory_space<hbm>> -> memref<80x128xi32, #tpu.memory_space<hbm>>
      %dma_wait3A_93 = arith.constant 0 : i32
      %dma_wait3A_94 = arith.constant 0 : i32
      %dma_wait3A_95 = tpu.memref_slice %dma_wait3A_92[%dma_wait3A_93, %dma_wait3A_94] : memref<80x128xi32, #tpu.memory_space<hbm>> -> memref<40x128xi32, #tpu.memory_space<hbm>>
      %dma_wait3A_96 = arith.constant 0 : i32
      %dma_wait3A_97 = arith.constant 0 : i32
      %dma_wait3A_98 = tpu.memref_slice %arg3[%add3A, %dma_wait3A_96, %dma_wait3A_97] : memref<32x80x128xi32, #tpu.memory_space<hbm>> -> memref<1x80x128xi32, #tpu.memory_space<hbm>>
      %dma_wait3A_99 = tpu.memref_squeeze %dma_wait3A_98 : memref<1x80x128xi32, #tpu.memory_space<hbm>> -> memref<80x128xi32, #tpu.memory_space<hbm>>
      %dma_wait3A_100 = arith.constant 0 : i32
      %dma_wait3A_101 = arith.constant 0 : i32
      %dma_wait3A_102 = tpu.memref_slice %dma_wait3A_99[%dma_wait3A_100, %dma_wait3A_101] : memref<80x128xi32, #tpu.memory_space<hbm>> -> memref<40x128xi32, #tpu.memory_space<hbm>>
      tpu.wait_dma2 semaphore(%run_scoped3A : memref<!tpu.dma_semaphore, #tpu.memory_space<semaphore_mem>>) src(%dma_wait3A_102 : memref<40x128xi32, #tpu.memory_space<hbm>>) dst(%arg7 : memref<40x128xi32, #tpu.memory_space<vmem>>)
      tpu.yield
    }) : () -> ()
    "tpu.region"() ({
      %run_scoped3A = tpu.sem_alloc : memref<!tpu.dma_semaphore, #tpu.memory_space<semaphore_mem>>
      %dma_start3A_75 = arith.constant 0 : i32
      %dma_start3A_76 = arith.constant 0 : i32
      %dma_start3A_77 = tpu.memref_slice %arg4[%add3A, %dma_start3A_75, %dma_start3A_76] : memref<32x80x128xi32, #tpu.memory_space<hbm>> -> memref<1x80x128xi32, #tpu.memory_space<hbm>>
      %dma_start3A_78 = tpu.memref_squeeze %dma_start3A_77 : memref<1x80x128xi32, #tpu.memory_space<hbm>> -> memref<80x128xi32, #tpu.memory_space<hbm>>
      %dma_start3A_79 = arith.constant 0 : i32
      %dma_start3A_80 = arith.constant 0 : i32
      %dma_start3A_81 = tpu.memref_slice %dma_start3A_78[%dma_start3A_79, %dma_start3A_80] : memref<80x128xi32, #tpu.memory_space<hbm>> -> memref<40x128xi32, #tpu.memory_space<hbm>>
      %dma_start3A_82 = arith.constant 0 : i32
      %dma_start3A_83 = arith.constant 0 : i32
      %dma_start3A_84 = tpu.memref_slice %arg4[%add3A, %dma_start3A_82, %dma_start3A_83] : memref<32x80x128xi32, #tpu.memory_space<hbm>> -> memref<1x80x128xi32, #tpu.memory_space<hbm>>
      %dma_start3A_85 = tpu.memref_squeeze %dma_start3A_84 : memref<1x80x128xi32, #tpu.memory_space<hbm>> -> memref<80x128xi32, #tpu.memory_space<hbm>>
      %dma_start3A_86 = arith.constant 0 : i32
      %dma_start3A_87 = arith.constant 0 : i32
      %dma_start3A_88 = tpu.memref_slice %dma_start3A_85[%dma_start3A_86, %dma_start3A_87] : memref<80x128xi32, #tpu.memory_space<hbm>> -> memref<40x128xi32, #tpu.memory_space<hbm>>
      tpu.enqueue_dma source(%dma_start3A_88 : memref<40x128xi32, #tpu.memory_space<hbm>>) target(%arg8 : memref<40x128xi32, #tpu.memory_space<vmem>>) target_semaphore(%run_scoped3A : memref<!tpu.dma_semaphore, #tpu.memory_space<semaphore_mem>>)
      %dma_wait3A_89 = arith.constant 0 : i32
      %dma_wait3A_90 = arith.constant 0 : i32
      %dma_wait3A_91 = tpu.memref_slice %arg4[%add3A, %dma_wait3A_89, %dma_wait3A_90] : memref<32x80x128xi32, #tpu.memory_space<hbm>> -> memref<1x80x128xi32, #tpu.memory_space<hbm>>
      %dma_wait3A_92 = tpu.memref_squeeze %dma_wait3A_91 : memref<1x80x128xi32, #tpu.memory_space<hbm>> -> memref<80x128xi32, #tpu.memory_space<hbm>>
      %dma_wait3A_93 = arith.constant 0 : i32
      %dma_wait3A_94 = arith.constant 0 : i32
      %dma_wait3A_95 = tpu.memref_slice %dma_wait3A_92[%dma_wait3A_93, %dma_wait3A_94] : memref<80x128xi32, #tpu.memory_space<hbm>> -> memref<40x128xi32, #tpu.memory_space<hbm>>
      %dma_wait3A_96 = arith.constant 0 : i32
      %dma_wait3A_97 = arith.constant 0 : i32
      %dma_wait3A_98 = tpu.memref_slice %arg4[%add3A, %dma_wait3A_96, %dma_wait3A_97] : memref<32x80x128xi32, #tpu.memory_space<hbm>> -> memref<1x80x128xi32, #tpu.memory_space<hbm>>
      %dma_wait3A_99 = tpu.memref_squeeze %dma_wait3A_98 : memref<1x80x128xi32, #tpu.memory_space<hbm>> -> memref<80x128xi32, #tpu.memory_space<hbm>>
      %dma_wait3A_100 = arith.constant 0 : i32
      %dma_wait3A_101 = arith.constant 0 : i32
      %dma_wait3A_102 = tpu.memref_slice %dma_wait3A_99[%dma_wait3A_100, %dma_wait3A_101] : memref<80x128xi32, #tpu.memory_space<hbm>> -> memref<40x128xi32, #tpu.memory_space<hbm>>
      tpu.wait_dma2 semaphore(%run_scoped3A : memref<!tpu.dma_semaphore, #tpu.memory_space<semaphore_mem>>) src(%dma_wait3A_102 : memref<40x128xi32, #tpu.memory_space<hbm>>) dst(%arg8 : memref<40x128xi32, #tpu.memory_space<vmem>>)
      tpu.yield
    }) : () -> ()
    %dma_start3A = arith.constant 0 : i32
    %dma_start3A_7 = arith.constant 0 : i32
    %dma_start3A_8 = arith.constant 0 : i32
    %dma_start3A_9 = arith.constant 0 : i32
    %dma_start3A_10 = tpu.memref_slice %arg9[%dma_start3A_7, %dma_start3A_8, %dma_start3A_9] : memref<2x128x128xf32, #tpu.memory_space<vmem>> -> memref<1x128x128xf32, #tpu.memory_space<vmem>>
    %dma_start3A_11 = tpu.memref_squeeze %dma_start3A_10 : memref<1x128x128xf32, #tpu.memory_space<vmem>> -> memref<128x128xf32, #tpu.memory_space<vmem>>
    %dma_start3A_12 = arith.constant 0 : i32
    %dma_start3A_13 = tpu.memref_slice %arg7[%dma_start3A, %dma_start3A_12] : memref<40x128xi32, #tpu.memory_space<vmem>> -> memref<1x128xi32, #tpu.memory_space<vmem>>
    %dma_start3A_14 = tpu.memref_squeeze %dma_start3A_13 : memref<1x128xi32, #tpu.memory_space<vmem>> -> memref<128xi32, #tpu.memory_space<vmem>>
    %dma_start3A_15 = arith.constant 0 : i32
    %dma_start3A_16 = arith.constant 0 : i32
    %dma_start3A_17 = tpu.memref_slice %arg2[%dma_start3A_15, %dma_start3A_16] : memref<10128x128xf32, #tpu.memory_space<hbm>> -> memref<10128x128xf32, #tpu.memory_space<hbm>>
    tpu.enqueue_indirect_dma source(%dma_start3A_17 : memref<10128x128xf32, #tpu.memory_space<hbm>>) target(%dma_start3A_11 : memref<128x128xf32, #tpu.memory_space<vmem>>) offsets(%dma_start3A_14 : memref<128xi32, #tpu.memory_space<vmem>>) semaphore(%arg11 : memref<!tpu.dma_semaphore, #tpu.memory_space<semaphore_mem>>)
    %scan3A = arith.constant 0 : i32
    %scan3A_18 = arith.constant 0 : i32
    %scan3A_19 = arith.constant 40 : i32
    %scan3A_20 = arith.addi %scan3A_18, %scan3A_19 : i32
    %scan3A_21 = arith.constant 1 : i32
    scf.for %scan3A_75 = %scan3A_18 to %scan3A_20 step %scan3A_21  : i32 {
      %rem3A = arith.constant 2 : i32
      %rem3A_76 = arith.remsi %scan3A_75, %rem3A : i32
      %dma_wait3A_77 = arith.constant 0 : i32
      %dma_wait3A_78 = arith.constant 0 : i32
      %dma_wait3A_79 = arith.constant 0 : i32
      %dma_wait3A_80 = tpu.memref_slice %arg9[%rem3A_76, %dma_wait3A_78, %dma_wait3A_79] : memref<2x128x128xf32, #tpu.memory_space<vmem>> -> memref<1x128x128xf32, #tpu.memory_space<vmem>>
      %dma_wait3A_81 = tpu.memref_squeeze %dma_wait3A_80 : memref<1x128x128xf32, #tpu.memory_space<vmem>> -> memref<128x128xf32, #tpu.memory_space<vmem>>
      %dma_wait3A_82 = arith.constant 0 : i32
      %dma_wait3A_83 = tpu.memref_slice %arg7[%dma_wait3A_77, %dma_wait3A_82] : memref<40x128xi32, #tpu.memory_space<vmem>> -> memref<1x128xi32, #tpu.memory_space<vmem>>
      %dma_wait3A_84 = tpu.memref_squeeze %dma_wait3A_83 : memref<1x128xi32, #tpu.memory_space<vmem>> -> memref<128xi32, #tpu.memory_space<vmem>>
      %dma_wait3A_85 = arith.constant 0 : i32
      %dma_wait3A_86 = arith.constant 0 : i32
      %dma_wait3A_87 = tpu.memref_slice %arg2[%dma_wait3A_85, %dma_wait3A_86] : memref<10128x128xf32, #tpu.memory_space<hbm>> -> memref<10128x128xf32, #tpu.memory_space<hbm>>
      tpu.wait_indirect_dma semaphore(%arg11 : memref<!tpu.dma_semaphore, #tpu.memory_space<semaphore_mem>>) src(%dma_wait3A_87 : memref<10128x128xf32, #tpu.memory_space<hbm>>) dst(%dma_wait3A_81 : memref<128x128xf32, #tpu.memory_space<vmem>>)
      %ge3A = arith.constant 1 : i32
      %ge3A_88 = arith.cmpi sge, %scan3A_75, %ge3A : i32
      %convert_element_type3A_89 = arith.extui %ge3A_88 : i1 to i32
      %cond3A_90 = arith.constant 0 : i32
      %cond3A_91 = arith.cmpi ne, %convert_element_type3A_89, %cond3A_90 : i32
      scf.if %cond3A_91 {
        %dma_wait3A_109 = arith.constant 0 : i32
        %dma_wait3A_110 = arith.constant 0 : i32
        %dma_wait3A_111 = arith.constant 0 : i32
        %dma_wait3A_112 = arith.constant 0 : i32
        %dma_wait3A_113 = tpu.memref_slice %arg9[%dma_wait3A_109, %dma_wait3A_111, %dma_wait3A_112] : memref<2x128x128xf32, #tpu.memory_space<vmem>> -> memref<1x128x128xf32, #tpu.memory_space<vmem>>
        %dma_wait3A_114 = tpu.memref_squeeze %dma_wait3A_113 : memref<1x128x128xf32, #tpu.memory_space<vmem>> -> memref<128x128xf32, #tpu.memory_space<vmem>>
        %dma_wait3A_115 = arith.constant 0 : i32
        %dma_wait3A_116 = tpu.memref_slice %arg8[%dma_wait3A_110, %dma_wait3A_115] : memref<40x128xi32, #tpu.memory_space<vmem>> -> memref<1x128xi32, #tpu.memory_space<vmem>>
        %dma_wait3A_117 = tpu.memref_squeeze %dma_wait3A_116 : memref<1x128xi32, #tpu.memory_space<vmem>> -> memref<128xi32, #tpu.memory_space<vmem>>
        %dma_wait3A_118 = arith.constant 0 : i32
        %dma_wait3A_119 = arith.constant 0 : i32
        %dma_wait3A_120 = tpu.memref_slice %arg10[%dma_wait3A_118, %dma_wait3A_119] : memref<10128x128xf32, #tpu.memory_space<vmem_shared>> -> memref<10128x128xf32, #tpu.memory_space<vmem_shared>>
        tpu.wait_indirect_dma semaphore(%arg12 : memref<!tpu.dma_semaphore, #tpu.memory_space<semaphore_mem>>) src(%dma_wait3A_114 : memref<128x128xf32, #tpu.memory_space<vmem>>) dst(%dma_wait3A_120 : memref<10128x128xf32, #tpu.memory_space<vmem_shared>>)
      } else {
      }
      %add3A_92 = arith.constant 1 : i32
      %add3A_93 = arith.addi %scan3A_75, %add3A_92 : i32
      %lt3A_94 = arith.constant 40 : i32
      %lt3A_95 = arith.cmpi slt, %add3A_93, %lt3A_94 : i32
      %convert_element_type3A_96 = arith.extui %lt3A_95 : i1 to i32
      %cond3A_97 = arith.constant 0 : i32
      %cond3A_98 = arith.cmpi ne, %convert_element_type3A_96, %cond3A_97 : i32
      scf.if %cond3A_98 {
        %add3A_109 = arith.constant 1 : i32
        %add3A_110 = arith.addi %scan3A_75, %add3A_109 : i32
        %sub3A = arith.constant 1 : i32
        %sub3A_111 = arith.subi %sub3A, %rem3A_76 : i32
        %dma_start3A_112 = arith.constant 0 : i32
        %dma_start3A_113 = arith.constant 0 : i32
        %dma_start3A_114 = tpu.memref_slice %arg9[%sub3A_111, %dma_start3A_112, %dma_start3A_113] : memref<2x128x128xf32, #tpu.memory_space<vmem>> -> memref<1x128x128xf32, #tpu.memory_space<vmem>>
        %dma_start3A_115 = tpu.memref_squeeze %dma_start3A_114 : memref<1x128x128xf32, #tpu.memory_space<vmem>> -> memref<128x128xf32, #tpu.memory_space<vmem>>
        %dma_start3A_116 = arith.constant 0 : i32
        %dma_start3A_117 = tpu.memref_slice %arg7[%add3A_110, %dma_start3A_116] : memref<40x128xi32, #tpu.memory_space<vmem>> -> memref<1x128xi32, #tpu.memory_space<vmem>>
        %dma_start3A_118 = tpu.memref_squeeze %dma_start3A_117 : memref<1x128xi32, #tpu.memory_space<vmem>> -> memref<128xi32, #tpu.memory_space<vmem>>
        %dma_start3A_119 = arith.constant 0 : i32
        %dma_start3A_120 = arith.constant 0 : i32
        %dma_start3A_121 = tpu.memref_slice %arg2[%dma_start3A_119, %dma_start3A_120] : memref<10128x128xf32, #tpu.memory_space<hbm>> -> memref<10128x128xf32, #tpu.memory_space<hbm>>
        tpu.enqueue_indirect_dma source(%dma_start3A_121 : memref<10128x128xf32, #tpu.memory_space<hbm>>) target(%dma_start3A_115 : memref<128x128xf32, #tpu.memory_space<vmem>>) offsets(%dma_start3A_118 : memref<128xi32, #tpu.memory_space<vmem>>) semaphore(%arg11 : memref<!tpu.dma_semaphore, #tpu.memory_space<semaphore_mem>>)
      } else {
      }
      %dma_start3A_99 = arith.constant 0 : i32
      %dma_start3A_100 = arith.constant 0 : i32
      %dma_start3A_101 = tpu.memref_slice %arg9[%rem3A_76, %dma_start3A_99, %dma_start3A_100] : memref<2x128x128xf32, #tpu.memory_space<vmem>> -> memref<1x128x128xf32, #tpu.memory_space<vmem>>
      %dma_start3A_102 = tpu.memref_squeeze %dma_start3A_101 : memref<1x128x128xf32, #tpu.memory_space<vmem>> -> memref<128x128xf32, #tpu.memory_space<vmem>>
      %dma_start3A_103 = arith.constant 0 : i32
      %dma_start3A_104 = tpu.memref_slice %arg8[%scan3A_75, %dma_start3A_103] : memref<40x128xi32, #tpu.memory_space<vmem>> -> memref<1x128xi32, #tpu.memory_space<vmem>>
      %dma_start3A_105 = tpu.memref_squeeze %dma_start3A_104 : memref<1x128xi32, #tpu.memory_space<vmem>> -> memref<128xi32, #tpu.memory_space<vmem>>
      %dma_start3A_106 = arith.constant 0 : i32
      %dma_start3A_107 = arith.constant 0 : i32
      %dma_start3A_108 = tpu.memref_slice %arg10[%dma_start3A_106, %dma_start3A_107] : memref<10128x128xf32, #tpu.memory_space<vmem_shared>> -> memref<10128x128xf32, #tpu.memory_space<vmem_shared>>
      tpu.enqueue_indirect_dma source(%dma_start3A_102 : memref<128x128xf32, #tpu.memory_space<vmem>>) target(%dma_start3A_108 : memref<10128x128xf32, #tpu.memory_space<vmem_shared>>) offsets(%dma_start3A_105 : memref<128xi32, #tpu.memory_space<vmem>>) semaphore(%arg12 : memref<!tpu.dma_semaphore, #tpu.memory_space<semaphore_mem>>) {add = true}
    }
    %scan3A_22 = arith.constant 40 : i32
    %dma_wait3A = arith.constant 0 : i32
    %dma_wait3A_23 = arith.constant 0 : i32
    %dma_wait3A_24 = arith.constant 0 : i32
    %dma_wait3A_25 = arith.constant 0 : i32
    %dma_wait3A_26 = tpu.memref_slice %arg9[%dma_wait3A, %dma_wait3A_24, %dma_wait3A_25] : memref<2x128x128xf32, #tpu.memory_space<vmem>> -> memref<1x128x128xf32, #tpu.memory_space<vmem>>
    %dma_wait3A_27 = tpu.memref_squeeze %dma_wait3A_26 : memref<1x128x128xf32, #tpu.memory_space<vmem>> -> memref<128x128xf32, #tpu.memory_space<vmem>>
    %dma_wait3A_28 = arith.constant 0 : i32
    %dma_wait3A_29 = tpu.memref_slice %arg8[%dma_wait3A_23, %dma_wait3A_28] : memref<40x128xi32, #tpu.memory_space<vmem>> -> memref<1x128xi32, #tpu.memory_space<vmem>>
    %dma_wait3A_30 = tpu.memref_squeeze %dma_wait3A_29 : memref<1x128xi32, #tpu.memory_space<vmem>> -> memref<128xi32, #tpu.memory_space<vmem>>
    %dma_wait3A_31 = arith.constant 0 : i32
    %dma_wait3A_32 = arith.constant 0 : i32
    %dma_wait3A_33 = tpu.memref_slice %arg10[%dma_wait3A_31, %dma_wait3A_32] : memref<10128x128xf32, #tpu.memory_space<vmem_shared>> -> memref<10128x128xf32, #tpu.memory_space<vmem_shared>>
    tpu.wait_indirect_dma semaphore(%arg12 : memref<!tpu.dma_semaphore, #tpu.memory_space<semaphore_mem>>) src(%dma_wait3A_27 : memref<128x128xf32, #tpu.memory_space<vmem>>) dst(%dma_wait3A_33 : memref<10128x128xf32, #tpu.memory_space<vmem_shared>>)
    "tpu.region"() ({
      %run_scoped3A = tpu.sem_alloc : memref<!tpu.dma_semaphore, #tpu.memory_space<semaphore_mem>>
      %dma_start3A_75 = arith.constant 0 : i32
      %dma_start3A_76 = arith.constant 0 : i32
      %dma_start3A_77 = tpu.memref_slice %arg3[%add3A, %dma_start3A_75, %dma_start3A_76] : memref<32x80x128xi32, #tpu.memory_space<hbm>> -> memref<1x80x128xi32, #tpu.memory_space<hbm>>
      %dma_start3A_78 = tpu.memref_squeeze %dma_start3A_77 : memref<1x80x128xi32, #tpu.memory_space<hbm>> -> memref<80x128xi32, #tpu.memory_space<hbm>>
      %dma_start3A_79 = arith.constant 40 : i32
      %dma_start3A_80 = arith.constant 0 : i32
      %dma_start3A_81 = tpu.memref_slice %dma_start3A_78[%dma_start3A_79, %dma_start3A_80] : memref<80x128xi32, #tpu.memory_space<hbm>> -> memref<40x128xi32, #tpu.memory_space<hbm>>
      %dma_start3A_82 = arith.constant 0 : i32
      %dma_start3A_83 = arith.constant 0 : i32
      %dma_start3A_84 = tpu.memref_slice %arg3[%add3A, %dma_start3A_82, %dma_start3A_83] : memref<32x80x128xi32, #tpu.memory_space<hbm>> -> memref<1x80x128xi32, #tpu.memory_space<hbm>>
      %dma_start3A_85 = tpu.memref_squeeze %dma_start3A_84 : memref<1x80x128xi32, #tpu.memory_space<hbm>> -> memref<80x128xi32, #tpu.memory_space<hbm>>
      %dma_start3A_86 = arith.constant 40 : i32
      %dma_start3A_87 = arith.constant 0 : i32
      %dma_start3A_88 = tpu.memref_slice %dma_start3A_85[%dma_start3A_86, %dma_start3A_87] : memref<80x128xi32, #tpu.memory_space<hbm>> -> memref<40x128xi32, #tpu.memory_space<hbm>>
      tpu.enqueue_dma source(%dma_start3A_88 : memref<40x128xi32, #tpu.memory_space<hbm>>) target(%arg7 : memref<40x128xi32, #tpu.memory_space<vmem>>) target_semaphore(%run_scoped3A : memref<!tpu.dma_semaphore, #tpu.memory_space<semaphore_mem>>)
      %dma_wait3A_89 = arith.constant 0 : i32
      %dma_wait3A_90 = arith.constant 0 : i32
      %dma_wait3A_91 = tpu.memref_slice %arg3[%add3A, %dma_wait3A_89, %dma_wait3A_90] : memref<32x80x128xi32, #tpu.memory_space<hbm>> -> memref<1x80x128xi32, #tpu.memory_space<hbm>>
      %dma_wait3A_92 = tpu.memref_squeeze %dma_wait3A_91 : memref<1x80x128xi32, #tpu.memory_space<hbm>> -> memref<80x128xi32, #tpu.memory_space<hbm>>
      %dma_wait3A_93 = arith.constant 40 : i32
      %dma_wait3A_94 = arith.constant 0 : i32
      %dma_wait3A_95 = tpu.memref_slice %dma_wait3A_92[%dma_wait3A_93, %dma_wait3A_94] : memref<80x128xi32, #tpu.memory_space<hbm>> -> memref<40x128xi32, #tpu.memory_space<hbm>>
      %dma_wait3A_96 = arith.constant 0 : i32
      %dma_wait3A_97 = arith.constant 0 : i32
      %dma_wait3A_98 = tpu.memref_slice %arg3[%add3A, %dma_wait3A_96, %dma_wait3A_97] : memref<32x80x128xi32, #tpu.memory_space<hbm>> -> memref<1x80x128xi32, #tpu.memory_space<hbm>>
      %dma_wait3A_99 = tpu.memref_squeeze %dma_wait3A_98 : memref<1x80x128xi32, #tpu.memory_space<hbm>> -> memref<80x128xi32, #tpu.memory_space<hbm>>
      %dma_wait3A_100 = arith.constant 40 : i32
      %dma_wait3A_101 = arith.constant 0 : i32
      %dma_wait3A_102 = tpu.memref_slice %dma_wait3A_99[%dma_wait3A_100, %dma_wait3A_101] : memref<80x128xi32, #tpu.memory_space<hbm>> -> memref<40x128xi32, #tpu.memory_space<hbm>>
      tpu.wait_dma2 semaphore(%run_scoped3A : memref<!tpu.dma_semaphore, #tpu.memory_space<semaphore_mem>>) src(%dma_wait3A_102 : memref<40x128xi32, #tpu.memory_space<hbm>>) dst(%arg7 : memref<40x128xi32, #tpu.memory_space<vmem>>)
      tpu.yield
    }) : () -> ()
    "tpu.region"() ({
      %run_scoped3A = tpu.sem_alloc : memref<!tpu.dma_semaphore, #tpu.memory_space<semaphore_mem>>
      %dma_start3A_75 = arith.constant 0 : i32
      %dma_start3A_76 = arith.constant 0 : i32
      %dma_start3A_77 = tpu.memref_slice %arg4[%add3A, %dma_start3A_75, %dma_start3A_76] : memref<32x80x128xi32, #tpu.memory_space<hbm>> -> memref<1x80x128xi32, #tpu.memory_space<hbm>>
      %dma_start3A_78 = tpu.memref_squeeze %dma_start3A_77 : memref<1x80x128xi32, #tpu.memory_space<hbm>> -> memref<80x128xi32, #tpu.memory_space<hbm>>
      %dma_start3A_79 = arith.constant 40 : i32
      %dma_start3A_80 = arith.constant 0 : i32
      %dma_start3A_81 = tpu.memref_slice %dma_start3A_78[%dma_start3A_79, %dma_start3A_80] : memref<80x128xi32, #tpu.memory_space<hbm>> -> memref<40x128xi32, #tpu.memory_space<hbm>>
      %dma_start3A_82 = arith.constant 0 : i32
      %dma_start3A_83 = arith.constant 0 : i32
      %dma_start3A_84 = tpu.memref_slice %arg4[%add3A, %dma_start3A_82, %dma_start3A_83] : memref<32x80x128xi32, #tpu.memory_space<hbm>> -> memref<1x80x128xi32, #tpu.memory_space<hbm>>
      %dma_start3A_85 = tpu.memref_squeeze %dma_start3A_84 : memref<1x80x128xi32, #tpu.memory_space<hbm>> -> memref<80x128xi32, #tpu.memory_space<hbm>>
      %dma_start3A_86 = arith.constant 40 : i32
      %dma_start3A_87 = arith.constant 0 : i32
      %dma_start3A_88 = tpu.memref_slice %dma_start3A_85[%dma_start3A_86, %dma_start3A_87] : memref<80x128xi32, #tpu.memory_space<hbm>> -> memref<40x128xi32, #tpu.memory_space<hbm>>
      tpu.enqueue_dma source(%dma_start3A_88 : memref<40x128xi32, #tpu.memory_space<hbm>>) target(%arg8 : memref<40x128xi32, #tpu.memory_space<vmem>>) target_semaphore(%run_scoped3A : memref<!tpu.dma_semaphore, #tpu.memory_space<semaphore_mem>>)
      %dma_wait3A_89 = arith.constant 0 : i32
      %dma_wait3A_90 = arith.constant 0 : i32
      %dma_wait3A_91 = tpu.memref_slice %arg4[%add3A, %dma_wait3A_89, %dma_wait3A_90] : memref<32x80x128xi32, #tpu.memory_space<hbm>> -> memref<1x80x128xi32, #tpu.memory_space<hbm>>
      %dma_wait3A_92 = tpu.memref_squeeze %dma_wait3A_91 : memref<1x80x128xi32, #tpu.memory_space<hbm>> -> memref<80x128xi32, #tpu.memory_space<hbm>>
      %dma_wait3A_93 = arith.constant 40 : i32
      %dma_wait3A_94 = arith.constant 0 : i32
      %dma_wait3A_95 = tpu.memref_slice %dma_wait3A_92[%dma_wait3A_93, %dma_wait3A_94] : memref<80x128xi32, #tpu.memory_space<hbm>> -> memref<40x128xi32, #tpu.memory_space<hbm>>
      %dma_wait3A_96 = arith.constant 0 : i32
      %dma_wait3A_97 = arith.constant 0 : i32
      %dma_wait3A_98 = tpu.memref_slice %arg4[%add3A, %dma_wait3A_96, %dma_wait3A_97] : memref<32x80x128xi32, #tpu.memory_space<hbm>> -> memref<1x80x128xi32, #tpu.memory_space<hbm>>
      %dma_wait3A_99 = tpu.memref_squeeze %dma_wait3A_98 : memref<1x80x128xi32, #tpu.memory_space<hbm>> -> memref<80x128xi32, #tpu.memory_space<hbm>>
      %dma_wait3A_100 = arith.constant 40 : i32
      %dma_wait3A_101 = arith.constant 0 : i32
      %dma_wait3A_102 = tpu.memref_slice %dma_wait3A_99[%dma_wait3A_100, %dma_wait3A_101] : memref<80x128xi32, #tpu.memory_space<hbm>> -> memref<40x128xi32, #tpu.memory_space<hbm>>
      tpu.wait_dma2 semaphore(%run_scoped3A : memref<!tpu.dma_semaphore, #tpu.memory_space<semaphore_mem>>) src(%dma_wait3A_102 : memref<40x128xi32, #tpu.memory_space<hbm>>) dst(%arg8 : memref<40x128xi32, #tpu.memory_space<vmem>>)
      tpu.yield
    }) : () -> ()
    %dma_start3A_34 = arith.constant 0 : i32
    %dma_start3A_35 = arith.constant 0 : i32
    %dma_start3A_36 = arith.constant 0 : i32
    %dma_start3A_37 = arith.constant 0 : i32
    %dma_start3A_38 = tpu.memref_slice %arg9[%dma_start3A_35, %dma_start3A_36, %dma_start3A_37] : memref<2x128x128xf32, #tpu.memory_space<vmem>> -> memref<1x128x128xf32, #tpu.memory_space<vmem>>
    %dma_start3A_39 = tpu.memref_squeeze %dma_start3A_38 : memref<1x128x128xf32, #tpu.memory_space<vmem>> -> memref<128x128xf32, #tpu.memory_space<vmem>>
    %dma_start3A_40 = arith.constant 0 : i32
    %dma_start3A_41 = tpu.memref_slice %arg7[%dma_start3A_34, %dma_start3A_40] : memref<40x128xi32, #tpu.memory_space<vmem>> -> memref<1x128xi32, #tpu.memory_space<vmem>>
    %dma_start3A_42 = tpu.memref_squeeze %dma_start3A_41 : memref<1x128xi32, #tpu.memory_space<vmem>> -> memref<128xi32, #tpu.memory_space<vmem>>
    %dma_start3A_43 = arith.constant 0 : i32
    %dma_start3A_44 = arith.constant 0 : i32
    %dma_start3A_45 = tpu.memref_slice %arg2[%dma_start3A_43, %dma_start3A_44] : memref<10128x128xf32, #tpu.memory_space<hbm>> -> memref<10128x128xf32, #tpu.memory_space<hbm>>
    tpu.enqueue_indirect_dma source(%dma_start3A_45 : memref<10128x128xf32, #tpu.memory_space<hbm>>) target(%dma_start3A_39 : memref<128x128xf32, #tpu.memory_space<vmem>>) offsets(%dma_start3A_42 : memref<128xi32, #tpu.memory_space<vmem>>) semaphore(%arg11 : memref<!tpu.dma_semaphore, #tpu.memory_space<semaphore_mem>>)
    %scan3A_46 = arith.constant 0 : i32
    %scan3A_47 = arith.constant 0 : i32
    %scan3A_48 = arith.constant 40 : i32
    %scan3A_49 = arith.addi %scan3A_47, %scan3A_48 : i32
    %scan3A_50 = arith.constant 1 : i32
    scf.for %scan3A_75 = %scan3A_47 to %scan3A_49 step %scan3A_50  : i32 {
      %rem3A = arith.constant 2 : i32
      %rem3A_76 = arith.remsi %scan3A_75, %rem3A : i32
      %dma_wait3A_77 = arith.constant 0 : i32
      %dma_wait3A_78 = arith.constant 0 : i32
      %dma_wait3A_79 = arith.constant 0 : i32
      %dma_wait3A_80 = tpu.memref_slice %arg9[%rem3A_76, %dma_wait3A_78, %dma_wait3A_79] : memref<2x128x128xf32, #tpu.memory_space<vmem>> -> memref<1x128x128xf32, #tpu.memory_space<vmem>>
      %dma_wait3A_81 = tpu.memref_squeeze %dma_wait3A_80 : memref<1x128x128xf32, #tpu.memory_space<vmem>> -> memref<128x128xf32, #tpu.memory_space<vmem>>
      %dma_wait3A_82 = arith.constant 0 : i32
      %dma_wait3A_83 = tpu.memref_slice %arg7[%dma_wait3A_77, %dma_wait3A_82] : memref<40x128xi32, #tpu.memory_space<vmem>> -> memref<1x128xi32, #tpu.memory_space<vmem>>
      %dma_wait3A_84 = tpu.memref_squeeze %dma_wait3A_83 : memref<1x128xi32, #tpu.memory_space<vmem>> -> memref<128xi32, #tpu.memory_space<vmem>>
      %dma_wait3A_85 = arith.constant 0 : i32
      %dma_wait3A_86 = arith.constant 0 : i32
      %dma_wait3A_87 = tpu.memref_slice %arg2[%dma_wait3A_85, %dma_wait3A_86] : memref<10128x128xf32, #tpu.memory_space<hbm>> -> memref<10128x128xf32, #tpu.memory_space<hbm>>
      tpu.wait_indirect_dma semaphore(%arg11 : memref<!tpu.dma_semaphore, #tpu.memory_space<semaphore_mem>>) src(%dma_wait3A_87 : memref<10128x128xf32, #tpu.memory_space<hbm>>) dst(%dma_wait3A_81 : memref<128x128xf32, #tpu.memory_space<vmem>>)
      %ge3A = arith.constant 1 : i32
      %ge3A_88 = arith.cmpi sge, %scan3A_75, %ge3A : i32
      %convert_element_type3A_89 = arith.extui %ge3A_88 : i1 to i32
      %cond3A_90 = arith.constant 0 : i32
      %cond3A_91 = arith.cmpi ne, %convert_element_type3A_89, %cond3A_90 : i32
      scf.if %cond3A_91 {
        %dma_wait3A_109 = arith.constant 0 : i32
        %dma_wait3A_110 = arith.constant 0 : i32
        %dma_wait3A_111 = arith.constant 0 : i32
        %dma_wait3A_112 = arith.constant 0 : i32
        %dma_wait3A_113 = tpu.memref_slice %arg9[%dma_wait3A_109, %dma_wait3A_111, %dma_wait3A_112] : memref<2x128x128xf32, #tpu.memory_space<vmem>> -> memref<1x128x128xf32, #tpu.memory_space<vmem>>
        %dma_wait3A_114 = tpu.memref_squeeze %dma_wait3A_113 : memref<1x128x128xf32, #tpu.memory_space<vmem>> -> memref<128x128xf32, #tpu.memory_space<vmem>>
        %dma_wait3A_115 = arith.constant 0 : i32
        %dma_wait3A_116 = tpu.memref_slice %arg8[%dma_wait3A_110, %dma_wait3A_115] : memref<40x128xi32, #tpu.memory_space<vmem>> -> memref<1x128xi32, #tpu.memory_space<vmem>>
        %dma_wait3A_117 = tpu.memref_squeeze %dma_wait3A_116 : memref<1x128xi32, #tpu.memory_space<vmem>> -> memref<128xi32, #tpu.memory_space<vmem>>
        %dma_wait3A_118 = arith.constant 0 : i32
        %dma_wait3A_119 = arith.constant 0 : i32
        %dma_wait3A_120 = tpu.memref_slice %arg10[%dma_wait3A_118, %dma_wait3A_119] : memref<10128x128xf32, #tpu.memory_space<vmem_shared>> -> memref<10128x128xf32, #tpu.memory_space<vmem_shared>>
        tpu.wait_indirect_dma semaphore(%arg12 : memref<!tpu.dma_semaphore, #tpu.memory_space<semaphore_mem>>) src(%dma_wait3A_114 : memref<128x128xf32, #tpu.memory_space<vmem>>) dst(%dma_wait3A_120 : memref<10128x128xf32, #tpu.memory_space<vmem_shared>>)
      } else {
      }
      %add3A_92 = arith.constant 1 : i32
      %add3A_93 = arith.addi %scan3A_75, %add3A_92 : i32
      %lt3A_94 = arith.constant 40 : i32
      %lt3A_95 = arith.cmpi slt, %add3A_93, %lt3A_94 : i32
      %convert_element_type3A_96 = arith.extui %lt3A_95 : i1 to i32
      %cond3A_97 = arith.constant 0 : i32
      %cond3A_98 = arith.cmpi ne, %convert_element_type3A_96, %cond3A_97 : i32
      scf.if %cond3A_98 {
        %add3A_109 = arith.constant 1 : i32
        %add3A_110 = arith.addi %scan3A_75, %add3A_109 : i32
        %sub3A = arith.constant 1 : i32
        %sub3A_111 = arith.subi %sub3A, %rem3A_76 : i32
        %dma_start3A_112 = arith.constant 0 : i32
        %dma_start3A_113 = arith.constant 0 : i32
        %dma_start3A_114 = tpu.memref_slice %arg9[%sub3A_111, %dma_start3A_112, %dma_start3A_113] : memref<2x128x128xf32, #tpu.memory_space<vmem>> -> memref<1x128x128xf32, #tpu.memory_space<vmem>>
        %dma_start3A_115 = tpu.memref_squeeze %dma_start3A_114 : memref<1x128x128xf32, #tpu.memory_space<vmem>> -> memref<128x128xf32, #tpu.memory_space<vmem>>
        %dma_start3A_116 = arith.constant 0 : i32
        %dma_start3A_117 = tpu.memref_slice %arg7[%add3A_110, %dma_start3A_116] : memref<40x128xi32, #tpu.memory_space<vmem>> -> memref<1x128xi32, #tpu.memory_space<vmem>>
        %dma_start3A_118 = tpu.memref_squeeze %dma_start3A_117 : memref<1x128xi32, #tpu.memory_space<vmem>> -> memref<128xi32, #tpu.memory_space<vmem>>
        %dma_start3A_119 = arith.constant 0 : i32
        %dma_start3A_120 = arith.constant 0 : i32
        %dma_start3A_121 = tpu.memref_slice %arg2[%dma_start3A_119, %dma_start3A_120] : memref<10128x128xf32, #tpu.memory_space<hbm>> -> memref<10128x128xf32, #tpu.memory_space<hbm>>
        tpu.enqueue_indirect_dma source(%dma_start3A_121 : memref<10128x128xf32, #tpu.memory_space<hbm>>) target(%dma_start3A_115 : memref<128x128xf32, #tpu.memory_space<vmem>>) offsets(%dma_start3A_118 : memref<128xi32, #tpu.memory_space<vmem>>) semaphore(%arg11 : memref<!tpu.dma_semaphore, #tpu.memory_space<semaphore_mem>>)
      } else {
      }
      %dma_start3A_99 = arith.constant 0 : i32
      %dma_start3A_100 = arith.constant 0 : i32
      %dma_start3A_101 = tpu.memref_slice %arg9[%rem3A_76, %dma_start3A_99, %dma_start3A_100] : memref<2x128x128xf32, #tpu.memory_space<vmem>> -> memref<1x128x128xf32, #tpu.memory_space<vmem>>
      %dma_start3A_102 = tpu.memref_squeeze %dma_start3A_101 : memref<1x128x128xf32, #tpu.memory_space<vmem>> -> memref<128x128xf32, #tpu.memory_space<vmem>>
      %dma_start3A_103 = arith.constant 0 : i32
      %dma_start3A_104 = tpu.memref_slice %arg8[%scan3A_75, %dma_start3A_103] : memref<40x128xi32, #tpu.memory_space<vmem>> -> memref<1x128xi32, #tpu.memory_space<vmem>>
      %dma_start3A_105 = tpu.memref_squeeze %dma_start3A_104 : memref<1x128xi32, #tpu.memory_space<vmem>> -> memref<128xi32, #tpu.memory_space<vmem>>
      %dma_start3A_106 = arith.constant 0 : i32
      %dma_start3A_107 = arith.constant 0 : i32
      %dma_start3A_108 = tpu.memref_slice %arg10[%dma_start3A_106, %dma_start3A_107] : memref<10128x128xf32, #tpu.memory_space<vmem_shared>> -> memref<10128x128xf32, #tpu.memory_space<vmem_shared>>
      tpu.enqueue_indirect_dma source(%dma_start3A_102 : memref<128x128xf32, #tpu.memory_space<vmem>>) target(%dma_start3A_108 : memref<10128x128xf32, #tpu.memory_space<vmem_shared>>) offsets(%dma_start3A_105 : memref<128xi32, #tpu.memory_space<vmem>>) semaphore(%arg12 : memref<!tpu.dma_semaphore, #tpu.memory_space<semaphore_mem>>) {add = true}
    }
    %scan3A_51 = arith.constant 40 : i32
    %dma_wait3A_52 = arith.constant 0 : i32
    %dma_wait3A_53 = arith.constant 0 : i32
    %dma_wait3A_54 = arith.constant 0 : i32
    %dma_wait3A_55 = arith.constant 0 : i32
    %dma_wait3A_56 = tpu.memref_slice %arg9[%dma_wait3A_52, %dma_wait3A_54, %dma_wait3A_55] : memref<2x128x128xf32, #tpu.memory_space<vmem>> -> memref<1x128x128xf32, #tpu.memory_space<vmem>>
    %dma_wait3A_57 = tpu.memref_squeeze %dma_wait3A_56 : memref<1x128x128xf32, #tpu.memory_space<vmem>> -> memref<128x128xf32, #tpu.memory_space<vmem>>
    %dma_wait3A_58 = arith.constant 0 : i32
    %dma_wait3A_59 = tpu.memref_slice %arg8[%dma_wait3A_53, %dma_wait3A_58] : memref<40x128xi32, #tpu.memory_space<vmem>> -> memref<1x128xi32, #tpu.memory_space<vmem>>
    %dma_wait3A_60 = tpu.memref_squeeze %dma_wait3A_59 : memref<1x128xi32, #tpu.memory_space<vmem>> -> memref<128xi32, #tpu.memory_space<vmem>>
    %dma_wait3A_61 = arith.constant 0 : i32
    %dma_wait3A_62 = arith.constant 0 : i32
    %dma_wait3A_63 = tpu.memref_slice %arg10[%dma_wait3A_61, %dma_wait3A_62] : memref<10128x128xf32, #tpu.memory_space<vmem_shared>> -> memref<10128x128xf32, #tpu.memory_space<vmem_shared>>
    tpu.wait_indirect_dma semaphore(%arg12 : memref<!tpu.dma_semaphore, #tpu.memory_space<semaphore_mem>>) src(%dma_wait3A_57 : memref<128x128xf32, #tpu.memory_space<vmem>>) dst(%dma_wait3A_63 : memref<10128x128xf32, #tpu.memory_space<vmem_shared>>)
    %barrier3A_64 = arith.constant 0 : index
    tpu.barrier barrier_id(%barrier3A_64)
    %lt3A_65 = arith.constant 15 : i32
    %lt3A_66 = arith.cmpi slt, %arg1, %lt3A_65 : i32
    %convert_element_type3A_67 = arith.extui %lt3A_66 : i1 to i32
    %cond3A_68 = arith.constant 0 : i32
    %cond3A_69 = arith.cmpi ne, %convert_element_type3A_67, %cond3A_68 : i32
    scf.if %cond3A_69 {
      %mul3A_75 = arith.constant 632 : i32
      %mul3A_76 = arith.muli %arg1, %mul3A_75 : i32
      %mul3A_77 = arith.constant 632 : i32
      %mul3A_78 = arith.muli %arg1, %mul3A_77 : i32
      "tpu.region"() ({
        %run_scoped3A = tpu.sem_alloc : memref<!tpu.dma_semaphore, #tpu.memory_space<semaphore_mem>>
        %dma_start3A_79 = arith.constant 0 : i32
        %dma_start3A_80 = arith.constant 0 : i32
        %dma_start3A_81 = tpu.memref_slice %arg6[%arg0, %dma_start3A_79, %dma_start3A_80] : memref<2x10000x128xf32, #tpu.memory_space<hbm>> -> memref<1x10000x128xf32, #tpu.memory_space<hbm>>
        %dma_start3A_82 = tpu.memref_squeeze %dma_start3A_81 : memref<1x10000x128xf32, #tpu.memory_space<hbm>> -> memref<10000x128xf32, #tpu.memory_space<hbm>>
        %dma_start3A_83 = arith.constant 0 : i32
        %dma_start3A_84 = tpu.memref_slice %dma_start3A_82[%mul3A_78, %dma_start3A_83] : memref<10000x128xf32, #tpu.memory_space<hbm>> -> memref<632x128xf32, #tpu.memory_space<hbm>>
        %dma_start3A_85 = arith.constant 0 : i32
        %dma_start3A_86 = tpu.memref_slice %arg10[%mul3A_76, %dma_start3A_85] : memref<10128x128xf32, #tpu.memory_space<vmem_shared>> -> memref<632x128xf32, #tpu.memory_space<vmem_shared>>
        tpu.enqueue_dma source(%dma_start3A_86 : memref<632x128xf32, #tpu.memory_space<vmem_shared>>) target(%dma_start3A_84 : memref<632x128xf32, #tpu.memory_space<hbm>>) target_semaphore(%run_scoped3A : memref<!tpu.dma_semaphore, #tpu.memory_space<semaphore_mem>>)
        %dma_wait3A_87 = arith.constant 0 : i32
        %dma_wait3A_88 = arith.constant 0 : i32
        %dma_wait3A_89 = tpu.memref_slice %arg6[%arg0, %dma_wait3A_87, %dma_wait3A_88] : memref<2x10000x128xf32, #tpu.memory_space<hbm>> -> memref<1x10000x128xf32, #tpu.memory_space<hbm>>
        %dma_wait3A_90 = tpu.memref_squeeze %dma_wait3A_89 : memref<1x10000x128xf32, #tpu.memory_space<hbm>> -> memref<10000x128xf32, #tpu.memory_space<hbm>>
        %dma_wait3A_91 = arith.constant 0 : i32
        %dma_wait3A_92 = tpu.memref_slice %dma_wait3A_90[%mul3A_78, %dma_wait3A_91] : memref<10000x128xf32, #tpu.memory_space<hbm>> -> memref<632x128xf32, #tpu.memory_space<hbm>>
        %dma_wait3A_93 = arith.constant 0 : i32
        %dma_wait3A_94 = tpu.memref_slice %arg10[%mul3A_76, %dma_wait3A_93] : memref<10128x128xf32, #tpu.memory_space<vmem_shared>> -> memref<632x128xf32, #tpu.memory_space<vmem_shared>>
        tpu.wait_dma2 semaphore(%run_scoped3A : memref<!tpu.dma_semaphore, #tpu.memory_space<semaphore_mem>>) src(%dma_wait3A_94 : memref<632x128xf32, #tpu.memory_space<vmem_shared>>) dst(%dma_wait3A_92 : memref<632x128xf32, #tpu.memory_space<hbm>>)
        tpu.yield
      }) : () -> ()
    } else {
    }
    %eq3A_70 = arith.constant 15 : i32
    %eq3A_71 = arith.cmpi eq, %arg1, %eq3A_70 : i32
    %convert_element_type3A_72 = arith.extui %eq3A_71 : i1 to i32
    %cond3A_73 = arith.constant 0 : i32
    %cond3A_74 = arith.cmpi ne, %convert_element_type3A_72, %cond3A_73 : i32
    scf.if %cond3A_74 {
      "tpu.region"() ({
        %run_scoped3A = tpu.sem_alloc : memref<!tpu.dma_semaphore, #tpu.memory_space<semaphore_mem>>
        %dma_start3A_75 = arith.constant 0 : i32
        %dma_start3A_76 = arith.constant 0 : i32
        %dma_start3A_77 = tpu.memref_slice %arg6[%arg0, %dma_start3A_75, %dma_start3A_76] : memref<2x10000x128xf32, #tpu.memory_space<hbm>> -> memref<1x10000x128xf32, #tpu.memory_space<hbm>>
        %dma_start3A_78 = tpu.memref_squeeze %dma_start3A_77 : memref<1x10000x128xf32, #tpu.memory_space<hbm>> -> memref<10000x128xf32, #tpu.memory_space<hbm>>
        %dma_start3A_79 = arith.constant 9480 : i32
        %dma_start3A_80 = arith.constant 0 : i32
        %dma_start3A_81 = tpu.memref_slice %dma_start3A_78[%dma_start3A_79, %dma_start3A_80] : memref<10000x128xf32, #tpu.memory_space<hbm>> -> memref<520x128xf32, #tpu.memory_space<hbm>>
        %dma_start3A_82 = arith.constant 9480 : i32
        %dma_start3A_83 = arith.constant 0 : i32
        %dma_start3A_84 = tpu.memref_slice %arg10[%dma_start3A_82, %dma_start3A_83] : memref<10128x128xf32, #tpu.memory_space<vmem_shared>> -> memref<520x128xf32, #tpu.memory_space<vmem_shared>>
        tpu.enqueue_dma source(%dma_start3A_84 : memref<520x128xf32, #tpu.memory_space<vmem_shared>>) target(%dma_start3A_81 : memref<520x128xf32, #tpu.memory_space<hbm>>) target_semaphore(%run_scoped3A : memref<!tpu.dma_semaphore, #tpu.memory_space<semaphore_mem>>)
        %dma_wait3A_85 = arith.constant 0 : i32
        %dma_wait3A_86 = arith.constant 0 : i32
        %dma_wait3A_87 = tpu.memref_slice %arg6[%arg0, %dma_wait3A_85, %dma_wait3A_86] : memref<2x10000x128xf32, #tpu.memory_space<hbm>> -> memref<1x10000x128xf32, #tpu.memory_space<hbm>>
        %dma_wait3A_88 = tpu.memref_squeeze %dma_wait3A_87 : memref<1x10000x128xf32, #tpu.memory_space<hbm>> -> memref<10000x128xf32, #tpu.memory_space<hbm>>
        %dma_wait3A_89 = arith.constant 9480 : i32
        %dma_wait3A_90 = arith.constant 0 : i32
        %dma_wait3A_91 = tpu.memref_slice %dma_wait3A_88[%dma_wait3A_89, %dma_wait3A_90] : memref<10000x128xf32, #tpu.memory_space<hbm>> -> memref<520x128xf32, #tpu.memory_space<hbm>>
        %dma_wait3A_92 = arith.constant 9480 : i32
        %dma_wait3A_93 = arith.constant 0 : i32
        %dma_wait3A_94 = tpu.memref_slice %arg10[%dma_wait3A_92, %dma_wait3A_93] : memref<10128x128xf32, #tpu.memory_space<vmem_shared>> -> memref<520x128xf32, #tpu.memory_space<vmem_shared>>
        tpu.wait_dma2 semaphore(%run_scoped3A : memref<!tpu.dma_semaphore, #tpu.memory_space<semaphore_mem>>) src(%dma_wait3A_94 : memref<520x128xf32, #tpu.memory_space<vmem_shared>>) dst(%dma_wait3A_91 : memref<520x128xf32, #tpu.memory_space<hbm>>)
        tpu.yield
      }) : () -> ()
    } else {
    }
    return
  }
}

module attributes {stable_mosaic.version = 14 : i64} {
  func.func @body(%arg0: memref<4x10000x128xf32, #tpu.memory_space<vmem>>, %arg1: memref<10128x128xf32, #tpu.memory_space<vmem>>, %arg2: memref<128x128xf32, #tpu.memory_space<vmem>>, %arg3: memref<10000x128xf32, #tpu.memory_space<vmem>>, %arg4: memref<10000x128xf32, #tpu.memory_space<vmem>>, %arg5: memref<10128x128xf32, #tpu.memory_space<vmem>>) attributes {dimension_semantics = [], scalar_prefetch = 0 : i64, scratch_operands = 0 : i64, tpu.core_type = #tpu.core_type<tc>} {
    %get3A = arith.constant 0 : index
    %get3A_0 = arith.constant 0 : index
    %get3A_1 = arith.constant 0 : index
    %get3A_2 = vector.load %arg0[%get3A, %get3A_0, %get3A_1] : memref<4x10000x128xf32, #tpu.memory_space<vmem>>, vector<1x10000x1xf32>
    %get3A_3 = vector.shape_cast %get3A_2 : vector<1x10000x1xf32> to vector<10000x1xf32>
    %get3A_4 = arith.constant 2 : index
    %get3A_5 = arith.constant 0 : index
    %get3A_6 = arith.constant 0 : index
    %get3A_7 = vector.load %arg0[%get3A_4, %get3A_5, %get3A_6] : memref<4x10000x128xf32, #tpu.memory_space<vmem>>, vector<1x10000x1xf32>
    %get3A_8 = vector.shape_cast %get3A_7 : vector<1x10000x1xf32> to vector<10000x1xf32>
    %add3A = arith.addf %get3A_3, %get3A_8 : vector<10000x1xf32>
    %get3A_9 = arith.constant 1 : index
    %get3A_10 = arith.constant 0 : index
    %get3A_11 = arith.constant 0 : index
    %get3A_12 = vector.load %arg0[%get3A_9, %get3A_10, %get3A_11] : memref<4x10000x128xf32, #tpu.memory_space<vmem>>, vector<1x10000x1xf32>
    %get3A_13 = vector.shape_cast %get3A_12 : vector<1x10000x1xf32> to vector<10000x1xf32>
    %get3A_14 = arith.constant 3 : index
    %get3A_15 = arith.constant 0 : index
    %get3A_16 = arith.constant 0 : index
    %get3A_17 = vector.load %arg0[%get3A_14, %get3A_15, %get3A_16] : memref<4x10000x128xf32, #tpu.memory_space<vmem>>, vector<1x10000x1xf32>
    %get3A_18 = vector.shape_cast %get3A_17 : vector<1x10000x1xf32> to vector<10000x1xf32>
    %add3A_19 = arith.addf %get3A_13, %get3A_18 : vector<10000x1xf32>
    %max3A = arith.constant 1.000000e+00 : f32
    %max3A_20 = vector.broadcast %max3A : f32 to vector<10000x1xf32>
    %max3A_21 = arith.maximumf %add3A, %max3A_20 : vector<10000x1xf32>
    %rsqrt3A = math.rsqrt %max3A_21 : vector<10000x1xf32>
    %max3A_22 = arith.constant 1.000000e+00 : f32
    %max3A_23 = vector.broadcast %max3A_22 : f32 to vector<10000x1xf32>
    %max3A_24 = arith.maximumf %add3A_19, %max3A_23 : vector<10000x1xf32>
    %rsqrt3A_25 = math.rsqrt %max3A_24 : vector<10000x1xf32>
    %broadcast_in_dim3A = vector.shape_cast %rsqrt3A : vector<10000x1xf32> to vector<10000x1xf32>
    %broadcast_in_dim3A_26 = vector.broadcast %broadcast_in_dim3A : vector<10000x1xf32> to vector<10000x128xf32>
    %broadcast_in_dim3A_27 = vector.shape_cast %rsqrt3A_25 : vector<10000x1xf32> to vector<10000x1xf32>
    %broadcast_in_dim3A_28 = vector.broadcast %broadcast_in_dim3A_27 : vector<10000x1xf32> to vector<10000x128xf32>
    %swap3A = arith.constant 0 : index
    %swap3A_29 = arith.constant 0 : index
    %swap3A_30 = vector.load %arg3[%swap3A, %swap3A_29] : memref<10000x128xf32, #tpu.memory_space<vmem>>, vector<10000x128xf32>
    tpu.vector_store %arg3[%swap3A, %swap3A_29], %broadcast_in_dim3A_26 {strides = array<i32>} : memref<10000x128xf32, #tpu.memory_space<vmem>>, vector<10000x128xf32>,
    %swap3A_31 = arith.constant 0 : index
    %swap3A_32 = arith.constant 0 : index
    %swap3A_33 = vector.load %arg4[%swap3A_31, %swap3A_32] : memref<10000x128xf32, #tpu.memory_space<vmem>>, vector<10000x128xf32>
    tpu.vector_store %arg4[%swap3A_31, %swap3A_32], %broadcast_in_dim3A_28 {strides = array<i32>} : memref<10000x128xf32, #tpu.memory_space<vmem>>, vector<10000x128xf32>,
    %get3A_34 = arith.constant 0 : index
    %get3A_35 = arith.constant 0 : index
    %get3A_36 = vector.load %arg1[%get3A_34, %get3A_35] : memref<10128x128xf32, #tpu.memory_space<vmem>>, vector<10128x128xf32>
    %slice3A = vector.extract_strided_slice %get3A_36 {offsets = [0, 0], sizes = [10000, 128], strides = [1, 1]} : vector<10128x128xf32> to vector<10000x128xf32>
    %mul3A = arith.mulf %slice3A, %broadcast_in_dim3A_26 : vector<10000x128xf32>
    %get3A_37 = arith.constant 0 : index
    %get3A_38 = arith.constant 0 : index
    %get3A_39 = vector.load %arg2[%get3A_37, %get3A_38] : memref<128x128xf32, #tpu.memory_space<vmem>>, vector<128x128xf32>
    %dot_general3A = arith.constant dense<0.000000e+00> : vector<10000x128xf32>
    %dot_general3A_40 = tpu.matmul %mul3A, %get3A_39, %dot_general3A {dimension_numbers = #tpu.dot_dimension_numbers<[1], [0], [0], [1], [0, 0, 1, 1], [], []>, transpose_lhs_hint = false} : vector<10000x128xf32>, vector<128x128xf32>, vector<10000x128xf32> -> vector<10000x128xf32>
    %broadcast_in_dim3A_41 = arith.constant 0.000000e+00 : f32
    %broadcast_in_dim3A_42 = vector.broadcast %broadcast_in_dim3A_41 : f32 to vector<128x128xf32>
    %concatenate3A = tpu.concatenate %dot_general3A_40, %broadcast_in_dim3A_42 in 0 : vector<10000x128xf32>, vector<128x128xf32> -> vector<10128x128xf32>
    %swap3A_43 = arith.constant 0 : index
    %swap3A_44 = arith.constant 0 : index
    %swap3A_45 = vector.load %arg5[%swap3A_43, %swap3A_44] : memref<10128x128xf32, #tpu.memory_space<vmem>>, vector<10128x128xf32>
    tpu.vector_store %arg5[%swap3A_43, %swap3A_44], %concatenate3A {strides = array<i32>} : memref<10128x128xf32, #tpu.memory_space<vmem>>, vector<10128x128xf32>,
    return
  }
}

module attributes {stable_mosaic.version = 14 : i64} {
  func.func @body(%arg0: memref<2x10000x128xf32, #tpu.memory_space<vmem>>, %arg1: memref<10000x128xf32, #tpu.memory_space<vmem>>, %arg2: memref<10000x128xf32, #tpu.memory_space<vmem>>, %arg3: memref<128x128xf32, #tpu.memory_space<vmem>>, %arg4: memref<10128x128xf32, #tpu.memory_space<vmem>>) attributes {dimension_semantics = [], scalar_prefetch = 0 : i64, scratch_operands = 0 : i64, tpu.core_type = #tpu.core_type<tc>} {
    %get3A = arith.constant 0 : index
    %get3A_0 = arith.constant 0 : index
    %get3A_1 = arith.constant 0 : index
    %get3A_2 = vector.load %arg0[%get3A, %get3A_0, %get3A_1] : memref<2x10000x128xf32, #tpu.memory_space<vmem>>, vector<1x10000x128xf32>
    %get3A_3 = vector.shape_cast %get3A_2 : vector<1x10000x128xf32> to vector<10000x128xf32>
    %get3A_4 = arith.constant 1 : index
    %get3A_5 = arith.constant 0 : index
    %get3A_6 = arith.constant 0 : index
    %get3A_7 = vector.load %arg0[%get3A_4, %get3A_5, %get3A_6] : memref<2x10000x128xf32, #tpu.memory_space<vmem>>, vector<1x10000x128xf32>
    %get3A_8 = vector.shape_cast %get3A_7 : vector<1x10000x128xf32> to vector<10000x128xf32>
    %add3A = arith.addf %get3A_3, %get3A_8 : vector<10000x128xf32>
    %get3A_9 = arith.constant 0 : index
    %get3A_10 = arith.constant 0 : index
    %get3A_11 = vector.load %arg2[%get3A_9, %get3A_10] : memref<10000x128xf32, #tpu.memory_space<vmem>>, vector<10000x128xf32>
    %mul3A = arith.mulf %add3A, %get3A_11 : vector<10000x128xf32>
    %max3A = arith.constant 0.000000e+00 : f32
    %max3A_12 = vector.broadcast %max3A : f32 to vector<10000x128xf32>
    %max3A_13 = arith.maximumf %mul3A, %max3A_12 : vector<10000x128xf32>
    %get3A_14 = arith.constant 0 : index
    %get3A_15 = arith.constant 0 : index
    %get3A_16 = vector.load %arg1[%get3A_14, %get3A_15] : memref<10000x128xf32, #tpu.memory_space<vmem>>, vector<10000x128xf32>
    %mul3A_17 = arith.mulf %max3A_13, %get3A_16 : vector<10000x128xf32>
    %get3A_18 = arith.constant 0 : index
    %get3A_19 = arith.constant 0 : index
    %get3A_20 = vector.load %arg3[%get3A_18, %get3A_19] : memref<128x128xf32, #tpu.memory_space<vmem>>, vector<128x128xf32>
    %dot_general3A = arith.constant dense<0.000000e+00> : vector<10000x128xf32>
    %dot_general3A_21 = tpu.matmul %mul3A_17, %get3A_20, %dot_general3A {dimension_numbers = #tpu.dot_dimension_numbers<[1], [0], [0], [1], [0, 0, 1, 1], [], []>, transpose_lhs_hint = false} : vector<10000x128xf32>, vector<128x128xf32>, vector<10000x128xf32> -> vector<10000x128xf32>
    %broadcast_in_dim3A = arith.constant 0.000000e+00 : f32
    %broadcast_in_dim3A_22 = vector.broadcast %broadcast_in_dim3A : f32 to vector<128x128xf32>
    %concatenate3A = tpu.concatenate %dot_general3A_21, %broadcast_in_dim3A_22 in 0 : vector<10000x128xf32>, vector<128x128xf32> -> vector<10128x128xf32>
    %swap3A = arith.constant 0 : index
    %swap3A_23 = arith.constant 0 : index
    %swap3A_24 = vector.load %arg4[%swap3A, %swap3A_23] : memref<10128x128xf32, #tpu.memory_space<vmem>>, vector<10128x128xf32>
    tpu.vector_store %arg4[%swap3A, %swap3A_23], %concatenate3A {strides = array<i32>} : memref<10128x128xf32, #tpu.memory_space<vmem>>, vector<10128x128xf32>,
    return
  }
}

module attributes {stable_mosaic.version = 14 : i64} {
  func.func @body(%arg0: memref<2x10000x128xf32, #tpu.memory_space<vmem>>, %arg1: memref<10000x128xf32, #tpu.memory_space<vmem>>, %arg2: memref<10000x128xf32, #tpu.memory_space<vmem>>, %arg3: memref<10128x128xf32, #tpu.memory_space<vmem>>) attributes {dimension_semantics = [], scalar_prefetch = 0 : i64, scratch_operands = 0 : i64, tpu.core_type = #tpu.core_type<tc>} {
    %get3A = arith.constant 0 : index
    %get3A_0 = arith.constant 0 : index
    %get3A_1 = arith.constant 0 : index
    %get3A_2 = vector.load %arg0[%get3A, %get3A_0, %get3A_1] : memref<2x10000x128xf32, #tpu.memory_space<vmem>>, vector<1x10000x128xf32>
    %get3A_3 = vector.shape_cast %get3A_2 : vector<1x10000x128xf32> to vector<10000x128xf32>
    %get3A_4 = arith.constant 1 : index
    %get3A_5 = arith.constant 0 : index
    %get3A_6 = arith.constant 0 : index
    %get3A_7 = vector.load %arg0[%get3A_4, %get3A_5, %get3A_6] : memref<2x10000x128xf32, #tpu.memory_space<vmem>>, vector<1x10000x128xf32>
    %get3A_8 = vector.shape_cast %get3A_7 : vector<1x10000x128xf32> to vector<10000x128xf32>
    %add3A = arith.addf %get3A_3, %get3A_8 : vector<10000x128xf32>
    %get3A_9 = arith.constant 0 : index
    %get3A_10 = arith.constant 0 : index
    %get3A_11 = vector.load %arg2[%get3A_9, %get3A_10] : memref<10000x128xf32, #tpu.memory_space<vmem>>, vector<10000x128xf32>
    %mul3A = arith.mulf %add3A, %get3A_11 : vector<10000x128xf32>
    %max3A = arith.constant 0.000000e+00 : f32
    %max3A_12 = vector.broadcast %max3A : f32 to vector<10000x128xf32>
    %max3A_13 = arith.maximumf %mul3A, %max3A_12 : vector<10000x128xf32>
    %get3A_14 = arith.constant 0 : index
    %get3A_15 = arith.constant 0 : index
    %get3A_16 = vector.load %arg1[%get3A_14, %get3A_15] : memref<10000x128xf32, #tpu.memory_space<vmem>>, vector<10000x128xf32>
    %mul3A_17 = arith.mulf %max3A_13, %get3A_16 : vector<10000x128xf32>
    %broadcast_in_dim3A = arith.constant 0.000000e+00 : f32
    %broadcast_in_dim3A_18 = vector.broadcast %broadcast_in_dim3A : f32 to vector<128x128xf32>
    %concatenate3A = tpu.concatenate %mul3A_17, %broadcast_in_dim3A_18 in 0 : vector<10000x128xf32>, vector<128x128xf32> -> vector<10128x128xf32>
    %swap3A = arith.constant 0 : index
    %swap3A_19 = arith.constant 0 : index
    %swap3A_20 = vector.load %arg3[%swap3A, %swap3A_19] : memref<10128x128xf32, #tpu.memory_space<vmem>>, vector<10128x128xf32>
    tpu.vector_store %arg3[%swap3A, %swap3A_19], %concatenate3A {strides = array<i32>} : memref<10128x128xf32, #tpu.memory_space<vmem>>, vector<10128x128xf32>,
    return
  }
}

module attributes {stable_mosaic.version = 14 : i64} {
  func.func @body(%arg0: memref<2x10000x128xf32, #tpu.memory_space<vmem>>, %arg1: memref<10000x128xf32, #tpu.memory_space<vmem>>, %arg2: memref<128x64xf32, #tpu.memory_space<vmem>>, %arg3: memref<64xf32, #tpu.memory_space<vmem>>, %arg4: memref<10000x64xf32, #tpu.memory_space<vmem>>) attributes {dimension_semantics = [], scalar_prefetch = 0 : i64, scratch_operands = 0 : i64, tpu.core_type = #tpu.core_type<tc>} {
    %get3A = arith.constant 0 : index
    %get3A_0 = arith.constant 0 : index
    %get3A_1 = arith.constant 0 : index
    %get3A_2 = vector.load %arg0[%get3A, %get3A_0, %get3A_1] : memref<2x10000x128xf32, #tpu.memory_space<vmem>>, vector<1x10000x128xf32>
    %get3A_3 = vector.shape_cast %get3A_2 : vector<1x10000x128xf32> to vector<10000x128xf32>
    %get3A_4 = arith.constant 1 : index
    %get3A_5 = arith.constant 0 : index
    %get3A_6 = arith.constant 0 : index
    %get3A_7 = vector.load %arg0[%get3A_4, %get3A_5, %get3A_6] : memref<2x10000x128xf32, #tpu.memory_space<vmem>>, vector<1x10000x128xf32>
    %get3A_8 = vector.shape_cast %get3A_7 : vector<1x10000x128xf32> to vector<10000x128xf32>
    %add3A = arith.addf %get3A_3, %get3A_8 : vector<10000x128xf32>
    %get3A_9 = arith.constant 0 : index
    %get3A_10 = arith.constant 0 : index
    %get3A_11 = vector.load %arg2[%get3A_9, %get3A_10] : memref<128x64xf32, #tpu.memory_space<vmem>>, vector<128x64xf32>
    %dot_general3A = arith.constant dense<0.000000e+00> : vector<10000x64xf32>
    %dot_general3A_12 = tpu.matmul %add3A, %get3A_11, %dot_general3A {dimension_numbers = #tpu.dot_dimension_numbers<[1], [0], [0], [1], [0, 0, 1, 1], [], []>, transpose_lhs_hint = false} : vector<10000x128xf32>, vector<128x64xf32>, vector<10000x64xf32> -> vector<10000x64xf32>
    %get3A_13 = arith.constant 0 : index
    %get3A_14 = arith.constant 0 : index
    %get3A_15 = vector.load %arg1[%get3A_13, %get3A_14] : memref<10000x128xf32, #tpu.memory_space<vmem>>, vector<10000x64xf32>
    %mul3A = arith.mulf %dot_general3A_12, %get3A_15 : vector<10000x64xf32>
    %get3A_16 = arith.constant 0 : index
    %get3A_17 = vector.load %arg3[%get3A_16] : memref<64xf32, #tpu.memory_space<vmem>>, vector<64xf32>
    %broadcast_in_dim3A = vector.shape_cast %get3A_17 : vector<64xf32> to vector<1x64xf32>
    %add3A_18 = vector.broadcast %broadcast_in_dim3A : vector<1x64xf32> to vector<10000x64xf32>
    %add3A_19 = arith.addf %mul3A, %add3A_18 : vector<10000x64xf32>
    %swap3A = arith.constant 0 : index
    %swap3A_20 = arith.constant 0 : index
    %swap3A_21 = vector.load %arg4[%swap3A, %swap3A_20] : memref<10000x64xf32, #tpu.memory_space<vmem>>, vector<10000x64xf32>
    tpu.vector_store %arg4[%swap3A, %swap3A_20], %add3A_19 {strides = array<i32>} : memref<10000x64xf32, #tpu.memory_space<vmem>>, vector<10000x64xf32>,
    return
  }
}

</mosaic_0001>

<sc_bundles>
// kernel: kernel.10.cloned.1.call-start
scs
__scs_entry_jumppad:
0x0: {  	(pc) =	sbr.rel $0x88, $3  }
0x1: {  	(tag) =	ssettag $0x0;
	lr =	simm.s32 $0x1  }
0x2: {  	[smem:$0x3F9B] =	sst lr;
	_ =	strace $0xD0000000  }
0x3: {  	_ = 	snop  }
0x4: {  	_ = 	snop  }
0x5: {  	_ = 	snop  }
0x6: {  	_ = 	snop  }
0x7: {  	_ = 	snop  }
__scs_overlays_trampoline_lowered:
0x8: {  	[smem:$0x3FAA] =	sst s0  }
0x9: {  	[smem:$0x3FAB] =	sst s1  }
0xa: {  	[smem:$0x3FAC] =	sst s2  }
0xb: {  	[smem:$0x3FAD] =	sst s3  }
0xc: {  	[smem:$0x3FAE] =	sst s4  }
0xd: {  	[smem:$0x3FAF] =	sst s5  }
0xe: {  	[smem:$0x3FB0] =	sst s6  }
0xf: {  	[smem:$0x3FB1] =	sst s7  }
0x10: {  	[smem:$0x3FB2] =	sst s8  }
0x11: {  	[smem:$0x3FB3] =	sst s9;
	s0 =	simm.s32 @!p0 $0x0  }
0x12: {  	s1 =	sld [smem:$0x3F99];
	s0 =	simm.s32 @p0 $0x1  }
0x13: {  	[smem:$0x3FB4] =	sst s0;
	s0 =	simm.s32 @!p1 $0x0  }
0x14: {  	s2 =	sld [smem:$0x3F98];
	s0 =	simm.s32 @p1 $0x1  }
0x15: {  	[smem:$0x3FB5] =	sst s0;
	s0 =	simm.s32 @!p2 $0x0  }
0x16: {  	s3 =	sld [smem:$0x3FDB];
	s0 =	simm.s32 @p2 $0x1  }
0x17: {  	s4 =	simm.s32 $0x1BF5;
	[smem:$0x3FB7] =	sst s0  }
0x18: {  	s0 =	sld [smem:$0x3F9A];
	_ =	swait.ge [sflag:s4], $0x0  }
0x19: {  	s7 =	sld [smem:$0x3F9B]  }
0x1a: {  	s8 =	sadd.s32 $0xFFFFE003, lr  }
0x1b: {  	s9 =	sadd.s32 $0xFFFFFEF7, lr;
	s5 =	simm.s32 $0xFFFFFFFF;
	p2 =	slt.u32 s8, $0xFFFFF086  }
0x1c: {  	p1 =	slt.u32 s9, $0xF7A;
	s5 =	simm.s32 @!p2 $0x0  }
0x1d: {  	s5 =	simm.s32 @p1 $0x1;
	p0 =	seq.s32 s7, s2  }
0x1e: {  	s7 =	smul.u32 @!p0 $0xF7A, s2;
	p2 =	seq.s32 @!p0 s5, $0x0  }
0x1f: {  	s9 =	smul.u32 $0xF7A, s1;
	s8 =	simm.s32 @!p0 $0x1BF5;
	p2 =	por !p2, p0  }
0x20: {  	[sflag:s8] =	ssyncset.s32 @!p0 $0xFFFFF086;
	s6 =	sadd.s32 @!p0 s3, s7;
	s7 =	simm.s32 @!p0 $0x108  }
0x21: {  	s3 =	sadd.s32 s3, s9;
	s6 =	sadd.s32 @!p0 $0x88, s6;
	s7 =	simm.s32 @p2 $0x1082  }
0x22: {  	[simem:s7], [sflag:s8] =	dma.local @!p0 [hbm:s6], $0xF7A  }
0x23: {  	s9 =	sor.u32 $0xD0000000, s2;
	s6 =	simm.s32 $0x108;
	_ =	swait.ge @!p0 [sflag:s8], $0x0  }
0x24: {  	s3 =	sadd.s32 $0x88, s3;
	s6 =	simm.s32 @!p1 $0x1082;
	[sflag:s4] =	ssyncset.s32 $0xFFFFF086  }
0x25: {  	[simem:s6], [sflag:s4] =	dma.local [hbm:s3], $0xF7A  }
0x26: {  	[smem:$0x3F9B] =	sst s1;
	(tag) =	ssettag s2;
	_ =	strace s9  }
0x27: {  	s1 =	sld [smem:$0x3FAB]  }
0x28: {  	s2 =	sld [smem:$0x3FAC]  }
0x29: {  	s4 =	sld [smem:$0x3FAE]  }
0x2a: {  	p0 =	seq.s32 s5, $0x0;
	s5 =	sld [smem:$0x3FAF]  }
0x2b: {  	s6 =	sld [smem:$0x3FB0]  }
0x2c: {  	s7 =	sld [smem:$0x3FB1]  }
0x2d: {  	s3 =	simm.s32 $0x108;
	s8 =	sld [smem:$0x3FB2]  }
0x2e: {  	s3 =	simm.s32 @!p0 $0x1082;
	s9 =	sld [smem:$0x3FB3]  }
0x2f: {  	lr =	sadd.s32 s0, s3;
	s0 =	sld [smem:$0x3FAA]  }
0x30: {  	s3 =	sld [smem:$0x3FAD]  }
0x31: {  	[smem:$0x3FB6] =	sst s10  }
0x32: {  	s10 =	sld [smem:$0x3FB4];
	_ =	sdelay $0x3  }
0x33: {  	p0 =	seq.s32 s10, $0x1;
	s10 =	sld [smem:$0x3FB6];
	_ =	sdelay $0x3  }
0x34: {  	[smem:$0x3FB6] =	sst s10  }
0x35: {  	s10 =	sld [smem:$0x3FB5];
	_ =	sdelay $0x3  }
0x36: {  	p1 =	seq.s32 s10, $0x1;
	s10 =	sld [smem:$0x3FB6];
	_ =	sdelay $0x3  }
0x37: {  	[smem:$0x3FB6] =	sst s10  }
0x38: {  	s10 =	sld [smem:$0x3FB7]  }
0x39: {  	_ = 	snop;
	(pc) =	sbr.ind lr, $3  }
0x3a: {  	_ = 	snop  }
0x3b: {  	_ = 	snop  }
0x3c: {  	p2 =	seq.s32 s10, $0x1;
	s10 =	sld [smem:$0x3FB6]  }
0x3d: {  	_ =	shalt  }
0x3e: {  	_ =	shalt  }
0x3f: {  	_ =	shalt  }
0x40: {  	_ =	shalt  }
0x41: {  	_ =	shalt  }
0x42: {  	_ =	shalt  }
0x43: {  	_ =	shalt  }
0x44: {  	_ =	shalt  }
0x45: {  	_ =	shalt  }
0x46: {  	_ =	shalt  }
0x47: {  	_ =	shalt  }
0x48: {  	_ =	shalt  }
0x49: {  	_ =	shalt  }
0x4a: {  	_ =	shalt  }
0x4b: {  	_ =	shalt  }
0x4c: {  	_ =	shalt  }
0x4d: {  	_ =	shalt  }
0x4e: {  	_ =	shalt  }
0x4f: {  	_ =	shalt  }
0x50: {  	_ =	shalt  }
0x51: {  	_ =	shalt  }
0x52: {  	_ =	shalt  }
0x53: {  	_ =	shalt  }
0x54: {  	_ =	shalt  }
0x55: {  	_ =	shalt  }
0x56: {  	_ =	shalt  }
0x57: {  	_ =	shalt  }
0x58: {  	_ =	shalt  }
0x59: {  	_ =	shalt  }
0x5a: {  	_ =	shalt  }
0x5b: {  	_ =	shalt  }
0x5c: {  	_ =	shalt  }
0x5d: {  	_ =	shalt  }
0x5e: {  	_ =	shalt  }
0x5f: {  	_ =	shalt  }
0x60: {  	_ =	shalt  }
0x61: {  	_ =	shalt  }
0x62: {  	_ =	shalt  }
0x63: {  	_ =	shalt  }
0x64: {  	_ =	shalt  }
0x65: {  	_ =	shalt  }
0x66: {  	_ =	shalt  }
0x67: {  	_ =	shalt  }
0x68: {  	_ =	shalt  }
0x69: {  	_ =	shalt  }
0x6a: {  	_ =	shalt  }
0x6b: {  	_ =	shalt  }
0x6c: {  	_ =	shalt  }
0x6d: {  	_ =	shalt  }
0x6e: {  	_ =	shalt  }
0x6f: {  	_ =	shalt  }
0x70: {  	_ =	shalt  }
0x71: {  	_ =	shalt  }
0x72: {  	_ =	shalt  }
0x73: {  	_ =	shalt  }
0x74: {  	_ =	shalt  }
0x75: {  	_ =	shalt  }
0x76: {  	_ =	shalt  }
0x77: {  	_ =	shalt  }
0x78: {  	_ =	shalt  }
0x79: {  	_ =	shalt  }
0x7a: {  	_ =	shalt  }
0x7b: {  	_ =	shalt  }
0x7c: {  	_ =	shalt  }
0x7d: {  	_ =	shalt  }
0x7e: {  	_ =	shalt  }
0x7f: {  	_ =	shalt  }
0x80: {  	_ =	shalt  }
0x81: {  	_ =	shalt  }
0x82: {  	_ =	shalt  }
0x83: {  	_ =	shalt  }
0x84: {  	_ =	shalt  }
0x85: {  	_ =	shalt  }
0x86: {  	_ =	shalt  }
0x87: {  	_ =	shalt  }
.Lfunc_end0:
.L_simem_size_0:
called_computation_lowered:
.L_overlay_start_0:
0x88: {  	s2 =	sld [smem:$0x3FD9]  }
0x89: {  	s3 =	sld [smem:$0x3FFE];
	_ =	sdelay $0x1  }
0x8a: {  	s1 =	srdreg.scid  }
0x8b: {  	s0 =	sand.u32 $0x1, s1  }
0x8c: {  	s17 =	sshll.u32 s0, $0xA;
	s2 =	sadd.s32 s3, s2  }
0x8d: {  	s2 =	sadd.s32 s2, s17  }
0x8e: {  	[smem:$0x3FC2] =	sst s2  }
0x8f: {  	_ = 	snop  }
0x90: {  	s2 =	sld [smem:$0x3FD0];
	(tm) =	ssettm $0x1  }
0x91: {  	s18 =	sld [smem:$0x3FFB];
	_ =	sdelay $0x3  }
0x92: {  	_ =	strace s18  }
0x93: {  	s3 =	sld [smem:$0x3FFC];
	_ =	sdelay $0x3  }
0x94: {  	_ =	strace s3  }
0x95: {  	s3 =	sld [smem:$0x3FFD];
	_ =	sdelay $0x3  }
0x96: {  	_ =	strace s3  }
0x97: {  	_ =	strace $0x8FFFFFFF  }
0x98: {  	s19 =	sld [smem:$0x3FDB];
	_ =	sdelay $0x1  }
0x99: {  	s4 =	simm.s32 $_scs_section_size  }
0x9a: {  	s5 =	simm.s32 $_size__tile_overlayer_lowered;
	s6 =	simm.s32 $_tile_overlayer_lowered  }
0x9b: {  	s22 =	simm.s32 $0x1BFF;
	s21 =	sshll.u32 s6, $0x1;
	s3 =	sadd.s32 s4, s19  }
0x9c: {  	s7 =	simm.s32 $0x0;
	s20 =	sshll.u32 s5, $0x1;
	s5 =	sadd.s32 s21, s3  }
0x9d: {  	[timem:s7], [sflag:s22] =	dma.local [hbm:s5], s20  }
0x9e: {  	_ =	swait.ge [sflag:s22], s20  }
0x9f: {  	s4 =	ssub.s32 $0x0, s20;
	[sflag:s22] =	ssyncset.done $0x0  }
0xa0: {  	[sflag:s22] =	ssyncadd.s32 s4;
	_ =	sdelay $0x1  }
0xa1: {  	s23 =	simm.s32 $0x1B8B  }
0xa2: {  	_ =	swait.ge [sflag:s23], $0x1  }
0xa3: {  	[sflag:s23] =	ssyncset.done $0x0  }
0xa4: {  	s25 =	simm.s32 $0x1B8E;
	s24 =	sld [smem:$0x3FFE];
	[sflag:s23] =	ssyncadd.s32 $0xFFFFFFFF  }
0xa5: {  	s26 =	simm.s32 $execute0_lowered;
	[smem:$0x3FD2] =	sst s25  }
0xa6: {  	s5 =	sshll.u32 s26, $0x1;
	_ =	strace $0x80000046;
	[dreg:$0x1] =	wrdreg $0xFFFFFFFF  }
0xa7: {  	s28 =	simm.s32 $_size_execute0_lowered;
	s3 =	sadd.s32 s3, s5;
	[dreg:$0x0] =	wrdreg $0x0  }
0xa8: {  	s5 =	sshll.u32 s28, $0x1;
	[dreg:$0x2] =	wrdreg s3  }
0xa9: {  	[dreg:$0x3] =	wrdreg s5  }
0xaa: {  	[dreg:$0x4] =	wrdreg $0xC0  }
0xab: {  	_ =	task [dreg:s7], $0x5FFFF  }
0xac: {  	[dreg:$0x1] =	wrdreg $0xFFFFFFFF  }
0xad: {  	[dreg:$0x0] =	wrdreg $0x60  }
0xae: {  	[dreg:$0x2] =	wrdreg s24  }
0xaf: {  	[dreg:$0x3] =	wrdreg s2  }
0xb0: {  	[dreg:$0x4] =	wrdreg $0x90000  }
0xb1: {  	[dreg:$0x5] =	wrdreg $0x9  }
0xb2: {  	_ =	task.clear_ibuf [dreg:s7], $0x6FFFF;
	_ =	strace $0x90000046  }
0xb3: {  	s29 =	simm.s32 $0x9;
	_ =	strace $0x80000048  }
0xb4: {  	_ =	swait.ge [sflag:s29], $0x1  }
0xb5: {  	[sflag:s29] =	ssyncadd.s32 $0xFFFFFFFF  }
0xb6: {  	_ =	strace $0x90000048  }
0xb7: {  	_ =	sfence  }
0xb8: {  	s30 =	sld [smem:$0x0];
	_ =	sdelay $0x2  }
0xb9: {  	s31 =	sshll.u32 s1, $0xD;
	s1 =	sshrl.u32 s1, $0x2  }
0xba: {  	s3 =	sand.u32 $0x4000, s31;
	s1 =	sadd.s32 s1, s30  }
0xbb: {  	s0 =	sor.u32 s3, s0;
	s1 =	sshll.u32 s1, $0x11  }
0xbc: {  	s0 =	sor.u32 s1, s0  }
0xbd: {  	s0 =	sadd.s32 $0x8F2B, s0  }
0xbe: {  	[sflag:s0] =	ssyncadd.remote.s32 $0x1  }
0xbf: {  	_ =	sfence.sel $0xFFFF  }
0xc0: {  	[dreg:$0x0] =	wrdreg $0xFFFFFFFF;
	(pc) =	sbr.abs _section_cstart, $3  }
0xc1: {  	[dreg:$0x1] =	wrdreg $0xFFFFFFFF  }
0xc2: {  	_ =	task.clear_ibuf [dreg:s7], $0x2FFFF;
	_ =	strace $0x9FFFFFFF  }
0xc3: {  	(tm) =	ssettm $0x7FFFFFFF  }
tec
execute0_lowered:
.L_overlay_start_1:
0x0: {  	(tag) =	ssettag $0x1  }
0x1: {  	s9 =	rddreg [dreg:$0x0]  }
0x2: {  	s7 =	rddreg [dreg:$0x1]  }
0x3: {  	s0 =	srdreg.scid;
	s2 =	rddreg [dreg:$0x2]  }
0x4: {  	s1 =	stileid.u32;
	s3 =	simm.s32 $0x0;
	s19 =	simm.s32 $0x1  }
0x5: {  	s22 =	simm.s32 $0x0;
	s8 =	sand.u32 $0x1, s0;
	s0 =	rddreg [dreg:$0x3]  }
0x6: {  	[smem:$0x7FF] =	sst s3;
	s5 =	sadd.s32 $0x33600, s9;
	s13 =	smul.u32 $0x4F000, s1  }
0x7: {  	s15 =	sadd.s32 $0x33E00, s9;
	s16 =	sadd.s32 $0x128400, s2;
	p0 =	seq.s32 s1, $0xF  }
0x8: {  	s4 =	sshll.u32 s8, $0x4;
	_ =	strace $0x80000047;
	s28 =	smul.u32 $0x271000, s8  }
0x9: {  	s11 =	ssub.s32 $0x2, s8;
	s29 =	smul.u32 $0x4E200, s8;
	s4 =	sor.u32 s1, s4  }
0xa: {  	s18 =	sshll.u32 @!p0 s1, $0x6;
	s12 =	sshrl.u32 s11, $0x1;
	s10 =	smul.u32 $0x500, s4  }
0xb: {  	s26 =	sshrl.u32 s13, $0x2;
	s13 =	simm.s32 $0x2800;
	s4 =	smul.u32 $0x2780, s1  }
0xc: {  	s11 =	ssub.s32 s11, s12;
	s17 =	sadd.s32 s26, s2;
	s30 =	sshrl.u32 s28, $0x3  }
0xd: {  	s21 =	sadd.s32 s15, s29;
	s12 =	simm.s32 $0x2;
	s31 =	sadd.s32 s15, s30  }
0xe: {  	s11 =	smax.u32 s11, $0x1;
	s15 =	sshrl.u32 @p0 s16, $0x3;
	s16 =	sor.u32 @!p0 $0x1C02, s18  }
0xf: {  	s17 =	sshrl.u32 @!p0 s17, $0x3;
	s18 =	simm.s32 $0x80;
	s20 =	sadd.s32 @p0 $0x25080, s21  }
0x10: {  	s6 =	sadd.s32 s10, s9;
	s14 =	sadd.s32 s4, s9;
	s7 =	sadd.s32 s7, s10  }
0x11: {  	s9 =	sadd.s32 $0x31480, s9;
	s10 =	sadd.s32 $0x27100, s31;
	s21 =	sadd.s32 @!p0 s4, s21  }
0x12: {  	s6 =	sadd.s32 $0x2400, s6;
	s8 =	sadd.s32 $0xC400, s14;
	s14 =	simm.s32 $0x5000  }
.LBB2_1:
0x13: {  	[tilespmem:s3], [sflag:$0x2] =	stream.linear.gather [hbm4b:s6+s3], $0x2800, $0x38;
	[tilespmem:$0x1CC80] =	vst v63  }
0x14: {  	_ =	swait.ge [sflag:s12], $0x2800  }
0x15: {  	[sflag:s12] =	ssyncset.done $0x0  }
0x16: {  	[sflag:s12] =	ssyncadd.s32 $0xFFFFD800  }
0x17: {  	[tilespmem:s13], [sflag:$0x2] =	stream.linear.gather [hbm4b:s7+s3], $0x2800, $0x38;
	[tilespmem:$0x1CC80] =	vst v63  }
0x18: {  	_ =	swait.ge [sflag:s12], $0x2800  }
0x19: {  	[sflag:s12] =	ssyncset.done $0x0  }
0x1a: {  	[sflag:s12] =	ssyncadd.s32 $0xFFFFD800  }
0x1b: {  	[tilespmem:s14], [sflag:$0x2] =	stream.linear.gather [hbm4b:s5+s3], $0x4000, $0x38;
	[tilespmem:$0x1CC80] =	vst v63  }
0x1c: {  	_ =	swait.ge [sflag:s12], $0x4000  }
0x1d: {  	[sflag:s12] =	ssyncset.done $0x0  }
0x1e: {  	s23 =	simm.s32 @p0 $0x1FC2;
	[sflag:s12] =	ssyncadd.s32 $0xFFFFC000  }
0x1f: {  	[spmem:s15], [sflag:s23] =	dma.local @p0 [hbm:s9], $0x2080  }
0x20: {  	s23 =	simm.s32 @p0 $0x2  }
0x21: {  	_ =	swait.ge @p0 [sflag:s23], $0x2080  }
0x22: {  	[sflag:s23] =	ssyncset.done @p0 $0x0  }
0x23: {  	[sflag:s23] =	ssyncadd.s32 @p0 $0xFFFFDF80;
	s23 =	simm.s32 @!p0 $0x2  }
0x24: {  	[spmem:s17], [sflag:s16] =	dma.local @!p0 [hbm:s8], $0x2780  }
0x25: {  	_ =	swait.ge @!p0 [sflag:s23], $0x2780  }
0x26: {  	[sflag:s23] =	ssyncset.done @!p0 $0x0  }
0x27: {  	[sflag:s23] =	ssyncadd.s32 @!p0 $0xFFFFD880  }
0x28: {  	s23 =	simm.s32 $0x0;
	[bflag:$0x0] =	sbarrier.arrive $0xFFFF  }
.LBB2_2:
0x29: {  	p1 =	sne.s32 s23, $0x9E00  }
.Ltmp0:
0x2a: {  	_ = 	snop;
	(pc) =	sbr.rel @p1 .LBB2_2-.Ltmp0, $3  }
0x2b: {  	_ =	sdelay $0x1  }
0x2c: {  	s24 =	sshra.s32 s23, $0x2;
	s23 =	sadd.s32 $0x200, s23  }
0x2d: {  	[spmem:s2] =	stream.indirect.scatter.add.f32 [tilespmem:s14], [sflag:$0x1], $0x80, s24, s18, $0xb8;
	[tilespmem:$0x1CC80] =	vst v63  }
0x2e: {  	_ =	swait.ge [sflag:s19], $0x4000  }
0x2f: {  	s23 =	simm.s32 $0x4F;
	[sflag:s19] =	ssyncset.done $0x0  }
.LBB2_4:
0x30: {  	p1 =	sne.s32 s23, $0x1;
	s23 =	sadd.s32 $0xFFFFFFFF, s23;
	[sflag:s19] =	ssyncadd.s32 $0xFFFFC000  }
.Ltmp1:
0x31: {  	(pc) =	sbr.rel @p1 .LBB2_4-.Ltmp1, $3  }
0x32: {  	_ =	sdelay $0x1  }
0x33: {  	_ =	swait.ge [sflag:s19], $0x4000  }
0x34: {  	[sflag:s19] =	ssyncset.done $0x0  }
0x35: {  	[sflag:s19] =	ssyncadd.s32 $0xFFFFC000  }
0x36: {  	s23 =	simm.s32 @p0 $0x1FC2;
	s24 =	simm.s32 @p0 $0x2;
	[bflag:$0x0] =	sbarrier.arrive $0xFFFF  }
0x37: {  	[hbm:s20], [sflag:s23] =	dma.local @p0 [spmem:s15], $0x2080  }
0x38: {  	_ =	swait.ge @p0 [sflag:s24], $0x2080  }
0x39: {  	[sflag:s24] =	ssyncset.done @p0 $0x0  }
0x3a: {  	[sflag:s24] =	ssyncadd.s32 @p0 $0xFFFFDF80  }
0x3b: {  	[spmem:s15], [sflag:s23] =	dma.local @p0 [hbm:s9], $0x2080  }
0x3c: {  	_ =	swait.ge @p0 [sflag:s24], $0x2080  }
0x3d: {  	[sflag:s24] =	ssyncset.done @p0 $0x0  }
0x3e: {  	s23 =	simm.s32 @!p0 $0x2;
	[sflag:s24] =	ssyncadd.s32 @p0 $0xFFFFDF80  }
0x3f: {  	[hbm:s21], [sflag:s16] =	dma.local @!p0 [spmem:s17], $0x2780  }
0x40: {  	_ =	swait.ge @!p0 [sflag:s23], $0x2780  }
0x41: {  	[sflag:s23] =	ssyncset.done @!p0 $0x0  }
0x42: {  	[sflag:s23] =	ssyncadd.s32 @!p0 $0xFFFFD880  }
0x43: {  	[spmem:s17], [sflag:s16] =	dma.local @!p0 [hbm:s8], $0x2780  }
0x44: {  	_ =	swait.ge @!p0 [sflag:s23], $0x2780  }
0x45: {  	[sflag:s23] =	ssyncset.done @!p0 $0x0  }
0x46: {  	[sflag:s23] =	ssyncadd.s32 @!p0 $0xFFFFD880  }
0x47: {  	s23 =	simm.s32 $0x0;
	[bflag:$0x0] =	sbarrier.arrive $0xFFFF  }
.LBB2_6:
0x48: {  	p1 =	sne.s32 s23, $0x9E00  }
.Ltmp2:
0x49: {  	_ = 	snop;
	(pc) =	sbr.rel @p1 .LBB2_6-.Ltmp2, $4  }
0x4a: {  	_ = 	snop  }
0x4b: {  	s24 =	sshra.s32 s23, $0x2  }
0x4c: {  	s23 =	sadd.s32 $0x200, s23;
	s24 =	sadd.s32 $0x2800, s24  }
0x4d: {  	[spmem:s2] =	stream.indirect.scatter.add.f32 [tilespmem:s14], [sflag:$0x1], $0x80, s24, s18, $0xb8;
	[tilespmem:$0x1CC80] =	vst v63  }
0x4e: {  	_ =	swait.ge [sflag:s19], $0x4000  }
0x4f: {  	s23 =	simm.s32 $0x4F;
	[sflag:s19] =	ssyncset.done $0x0  }
.LBB2_8:
0x50: {  	p1 =	sne.s32 s23, $0x1;
	s23 =	sadd.s32 $0xFFFFFFFF, s23;
	[sflag:s19] =	ssyncadd.s32 $0xFFFFC000  }
.Ltmp3:
0x51: {  	(pc) =	sbr.rel @p1 .LBB2_8-.Ltmp3, $3  }
0x52: {  	_ =	sdelay $0x1  }
0x53: {  	_ =	swait.ge [sflag:s19], $0x4000  }
0x54: {  	[sflag:s19] =	ssyncset.done $0x0  }
0x55: {  	[sflag:s19] =	ssyncadd.s32 $0xFFFFC000  }
0x56: {  	s23 =	sadd.s32 @p0 $0x25080, s10;
	s24 =	simm.s32 @p0 $0x1FC2;
	[bflag:$0x0] =	sbarrier.arrive $0xFFFF  }
0x57: {  	[hbm:s23], [sflag:s24] =	dma.local @p0 [spmem:s15], $0x2080  }
0x58: {  	s23 =	simm.s32 @p0 $0x2  }
0x59: {  	_ =	swait.ge @p0 [sflag:s23], $0x2080  }
0x5a: {  	s22 =	sadd.s32 $0x1, s22;
	[sflag:s23] =	ssyncset.done @p0 $0x0  }
0x5b: {  	p1 =	sne.s32 s22, s11;
	[sflag:s23] =	ssyncadd.s32 @p0 $0xFFFFDF80;
	s23 =	sadd.s32 @!p0 s4, s10  }
0x5c: {  	[hbm:s23], [sflag:s16] =	dma.local @!p0 [spmem:s17], $0x2780  }
.Ltmp4:
0x5d: {  	_ = 	snop;
	(pc) =	sbr.rel @p1 .LBB2_1-.Ltmp4, $4  }
0x5e: {  	s23 =	simm.s32 @!p0 $0x2  }
0x5f: {  	_ =	swait.ge @!p0 [sflag:s23], $0x2780  }
0x60: {  	[sflag:s23] =	ssyncset.done @!p0 $0x0  }
0x61: {  	[sflag:s23] =	ssyncadd.s32 @!p0 $0xFFFFD880  }
0x62: {  	_ =	sfence.sel $0x180000  }
0x63: {  	[bflag:$0x0] =	sbarrier.arrive $0xFFFF  }
0x64: {  	p0 =	sne.s32 s1, $0x0;
	_ =	strace $0x90000047  }
0x65: {  	s0 =	sadd.s32 @!p0 $0x100000, s0;
	[bflag:$0x2] =	sbarrier.arrive $0xFFFF  }
0x66: {  	[sflag:s0] =	ssyncadd.tile.s32 @!p0 $0x1;
	_ =	shalt  }
.Lfunc_end2:
_tile_overlayer_lowered:
.L_overlay_start_2:
0x67: {  	(tag) =	ssettag $0x2  }
0x68: {  	s0 =	rddreg [dreg:$0x0];
	s2 =	stileid.u32  }
0x69: {  	s1 =	rddreg [dreg:$0x1];
	p0 =	sne.s32 s2, $0x0  }
0x6a: {  	s3 =	rddreg [dreg:$0x2];
	[bflag:$0x3] =	sbarrier.arrive $0xFFFF;
	s2 =	simm.s32 @!p0 $0x1C02  }
0x6b: {  	[timem:s3], [sflag:s2] =	dma.local @!p0 [hbm:s0], s1  }
0x6c: {  	s0 =	simm.s32 @!p0 $0x2  }
0x6d: {  	_ =	swait.ge @!p0 [sflag:s0], s1  }
0x6e: {  	s1 =	ssub.s32 @!p0 $0x0, s1;
	[sflag:s0] =	ssyncset.done @!p0 $0x0  }
0x6f: {  	[sflag:s0] =	ssyncadd.s32 @!p0 s1  }
0x70: {  	[bflag:$0x3] =	sbarrier.arrive $0xFFFF  }
0x71: {  	_ =	shalt  }

// kernel: kernel.13.cloned.1.call-start
scs
__scs_entry_jumppad:
0x0: {  	(pc) =	sbr.rel $0x88, $3  }
0x1: {  	(tag) =	ssettag $0x0;
	lr =	simm.s32 $0x1  }
0x2: {  	[smem:$0x3F9B] =	sst lr;
	_ =	strace $0xD0000000  }
0x3: {  	_ = 	snop  }
0x4: {  	_ = 	snop  }
0x5: {  	_ = 	snop  }
0x6: {  	_ = 	snop  }
0x7: {  	_ = 	snop  }
__scs_overlays_trampoline_lowered:
0x8: {  	[smem:$0x3FAA] =	sst s0  }
0x9: {  	[smem:$0x3FAB] =	sst s1  }
0xa: {  	[smem:$0x3FAC] =	sst s2  }
0xb: {  	[smem:$0x3FAD] =	sst s3  }
0xc: {  	[smem:$0x3FAE] =	sst s4  }
0xd: {  	[smem:$0x3FAF] =	sst s5  }
0xe: {  	[smem:$0x3FB0] =	sst s6  }
0xf: {  	[smem:$0x3FB1] =	sst s7  }
0x10: {  	[smem:$0x3FB2] =	sst s8  }
0x11: {  	[smem:$0x3FB3] =	sst s9;
	s0 =	simm.s32 @!p0 $0x0  }
0x12: {  	s1 =	sld [smem:$0x3F99];
	s0 =	simm.s32 @p0 $0x1  }
0x13: {  	[smem:$0x3FB4] =	sst s0;
	s0 =	simm.s32 @!p1 $0x0  }
0x14: {  	s2 =	sld [smem:$0x3F98];
	s0 =	simm.s32 @p1 $0x1  }
0x15: {  	[smem:$0x3FB5] =	sst s0;
	s0 =	simm.s32 @!p2 $0x0  }
0x16: {  	s3 =	sld [smem:$0x3FDB];
	s0 =	simm.s32 @p2 $0x1  }
0x17: {  	s4 =	simm.s32 $0x1BF5;
	[smem:$0x3FB7] =	sst s0  }
0x18: {  	s0 =	sld [smem:$0x3F9A];
	_ =	swait.ge [sflag:s4], $0x0  }
0x19: {  	s7 =	sld [smem:$0x3F9B]  }
0x1a: {  	s8 =	sadd.s32 $0xFFFFE003, lr  }
0x1b: {  	s9 =	sadd.s32 $0xFFFFFEF7, lr;
	s5 =	simm.s32 $0xFFFFFFFF;
	p2 =	slt.u32 s8, $0xFFFFF086  }
0x1c: {  	p1 =	slt.u32 s9, $0xF7A;
	s5 =	simm.s32 @!p2 $0x0  }
0x1d: {  	s5 =	simm.s32 @p1 $0x1;
	p0 =	seq.s32 s7, s2  }
0x1e: {  	s7 =	smul.u32 @!p0 $0xF7A, s2;
	p2 =	seq.s32 @!p0 s5, $0x0  }
0x1f: {  	s9 =	smul.u32 $0xF7A, s1;
	s8 =	simm.s32 @!p0 $0x1BF5;
	p2 =	por !p2, p0  }
0x20: {  	[sflag:s8] =	ssyncset.s32 @!p0 $0xFFFFF086;
	s6 =	sadd.s32 @!p0 s3, s7;
	s7 =	simm.s32 @!p0 $0x108  }
0x21: {  	s3 =	sadd.s32 s3, s9;
	s6 =	sadd.s32 @!p0 $0x88, s6;
	s7 =	simm.s32 @p2 $0x1082  }
0x22: {  	[simem:s7], [sflag:s8] =	dma.local @!p0 [hbm:s6], $0xF7A  }
0x23: {  	s9 =	sor.u32 $0xD0000000, s2;
	s6 =	simm.s32 $0x108;
	_ =	swait.ge @!p0 [sflag:s8], $0x0  }
0x24: {  	s3 =	sadd.s32 $0x88, s3;
	s6 =	simm.s32 @!p1 $0x1082;
	[sflag:s4] =	ssyncset.s32 $0xFFFFF086  }
0x25: {  	[simem:s6], [sflag:s4] =	dma.local [hbm:s3], $0xF7A  }
0x26: {  	[smem:$0x3F9B] =	sst s1;
	(tag) =	ssettag s2;
	_ =	strace s9  }
0x27: {  	s1 =	sld [smem:$0x3FAB]  }
0x28: {  	s2 =	sld [smem:$0x3FAC]  }
0x29: {  	s4 =	sld [smem:$0x3FAE]  }
0x2a: {  	p0 =	seq.s32 s5, $0x0;
	s5 =	sld [smem:$0x3FAF]  }
0x2b: {  	s6 =	sld [smem:$0x3FB0]  }
0x2c: {  	s7 =	sld [smem:$0x3FB1]  }
0x2d: {  	s3 =	simm.s32 $0x108;
	s8 =	sld [smem:$0x3FB2]  }
0x2e: {  	s3 =	simm.s32 @!p0 $0x1082;
	s9 =	sld [smem:$0x3FB3]  }
0x2f: {  	lr =	sadd.s32 s0, s3;
	s0 =	sld [smem:$0x3FAA]  }
0x30: {  	s3 =	sld [smem:$0x3FAD]  }
0x31: {  	[smem:$0x3FB6] =	sst s10  }
0x32: {  	s10 =	sld [smem:$0x3FB4];
	_ =	sdelay $0x3  }
0x33: {  	p0 =	seq.s32 s10, $0x1;
	s10 =	sld [smem:$0x3FB6];
	_ =	sdelay $0x3  }
0x34: {  	[smem:$0x3FB6] =	sst s10  }
0x35: {  	s10 =	sld [smem:$0x3FB5];
	_ =	sdelay $0x3  }
0x36: {  	p1 =	seq.s32 s10, $0x1;
	s10 =	sld [smem:$0x3FB6];
	_ =	sdelay $0x3  }
0x37: {  	[smem:$0x3FB6] =	sst s10  }
0x38: {  	s10 =	sld [smem:$0x3FB7]  }
0x39: {  	_ = 	snop;
	(pc) =	sbr.ind lr, $3  }
0x3a: {  	_ = 	snop  }
0x3b: {  	_ = 	snop  }
0x3c: {  	p2 =	seq.s32 s10, $0x1;
	s10 =	sld [smem:$0x3FB6]  }
0x3d: {  	_ =	shalt  }
0x3e: {  	_ =	shalt  }
0x3f: {  	_ =	shalt  }
0x40: {  	_ =	shalt  }
0x41: {  	_ =	shalt  }
0x42: {  	_ =	shalt  }
0x43: {  	_ =	shalt  }
0x44: {  	_ =	shalt  }
0x45: {  	_ =	shalt  }
0x46: {  	_ =	shalt  }
0x47: {  	_ =	shalt  }
0x48: {  	_ =	shalt  }
0x49: {  	_ =	shalt  }
0x4a: {  	_ =	shalt  }
0x4b: {  	_ =	shalt  }
0x4c: {  	_ =	shalt  }
0x4d: {  	_ =	shalt  }
0x4e: {  	_ =	shalt  }
0x4f: {  	_ =	shalt  }
0x50: {  	_ =	shalt  }
0x51: {  	_ =	shalt  }
0x52: {  	_ =	shalt  }
0x53: {  	_ =	shalt  }
0x54: {  	_ =	shalt  }
0x55: {  	_ =	shalt  }
0x56: {  	_ =	shalt  }
0x57: {  	_ =	shalt  }
0x58: {  	_ =	shalt  }
0x59: {  	_ =	shalt  }
0x5a: {  	_ =	shalt  }
0x5b: {  	_ =	shalt  }
0x5c: {  	_ =	shalt  }
0x5d: {  	_ =	shalt  }
0x5e: {  	_ =	shalt  }
0x5f: {  	_ =	shalt  }
0x60: {  	_ =	shalt  }
0x61: {  	_ =	shalt  }
0x62: {  	_ =	shalt  }
0x63: {  	_ =	shalt  }
0x64: {  	_ =	shalt  }
0x65: {  	_ =	shalt  }
0x66: {  	_ =	shalt  }
0x67: {  	_ =	shalt  }
0x68: {  	_ =	shalt  }
0x69: {  	_ =	shalt  }
0x6a: {  	_ =	shalt  }
0x6b: {  	_ =	shalt  }
0x6c: {  	_ =	shalt  }
0x6d: {  	_ =	shalt  }
0x6e: {  	_ =	shalt  }
0x6f: {  	_ =	shalt  }
0x70: {  	_ =	shalt  }
0x71: {  	_ =	shalt  }
0x72: {  	_ =	shalt  }
0x73: {  	_ =	shalt  }
0x74: {  	_ =	shalt  }
0x75: {  	_ =	shalt  }
0x76: {  	_ =	shalt  }
0x77: {  	_ =	shalt  }
0x78: {  	_ =	shalt  }
0x79: {  	_ =	shalt  }
0x7a: {  	_ =	shalt  }
0x7b: {  	_ =	shalt  }
0x7c: {  	_ =	shalt  }
0x7d: {  	_ =	shalt  }
0x7e: {  	_ =	shalt  }
0x7f: {  	_ =	shalt  }
0x80: {  	_ =	shalt  }
0x81: {  	_ =	shalt  }
0x82: {  	_ =	shalt  }
0x83: {  	_ =	shalt  }
0x84: {  	_ =	shalt  }
0x85: {  	_ =	shalt  }
0x86: {  	_ =	shalt  }
0x87: {  	_ =	shalt  }
.Lfunc_end0:
.L_simem_size_0:
called_computation.1_lowered:
.L_overlay_start_0:
0x88: {  	s2 =	sld [smem:$0x3FD9]  }
0x89: {  	s3 =	sld [smem:$0x3FFE];
	_ =	sdelay $0x1  }
0x8a: {  	s1 =	srdreg.scid  }
0x8b: {  	s0 =	sand.u32 $0x1, s1  }
0x8c: {  	s17 =	sshll.u32 s0, $0xA;
	s2 =	sadd.s32 s3, s2  }
0x8d: {  	s2 =	sadd.s32 s2, s17  }
0x8e: {  	[smem:$0x3FC2] =	sst s2  }
0x8f: {  	_ = 	snop  }
0x90: {  	s2 =	sld [smem:$0x3FD0];
	(tm) =	ssettm $0x1  }
0x91: {  	s18 =	sld [smem:$0x3FFB];
	_ =	sdelay $0x3  }
0x92: {  	_ =	strace s18  }
0x93: {  	s3 =	sld [smem:$0x3FFC];
	_ =	sdelay $0x3  }
0x94: {  	_ =	strace s3  }
0x95: {  	s3 =	sld [smem:$0x3FFD];
	_ =	sdelay $0x3  }
0x96: {  	_ =	strace s3  }
0x97: {  	_ =	strace $0x8FFFFFFF  }
0x98: {  	s19 =	sld [smem:$0x3FDB];
	_ =	sdelay $0x1  }
0x99: {  	s4 =	simm.s32 $_scs_section_size  }
0x9a: {  	s5 =	simm.s32 $_size__tile_overlayer_lowered;
	s6 =	simm.s32 $_tile_overlayer_lowered  }
0x9b: {  	s22 =	simm.s32 $0x1BFF;
	s21 =	sshll.u32 s6, $0x1;
	s3 =	sadd.s32 s4, s19  }
0x9c: {  	s7 =	simm.s32 $0x0;
	s20 =	sshll.u32 s5, $0x1;
	s5 =	sadd.s32 s21, s3  }
0x9d: {  	[timem:s7], [sflag:s22] =	dma.local [hbm:s5], s20  }
0x9e: {  	_ =	swait.ge [sflag:s22], s20  }
0x9f: {  	s4 =	ssub.s32 $0x0, s20;
	[sflag:s22] =	ssyncset.done $0x0  }
0xa0: {  	[sflag:s22] =	ssyncadd.s32 s4;
	_ =	sdelay $0x1  }
0xa1: {  	s23 =	simm.s32 $0x1B8B  }
0xa2: {  	_ =	swait.ge [sflag:s23], $0x1  }
0xa3: {  	[sflag:s23] =	ssyncset.done $0x0  }
0xa4: {  	s25 =	simm.s32 $0x1B8E;
	s24 =	sld [smem:$0x3FFE];
	[sflag:s23] =	ssyncadd.s32 $0xFFFFFFFF  }
0xa5: {  	s26 =	simm.s32 $execute0_lowered;
	[smem:$0x3FD2] =	sst s25  }
0xa6: {  	s5 =	sshll.u32 s26, $0x1;
	_ =	strace $0x80000049;
	[dreg:$0x1] =	wrdreg $0xFFFFFFFF  }
0xa7: {  	s28 =	simm.s32 $_size_execute0_lowered;
	s3 =	sadd.s32 s3, s5;
	[dreg:$0x0] =	wrdreg $0x0  }
0xa8: {  	s5 =	sshll.u32 s28, $0x1;
	[dreg:$0x2] =	wrdreg s3  }
0xa9: {  	[dreg:$0x3] =	wrdreg s5  }
0xaa: {  	[dreg:$0x4] =	wrdreg $0xC0  }
0xab: {  	_ =	task [dreg:s7], $0x5FFFF  }
0xac: {  	[dreg:$0x1] =	wrdreg $0xFFFFFFFF  }
0xad: {  	[dreg:$0x0] =	wrdreg $0x60  }
0xae: {  	[dreg:$0x2] =	wrdreg s24  }
0xaf: {  	[dreg:$0x3] =	wrdreg s2  }
0xb0: {  	[dreg:$0x4] =	wrdreg $0xA8000  }
0xb1: {  	[dreg:$0x5] =	wrdreg $0x9  }
0xb2: {  	_ =	task.clear_ibuf [dreg:s7], $0x6FFFF;
	_ =	strace $0x90000049  }
0xb3: {  	s29 =	simm.s32 $0x9;
	_ =	strace $0x8000004B  }
0xb4: {  	_ =	swait.ge [sflag:s29], $0x1  }
0xb5: {  	[sflag:s29] =	ssyncadd.s32 $0xFFFFFFFF  }
0xb6: {  	_ =	strace $0x9000004B  }
0xb7: {  	_ =	sfence  }
0xb8: {  	s30 =	sld [smem:$0x0];
	_ =	sdelay $0x2  }
0xb9: {  	s31 =	sshll.u32 s1, $0xD;
	s1 =	sshrl.u32 s1, $0x2  }
0xba: {  	s3 =	sand.u32 $0x4000, s31;
	s1 =	sadd.s32 s1, s30  }
0xbb: {  	s0 =	sor.u32 s3, s0;
	s1 =	sshll.u32 s1, $0x11  }
0xbc: {  	s0 =	sor.u32 s1, s0  }
0xbd: {  	s0 =	sadd.s32 $0x8F2B, s0  }
0xbe: {  	[sflag:s0] =	ssyncadd.remote.s32 $0x1  }
0xbf: {  	_ =	sfence.sel $0xFFFF  }
0xc0: {  	[dreg:$0x0] =	wrdreg $0xFFFFFFFF;
	(pc) =	sbr.abs _section_cstart, $3  }
0xc1: {  	[dreg:$0x1] =	wrdreg $0xFFFFFFFF  }
0xc2: {  	_ =	task.clear_ibuf [dreg:s7], $0x2FFFF;
	_ =	strace $0x9FFFFFFF  }
0xc3: {  	(tm) =	ssettm $0x7FFFFFFF  }
tec
execute0_lowered:
.L_overlay_start_1:
0x0: {  	(tag) =	ssettag $0x1  }
0x1: {  	s7 =	rddreg [dreg:$0x0]  }
0x2: {  	s0 =	srdreg.scid;
	s9 =	rddreg [dreg:$0x1]  }
0x3: {  	s2 =	rddreg [dreg:$0x2];
	s3 =	simm.s32 $0x0;
	s17 =	simm.s32 $0x1  }
0x4: {  	s18 =	simm.s32 $0x2780;
	s6 =	sand.u32 $0x1, s0;
	s0 =	stileid.u32  }
0x5: {  	s19 =	simm.s32 $0x2;
	s20 =	simm.s32 $0x80;
	s4 =	smul.u32 $0x2780, s0  }
0x6: {  	s21 =	simm.s32 $0x0;
	[smem:$0x7FF] =	sst s3;
	s8 =	smul.u32 $0x27100, s6  }
0x7: {  	s5 =	sadd.s32 $0x33600, s7;
	s1 =	sshll.u32 s6, $0x4;
	s11 =	smul.u32 $0x4F000, s0  }
0x8: {  	s6 =	ssub.s32 $0x2, s6;
	p0 =	seq.s32 s0, $0xF;
	s1 =	sor.u32 s0, s1  }
0x9: {  	s31 =	sshrl.u32 s6, $0x1;
	s10 =	smul.u32 $0x500, s1;
	s1 =	rddreg [dreg:$0x3]  }
0xa: {  	_ =	strace $0x8000004A;
	s13 =	sadd.s32 s4, s7;
	s11 =	sshrl.u32 s11, $0x2  }
0xb: {  	s14 =	sadd.s32 s8, s7;
	s15 =	ssub.s32 s6, s31;
	s16 =	sadd.s32 s11, s2  }
.Ltmp0:
0xc: {  	s6 =	sadd.s32 $0xC400, s13;
	s13 =	sadd.s32 $0x128400, s2;
	(pc) =	sbr.rel .LBB2_1-.Ltmp0, $4  }
0xd: {  	s11 =	smax.u32 s15, $0x1;
	s15 =	simm.s32 $0x3;
	s12 =	sadd.s32 s10, s7  }
0xe: {  	s7 =	sadd.s32 $0x31480, s7;
	s9 =	sadd.s32 s9, s10;
	s10 =	sadd.s32 $0x5B000, s14  }
0xf: {  	s8 =	sadd.s32 $0x2400, s12;
	s12 =	sshrl.u32 @p0 s13, $0x3;
	s13 =	sshll.u32 @!p0 s0, $0x6  }
0x10: {  	s14 =	sshrl.u32 @!p0 s16, $0x3;
	s16 =	simm.s32 $0x2800;
	s13 =	sor.u32 @!p0 $0x1C03, s13  }
.LBB2_7:
0x11: {  	[spmem:s2] =	stream.indirect.scatter.add.f32 [tilespmem:s25], [sflag:$0x2], $0x80, s18, s20, $0xb8;
	[tilespmem:$0x1E480] =	vst v63  }
0x12: {  	_ =	swait.ge [sflag:s19], $0x4000  }
0x13: {  	[sflag:s19] =	ssyncset.done $0x0  }
0x14: {  	[sflag:s19] =	ssyncadd.s32 $0xFFFFC000  }
0x15: {  	s22 =	sadd.s32 @p0 $0x25080, s10;
	s23 =	simm.s32 @p0 $0x1FC3;
	[bflag:$0x0] =	sbarrier.arrive $0xFFFF  }
0x16: {  	[hbm:s22], [sflag:s23] =	dma.local @p0 [spmem:s12], $0x2080  }
0x17: {  	s22 =	simm.s32 @p0 $0x3  }
0x18: {  	_ =	swait.ge @p0 [sflag:s22], $0x2080  }
0x19: {  	s21 =	sadd.s32 $0x1, s21;
	[sflag:s22] =	ssyncset.done @p0 $0x0  }
0x1a: {  	p1 =	sne.s32 s21, s11;
	[sflag:s22] =	ssyncadd.s32 @p0 $0xFFFFDF80;
	s22 =	sadd.s32 @!p0 s4, s10  }
0x1b: {  	[hbm:s22], [sflag:s13] =	dma.local @!p0 [spmem:s14], $0x2780  }
.Ltmp1:
0x1c: {  	_ = 	snop;
	(pc) =	sbr.rel @!p1 .LBB2_8-.Ltmp1, $4  }
0x1d: {  	s22 =	simm.s32 @!p0 $0x3  }
0x1e: {  	_ =	swait.ge @!p0 [sflag:s22], $0x2780  }
0x1f: {  	[sflag:s22] =	ssyncset.done @!p0 $0x0  }
0x20: {  	[sflag:s22] =	ssyncadd.s32 @!p0 $0xFFFFD880  }
.LBB2_1:
0x21: {  	s22 =	simm.s32 @p0 $0x1FC3  }
0x22: {  	[spmem:s12], [sflag:s22] =	dma.local @p0 [hbm:s7], $0x2080  }
0x23: {  	s22 =	simm.s32 @p0 $0x3  }
0x24: {  	_ =	swait.ge @p0 [sflag:s22], $0x2080  }
0x25: {  	[sflag:s22] =	ssyncset.done @p0 $0x0  }
0x26: {  	[sflag:s22] =	ssyncadd.s32 @p0 $0xFFFFDF80;
	s22 =	simm.s32 @!p0 $0x3  }
0x27: {  	[spmem:s14], [sflag:s13] =	dma.local @!p0 [hbm:s6], $0x2780  }
0x28: {  	_ =	swait.ge @!p0 [sflag:s22], $0x2780  }
0x29: {  	[sflag:s22] =	ssyncset.done @!p0 $0x0  }
0x2a: {  	[sflag:s22] =	ssyncadd.s32 @!p0 $0xFFFFD880  }
0x2b: {  	[bflag:$0x0] =	sbarrier.arrive $0xFFFF  }
0x2c: {  	[tilespmem:s3], [sflag:$0x3] =	stream.linear.gather [hbm4b:s8+s3], $0x1400, $0x38;
	[tilespmem:$0x1E480] =	vst v63  }
0x2d: {  	_ =	swait.ge [sflag:s15], $0x1400  }
0x2e: {  	[sflag:s15] =	ssyncset.done $0x0  }
0x2f: {  	s22 =	simm.s32 $0x1400;
	[sflag:s15] =	ssyncadd.s32 $0xFFFFEC00  }
0x30: {  	[tilespmem:s22], [sflag:$0x3] =	stream.linear.gather [hbm4b:s9+s3], $0x1400, $0x38;
	[tilespmem:$0x1E480] =	vst v63  }
0x31: {  	_ =	swait.ge [sflag:s15], $0x1400  }
0x32: {  	[sflag:s15] =	ssyncset.done $0x0  }
0x33: {  	s23 =	simm.s32 $0x0;
	s24 =	simm.s32 $0x80;
	[sflag:s15] =	ssyncadd.s32 $0xFFFFEC00  }
0x34: {  	[tilespmem:s16], [sflag:$0x1] =	stream.indirect.gather [hbm4b:s5+s20], $0x80, s3, s20, $0xb8;
	[tilespmem:$0x1E480] =	vst v63  }
.LBB2_2:
0x35: {  	p1 =	seq.s32 s23, $0x0  }
0x36: {  	p2 =	seq.s32 @!p1 s23, $0x27  }
0x37: {  	_ =	swait.ge [sflag:s17], $0x4000;
	p2 =	por p1, !p2  }
.Ltmp2:
0x38: {  	[sflag:s17] =	ssyncset.done $0x0;
	(pc) =	sbr.rel @!p2 .LBB2_4-.Ltmp2, $4  }
0x39: {  	s28 =	simm.s32 @!p1 $0x2;
	[sflag:s17] =	ssyncadd.s32 $0xFFFFC000  }
0x3a: {  	s25 =	sand.u32 $0x1, s23;
	_ =	swait.ge @!p1 [sflag:s28], $0x4000  }
0x3b: {  	s26 =	sshll.u32 s25, $0xE;
	[sflag:s28] =	ssyncset.done @!p1 $0x0  }
0x3c: {  	s25 =	sor.u32 $0x2800, s26;
	[sflag:s28] =	ssyncadd.s32 @!p1 $0xFFFFC000  }
.Ltmp3:
0x3d: {  	s26 =	sxor.u32 $0x6800, s26;
	(pc) =	sbr.rel .LBB2_2-.Ltmp3, $4  }
0x3e: {  	[tilespmem:s26], [sflag:$0x1] =	stream.indirect.gather [hbm4b:s5+s20], $0x80, s24, s20, $0xb8;
	[tilespmem:$0x1E480] =	vst v63  }
0x3f: {  	_ = 	snop  }
0x40: {  	[spmem:s2] =	stream.indirect.scatter.add.f32 [tilespmem:s25], [sflag:$0x2], $0x80, s22, s20, $0xb8;
	[tilespmem:$0x1E480] =	vst v63  }
0x41: {  	s23 =	sadd.s32 $0x1, s23;
	s24 =	sadd.s32 $0x80, s24;
	s22 =	sadd.s32 $0x80, s22  }
.LBB2_4:
0x42: {  	s22 =	simm.s32 $0x80  }
0x43: {  	[spmem:s2] =	stream.indirect.scatter.add.f32 [tilespmem:s25], [sflag:$0x2], $0x80, s18, s22, $0xb8;
	[tilespmem:$0x1E480] =	vst v63  }
0x44: {  	_ =	swait.ge [sflag:s19], $0x4000  }
0x45: {  	[sflag:s19] =	ssyncset.done $0x0  }
0x46: {  	s24 =	sadd.s32 $0x280, s8;
	s23 =	simm.s32 $0x0;
	[sflag:s19] =	ssyncadd.s32 $0xFFFFC000  }
0x47: {  	[tilespmem:s23], [sflag:$0x3] =	stream.linear.gather [hbm4b:s24+s23], $0x1400, $0x38;
	[tilespmem:$0x1E480] =	vst v63  }
0x48: {  	_ =	swait.ge [sflag:s15], $0x1400  }
0x49: {  	[sflag:s15] =	ssyncset.done $0x0  }
0x4a: {  	s31 =	sadd.s32 $0x280, s9;
	s24 =	simm.s32 $0x1400;
	[sflag:s15] =	ssyncadd.s32 $0xFFFFEC00  }
0x4b: {  	[tilespmem:s24], [sflag:$0x3] =	stream.linear.gather [hbm4b:s31+s23], $0x1400, $0x38;
	[tilespmem:$0x1E480] =	vst v63  }
0x4c: {  	_ =	swait.ge [sflag:s15], $0x1400  }
0x4d: {  	[sflag:s15] =	ssyncset.done $0x0  }
0x4e: {  	[sflag:s15] =	ssyncadd.s32 $0xFFFFEC00  }
0x4f: {  	[tilespmem:s16], [sflag:$0x1] =	stream.indirect.gather [hbm4b:s5+s22], $0x80, s23, s22, $0xb8;
	[tilespmem:$0x1E480] =	vst v63  }
.LBB2_5:
0x50: {  	p1 =	seq.s32 s23, $0x0  }
0x51: {  	p2 =	seq.s32 @!p1 s23, $0x27  }
0x52: {  	_ =	swait.ge [sflag:s17], $0x4000;
	p2 =	por p1, !p2  }
.Ltmp4:
0x53: {  	[sflag:s17] =	ssyncset.done $0x0;
	(pc) =	sbr.rel @!p2 .LBB2_7-.Ltmp4, $4  }
0x54: {  	s28 =	simm.s32 @!p1 $0x2;
	[sflag:s17] =	ssyncadd.s32 $0xFFFFC000  }
0x55: {  	s25 =	sand.u32 $0x1, s23;
	_ =	swait.ge @!p1 [sflag:s28], $0x4000  }
0x56: {  	s26 =	sshll.u32 s25, $0xE;
	[sflag:s28] =	ssyncset.done @!p1 $0x0  }
0x57: {  	s25 =	sor.u32 $0x2800, s26;
	[sflag:s28] =	ssyncadd.s32 @!p1 $0xFFFFC000  }
.Ltmp5:
0x58: {  	s26 =	sxor.u32 $0x6800, s26;
	(pc) =	sbr.rel .LBB2_5-.Ltmp5, $4  }
0x59: {  	[tilespmem:s26], [sflag:$0x1] =	stream.indirect.gather [hbm4b:s5+s20], $0x80, s22, s20, $0xb8;
	[tilespmem:$0x1E480] =	vst v63  }
0x5a: {  	_ = 	snop  }
0x5b: {  	[spmem:s2] =	stream.indirect.scatter.add.f32 [tilespmem:s25], [sflag:$0x2], $0x80, s24, s20, $0xb8;
	[tilespmem:$0x1E480] =	vst v63  }
0x5c: {  	s23 =	sadd.s32 $0x1, s23;
	s22 =	sadd.s32 $0x80, s22;
	s24 =	sadd.s32 $0x80, s24  }
.LBB2_8:
0x5d: {  	_ =	sfence.sel $0x180000  }
0x5e: {  	[bflag:$0x0] =	sbarrier.arrive $0xFFFF  }
0x5f: {  	p0 =	sne.s32 s0, $0x0;
	_ =	strace $0x9000004A  }
0x60: {  	s0 =	sadd.s32 @!p0 $0x100000, s1;
	[bflag:$0x2] =	sbarrier.arrive $0xFFFF  }
0x61: {  	[sflag:s0] =	ssyncadd.tile.s32 @!p0 $0x1;
	_ =	shalt  }
.Lfunc_end2:
_tile_overlayer_lowered:
.L_overlay_start_2:
0x62: {  	(tag) =	ssettag $0x2  }
0x63: {  	s0 =	rddreg [dreg:$0x0];
	s2 =	stileid.u32  }
0x64: {  	s1 =	rddreg [dreg:$0x1];
	p0 =	sne.s32 s2, $0x0  }
0x65: {  	s3 =	rddreg [dreg:$0x2];
	[bflag:$0x3] =	sbarrier.arrive $0xFFFF;
	s2 =	simm.s32 @!p0 $0x1C03  }
0x66: {  	[timem:s3], [sflag:s2] =	dma.local @!p0 [hbm:s0], s1  }
0x67: {  	s0 =	simm.s32 @!p0 $0x3  }
0x68: {  	_ =	swait.ge @!p0 [sflag:s0], s1  }
0x69: {  	s1 =	ssub.s32 @!p0 $0x0, s1;
	[sflag:s0] =	ssyncset.done @!p0 $0x0  }
0x6a: {  	[sflag:s0] =	ssyncadd.s32 @!p0 s1  }
0x6b: {  	[bflag:$0x3] =	sbarrier.arrive $0xFFFF  }
0x6c: {  	_ =	shalt  }

// kernel: kernel.16.cloned.1.call-start
scs
__scs_entry_jumppad:
0x0: {  	(pc) =	sbr.rel $0x88, $3  }
0x1: {  	(tag) =	ssettag $0x0;
	lr =	simm.s32 $0x1  }
0x2: {  	[smem:$0x3F9B] =	sst lr;
	_ =	strace $0xD0000000  }
0x3: {  	_ = 	snop  }
0x4: {  	_ = 	snop  }
0x5: {  	_ = 	snop  }
0x6: {  	_ = 	snop  }
0x7: {  	_ = 	snop  }
__scs_overlays_trampoline_lowered:
0x8: {  	[smem:$0x3FAA] =	sst s0  }
0x9: {  	[smem:$0x3FAB] =	sst s1  }
0xa: {  	[smem:$0x3FAC] =	sst s2  }
0xb: {  	[smem:$0x3FAD] =	sst s3  }
0xc: {  	[smem:$0x3FAE] =	sst s4  }
0xd: {  	[smem:$0x3FAF] =	sst s5  }
0xe: {  	[smem:$0x3FB0] =	sst s6  }
0xf: {  	[smem:$0x3FB1] =	sst s7  }
0x10: {  	[smem:$0x3FB2] =	sst s8  }
0x11: {  	[smem:$0x3FB3] =	sst s9;
	s0 =	simm.s32 @!p0 $0x0  }
0x12: {  	s1 =	sld [smem:$0x3F99];
	s0 =	simm.s32 @p0 $0x1  }
0x13: {  	[smem:$0x3FB4] =	sst s0;
	s0 =	simm.s32 @!p1 $0x0  }
0x14: {  	s2 =	sld [smem:$0x3F98];
	s0 =	simm.s32 @p1 $0x1  }
0x15: {  	[smem:$0x3FB5] =	sst s0;
	s0 =	simm.s32 @!p2 $0x0  }
0x16: {  	s3 =	sld [smem:$0x3FDB];
	s0 =	simm.s32 @p2 $0x1  }
0x17: {  	s4 =	simm.s32 $0x1BF5;
	[smem:$0x3FB7] =	sst s0  }
0x18: {  	s0 =	sld [smem:$0x3F9A];
	_ =	swait.ge [sflag:s4], $0x0  }
0x19: {  	s7 =	sld [smem:$0x3F9B]  }
0x1a: {  	s8 =	sadd.s32 $0xFFFFE003, lr  }
0x1b: {  	s9 =	sadd.s32 $0xFFFFFEF7, lr;
	s5 =	simm.s32 $0xFFFFFFFF;
	p2 =	slt.u32 s8, $0xFFFFF086  }
0x1c: {  	p1 =	slt.u32 s9, $0xF7A;
	s5 =	simm.s32 @!p2 $0x0  }
0x1d: {  	s5 =	simm.s32 @p1 $0x1;
	p0 =	seq.s32 s7, s2  }
0x1e: {  	s7 =	smul.u32 @!p0 $0xF7A, s2;
	p2 =	seq.s32 @!p0 s5, $0x0  }
0x1f: {  	s9 =	smul.u32 $0xF7A, s1;
	s8 =	simm.s32 @!p0 $0x1BF5;
	p2 =	por !p2, p0  }
0x20: {  	[sflag:s8] =	ssyncset.s32 @!p0 $0xFFFFF086;
	s6 =	sadd.s32 @!p0 s3, s7;
	s7 =	simm.s32 @!p0 $0x108  }
0x21: {  	s3 =	sadd.s32 s3, s9;
	s6 =	sadd.s32 @!p0 $0x88, s6;
	s7 =	simm.s32 @p2 $0x1082  }
0x22: {  	[simem:s7], [sflag:s8] =	dma.local @!p0 [hbm:s6], $0xF7A  }
0x23: {  	s9 =	sor.u32 $0xD0000000, s2;
	s6 =	simm.s32 $0x108;
	_ =	swait.ge @!p0 [sflag:s8], $0x0  }
0x24: {  	s3 =	sadd.s32 $0x88, s3;
	s6 =	simm.s32 @!p1 $0x1082;
	[sflag:s4] =	ssyncset.s32 $0xFFFFF086  }
0x25: {  	[simem:s6], [sflag:s4] =	dma.local [hbm:s3], $0xF7A  }
0x26: {  	[smem:$0x3F9B] =	sst s1;
	(tag) =	ssettag s2;
	_ =	strace s9  }
0x27: {  	s1 =	sld [smem:$0x3FAB]  }
0x28: {  	s2 =	sld [smem:$0x3FAC]  }
0x29: {  	s4 =	sld [smem:$0x3FAE]  }
0x2a: {  	p0 =	seq.s32 s5, $0x0;
	s5 =	sld [smem:$0x3FAF]  }
0x2b: {  	s6 =	sld [smem:$0x3FB0]  }
0x2c: {  	s7 =	sld [smem:$0x3FB1]  }
0x2d: {  	s3 =	simm.s32 $0x108;
	s8 =	sld [smem:$0x3FB2]  }
0x2e: {  	s3 =	simm.s32 @!p0 $0x1082;
	s9 =	sld [smem:$0x3FB3]  }
0x2f: {  	lr =	sadd.s32 s0, s3;
	s0 =	sld [smem:$0x3FAA]  }
0x30: {  	s3 =	sld [smem:$0x3FAD]  }
0x31: {  	[smem:$0x3FB6] =	sst s10  }
0x32: {  	s10 =	sld [smem:$0x3FB4];
	_ =	sdelay $0x3  }
0x33: {  	p0 =	seq.s32 s10, $0x1;
	s10 =	sld [smem:$0x3FB6];
	_ =	sdelay $0x3  }
0x34: {  	[smem:$0x3FB6] =	sst s10  }
0x35: {  	s10 =	sld [smem:$0x3FB5];
	_ =	sdelay $0x3  }
0x36: {  	p1 =	seq.s32 s10, $0x1;
	s10 =	sld [smem:$0x3FB6];
	_ =	sdelay $0x3  }
0x37: {  	[smem:$0x3FB6] =	sst s10  }
0x38: {  	s10 =	sld [smem:$0x3FB7]  }
0x39: {  	_ = 	snop;
	(pc) =	sbr.ind lr, $3  }
0x3a: {  	_ = 	snop  }
0x3b: {  	_ = 	snop  }
0x3c: {  	p2 =	seq.s32 s10, $0x1;
	s10 =	sld [smem:$0x3FB6]  }
0x3d: {  	_ =	shalt  }
0x3e: {  	_ =	shalt  }
0x3f: {  	_ =	shalt  }
0x40: {  	_ =	shalt  }
0x41: {  	_ =	shalt  }
0x42: {  	_ =	shalt  }
0x43: {  	_ =	shalt  }
0x44: {  	_ =	shalt  }
0x45: {  	_ =	shalt  }
0x46: {  	_ =	shalt  }
0x47: {  	_ =	shalt  }
0x48: {  	_ =	shalt  }
0x49: {  	_ =	shalt  }
0x4a: {  	_ =	shalt  }
0x4b: {  	_ =	shalt  }
0x4c: {  	_ =	shalt  }
0x4d: {  	_ =	shalt  }
0x4e: {  	_ =	shalt  }
0x4f: {  	_ =	shalt  }
0x50: {  	_ =	shalt  }
0x51: {  	_ =	shalt  }
0x52: {  	_ =	shalt  }
0x53: {  	_ =	shalt  }
0x54: {  	_ =	shalt  }
0x55: {  	_ =	shalt  }
0x56: {  	_ =	shalt  }
0x57: {  	_ =	shalt  }
0x58: {  	_ =	shalt  }
0x59: {  	_ =	shalt  }
0x5a: {  	_ =	shalt  }
0x5b: {  	_ =	shalt  }
0x5c: {  	_ =	shalt  }
0x5d: {  	_ =	shalt  }
0x5e: {  	_ =	shalt  }
0x5f: {  	_ =	shalt  }
0x60: {  	_ =	shalt  }
0x61: {  	_ =	shalt  }
0x62: {  	_ =	shalt  }
0x63: {  	_ =	shalt  }
0x64: {  	_ =	shalt  }
0x65: {  	_ =	shalt  }
0x66: {  	_ =	shalt  }
0x67: {  	_ =	shalt  }
0x68: {  	_ =	shalt  }
0x69: {  	_ =	shalt  }
0x6a: {  	_ =	shalt  }
0x6b: {  	_ =	shalt  }
0x6c: {  	_ =	shalt  }
0x6d: {  	_ =	shalt  }
0x6e: {  	_ =	shalt  }
0x6f: {  	_ =	shalt  }
0x70: {  	_ =	shalt  }
0x71: {  	_ =	shalt  }
0x72: {  	_ =	shalt  }
0x73: {  	_ =	shalt  }
0x74: {  	_ =	shalt  }
0x75: {  	_ =	shalt  }
0x76: {  	_ =	shalt  }
0x77: {  	_ =	shalt  }
0x78: {  	_ =	shalt  }
0x79: {  	_ =	shalt  }
0x7a: {  	_ =	shalt  }
0x7b: {  	_ =	shalt  }
0x7c: {  	_ =	shalt  }
0x7d: {  	_ =	shalt  }
0x7e: {  	_ =	shalt  }
0x7f: {  	_ =	shalt  }
0x80: {  	_ =	shalt  }
0x81: {  	_ =	shalt  }
0x82: {  	_ =	shalt  }
0x83: {  	_ =	shalt  }
0x84: {  	_ =	shalt  }
0x85: {  	_ =	shalt  }
0x86: {  	_ =	shalt  }
0x87: {  	_ =	shalt  }
.Lfunc_end0:
.L_simem_size_0:
called_computation.2_lowered:
.L_overlay_start_0:
0x88: {  	s2 =	sld [smem:$0x3FD9]  }
0x89: {  	s3 =	sld [smem:$0x3FFE];
	_ =	sdelay $0x1  }
0x8a: {  	s1 =	srdreg.scid  }
0x8b: {  	s0 =	sand.u32 $0x1, s1  }
0x8c: {  	s17 =	sshll.u32 s0, $0xA;
	s2 =	sadd.s32 s3, s2  }
0x8d: {  	s2 =	sadd.s32 s2, s17  }
0x8e: {  	[smem:$0x3FC2] =	sst s2  }
0x8f: {  	_ = 	snop  }
0x90: {  	s2 =	sld [smem:$0x3FD0];
	(tm) =	ssettm $0x1  }
0x91: {  	s18 =	sld [smem:$0x3FFB];
	_ =	sdelay $0x3  }
0x92: {  	_ =	strace s18  }
0x93: {  	s3 =	sld [smem:$0x3FFC];
	_ =	sdelay $0x3  }
0x94: {  	_ =	strace s3  }
0x95: {  	s3 =	sld [smem:$0x3FFD];
	_ =	sdelay $0x3  }
0x96: {  	_ =	strace s3  }
0x97: {  	_ =	strace $0x8FFFFFFF  }
0x98: {  	s19 =	sld [smem:$0x3FDB];
	_ =	sdelay $0x1  }
0x99: {  	s4 =	simm.s32 $_scs_section_size  }
0x9a: {  	s5 =	simm.s32 $_size__tile_overlayer_lowered;
	s6 =	simm.s32 $_tile_overlayer_lowered  }
0x9b: {  	s22 =	simm.s32 $0x1BFF;
	s21 =	sshll.u32 s6, $0x1;
	s3 =	sadd.s32 s4, s19  }
0x9c: {  	s7 =	simm.s32 $0x0;
	s20 =	sshll.u32 s5, $0x1;
	s5 =	sadd.s32 s21, s3  }
0x9d: {  	[timem:s7], [sflag:s22] =	dma.local [hbm:s5], s20  }
0x9e: {  	_ =	swait.ge [sflag:s22], s20  }
0x9f: {  	s4 =	ssub.s32 $0x0, s20;
	[sflag:s22] =	ssyncset.done $0x0  }
0xa0: {  	[sflag:s22] =	ssyncadd.s32 s4;
	_ =	sdelay $0x1  }
0xa1: {  	s23 =	simm.s32 $0x1B8B  }
0xa2: {  	_ =	swait.ge [sflag:s23], $0x1  }
0xa3: {  	[sflag:s23] =	ssyncset.done $0x0  }
0xa4: {  	s25 =	simm.s32 $0x1B8E;
	s24 =	sld [smem:$0x3FFE];
	[sflag:s23] =	ssyncadd.s32 $0xFFFFFFFF  }
0xa5: {  	s26 =	simm.s32 $execute0_lowered;
	[smem:$0x3FD2] =	sst s25  }
0xa6: {  	s5 =	sshll.u32 s26, $0x1;
	_ =	strace $0x8000004C;
	[dreg:$0x1] =	wrdreg $0xFFFFFFFF  }
0xa7: {  	s28 =	simm.s32 $_size_execute0_lowered;
	s3 =	sadd.s32 s3, s5;
	[dreg:$0x0] =	wrdreg $0x0  }
0xa8: {  	s5 =	sshll.u32 s28, $0x1;
	[dreg:$0x2] =	wrdreg s3  }
0xa9: {  	[dreg:$0x3] =	wrdreg s5  }
0xaa: {  	[dreg:$0x4] =	wrdreg $0xC0  }
0xab: {  	_ =	task [dreg:s7], $0x5FFFF  }
0xac: {  	[dreg:$0x1] =	wrdreg $0xFFFFFFFF  }
0xad: {  	[dreg:$0x0] =	wrdreg $0x60  }
0xae: {  	[dreg:$0x2] =	wrdreg s24  }
0xaf: {  	[dreg:$0x3] =	wrdreg s2  }
0xb0: {  	[dreg:$0x4] =	wrdreg $0xA8000  }
0xb1: {  	[dreg:$0x5] =	wrdreg $0x9  }
0xb2: {  	_ =	task.clear_ibuf [dreg:s7], $0x6FFFF;
	_ =	strace $0x9000004C  }
0xb3: {  	s29 =	simm.s32 $0x9;
	_ =	strace $0x8000004E  }
0xb4: {  	_ =	swait.ge [sflag:s29], $0x1  }
0xb5: {  	[sflag:s29] =	ssyncadd.s32 $0xFFFFFFFF  }
0xb6: {  	_ =	strace $0x9000004E  }
0xb7: {  	_ =	sfence  }
0xb8: {  	s30 =	sld [smem:$0x0];
	_ =	sdelay $0x2  }
0xb9: {  	s31 =	sshll.u32 s1, $0xD;
	s1 =	sshrl.u32 s1, $0x2  }
0xba: {  	s3 =	sand.u32 $0x4000, s31;
	s1 =	sadd.s32 s1, s30  }
0xbb: {  	s0 =	sor.u32 s3, s0;
	s1 =	sshll.u32 s1, $0x11  }
0xbc: {  	s0 =	sor.u32 s1, s0  }
0xbd: {  	s0 =	sadd.s32 $0x8F2B, s0  }
0xbe: {  	[sflag:s0] =	ssyncadd.remote.s32 $0x1  }
0xbf: {  	_ =	sfence.sel $0xFFFF  }
0xc0: {  	[dreg:$0x0] =	wrdreg $0xFFFFFFFF;
	(pc) =	sbr.abs _section_cstart, $3  }
0xc1: {  	[dreg:$0x1] =	wrdreg $0xFFFFFFFF  }
0xc2: {  	_ =	task.clear_ibuf [dreg:s7], $0x2FFFF;
	_ =	strace $0x9FFFFFFF  }
0xc3: {  	(tm) =	ssettm $0x7FFFFFFF  }
tec
execute0_lowered:
.L_overlay_start_1:
0x0: {  	(tag) =	ssettag $0x1  }
0x1: {  	s7 =	rddreg [dreg:$0x0]  }
0x2: {  	s0 =	srdreg.scid;
	s9 =	rddreg [dreg:$0x1]  }
0x3: {  	s2 =	rddreg [dreg:$0x2];
	s3 =	simm.s32 $0x0;
	s17 =	simm.s32 $0x1  }
0x4: {  	s18 =	simm.s32 $0x2780;
	s6 =	sand.u32 $0x1, s0;
	s0 =	stileid.u32  }
0x5: {  	s19 =	simm.s32 $0x2;
	s20 =	simm.s32 $0x80;
	s4 =	smul.u32 $0x2780, s0  }
0x6: {  	s21 =	simm.s32 $0x0;
	[smem:$0x7FF] =	sst s3;
	s8 =	smul.u32 $0x27100, s6  }
0x7: {  	s5 =	sadd.s32 $0x33600, s7;
	s1 =	sshll.u32 s6, $0x4;
	s11 =	smul.u32 $0x4F000, s0  }
0x8: {  	s6 =	ssub.s32 $0x2, s6;
	p0 =	seq.s32 s0, $0xF;
	s1 =	sor.u32 s0, s1  }
0x9: {  	s31 =	sshrl.u32 s6, $0x1;
	s10 =	smul.u32 $0x500, s1;
	s1 =	rddreg [dreg:$0x3]  }
0xa: {  	_ =	strace $0x8000004D;
	s13 =	sadd.s32 s4, s7;
	s11 =	sshrl.u32 s11, $0x2  }
0xb: {  	s14 =	sadd.s32 s8, s7;
	s15 =	ssub.s32 s6, s31;
	s16 =	sadd.s32 s11, s2  }
.Ltmp0:
0xc: {  	s6 =	sadd.s32 $0xC400, s13;
	s13 =	sadd.s32 $0x128400, s2;
	(pc) =	sbr.rel .LBB2_1-.Ltmp0, $4  }
0xd: {  	s11 =	smax.u32 s15, $0x1;
	s15 =	simm.s32 $0x3;
	s12 =	sadd.s32 s10, s7  }
0xe: {  	s7 =	sadd.s32 $0x31480, s7;
	s9 =	sadd.s32 s9, s10;
	s10 =	sadd.s32 $0x5B000, s14  }
0xf: {  	s8 =	sadd.s32 $0x2400, s12;
	s12 =	sshrl.u32 @p0 s13, $0x3;
	s13 =	sshll.u32 @!p0 s0, $0x6  }
0x10: {  	s14 =	sshrl.u32 @!p0 s16, $0x3;
	s16 =	simm.s32 $0x2800;
	s13 =	sor.u32 @!p0 $0x1C03, s13  }
.LBB2_7:
0x11: {  	[spmem:s2] =	stream.indirect.scatter.add.f32 [tilespmem:s25], [sflag:$0x2], $0x80, s18, s20, $0xb8;
	[tilespmem:$0x1E480] =	vst v63  }
0x12: {  	_ =	swait.ge [sflag:s19], $0x4000  }
0x13: {  	[sflag:s19] =	ssyncset.done $0x0  }
0x14: {  	[sflag:s19] =	ssyncadd.s32 $0xFFFFC000  }
0x15: {  	s22 =	sadd.s32 @p0 $0x25080, s10;
	s23 =	simm.s32 @p0 $0x1FC3;
	[bflag:$0x0] =	sbarrier.arrive $0xFFFF  }
0x16: {  	[hbm:s22], [sflag:s23] =	dma.local @p0 [spmem:s12], $0x2080  }
0x17: {  	s22 =	simm.s32 @p0 $0x3  }
0x18: {  	_ =	swait.ge @p0 [sflag:s22], $0x2080  }
0x19: {  	s21 =	sadd.s32 $0x1, s21;
	[sflag:s22] =	ssyncset.done @p0 $0x0  }
0x1a: {  	p1 =	sne.s32 s21, s11;
	[sflag:s22] =	ssyncadd.s32 @p0 $0xFFFFDF80;
	s22 =	sadd.s32 @!p0 s4, s10  }
0x1b: {  	[hbm:s22], [sflag:s13] =	dma.local @!p0 [spmem:s14], $0x2780  }
.Ltmp1:
0x1c: {  	_ = 	snop;
	(pc) =	sbr.rel @!p1 .LBB2_8-.Ltmp1, $4  }
0x1d: {  	s22 =	simm.s32 @!p0 $0x3  }
0x1e: {  	_ =	swait.ge @!p0 [sflag:s22], $0x2780  }
0x1f: {  	[sflag:s22] =	ssyncset.done @!p0 $0x0  }
0x20: {  	[sflag:s22] =	ssyncadd.s32 @!p0 $0xFFFFD880  }
.LBB2_1:
0x21: {  	s22 =	simm.s32 @p0 $0x1FC3  }
0x22: {  	[spmem:s12], [sflag:s22] =	dma.local @p0 [hbm:s7], $0x2080  }
0x23: {  	s22 =	simm.s32 @p0 $0x3  }
0x24: {  	_ =	swait.ge @p0 [sflag:s22], $0x2080  }
0x25: {  	[sflag:s22] =	ssyncset.done @p0 $0x0  }
0x26: {  	[sflag:s22] =	ssyncadd.s32 @p0 $0xFFFFDF80;
	s22 =	simm.s32 @!p0 $0x3  }
0x27: {  	[spmem:s14], [sflag:s13] =	dma.local @!p0 [hbm:s6], $0x2780  }
0x28: {  	_ =	swait.ge @!p0 [sflag:s22], $0x2780  }
0x29: {  	[sflag:s22] =	ssyncset.done @!p0 $0x0  }
0x2a: {  	[sflag:s22] =	ssyncadd.s32 @!p0 $0xFFFFD880  }
0x2b: {  	[bflag:$0x0] =	sbarrier.arrive $0xFFFF  }
0x2c: {  	[tilespmem:s3], [sflag:$0x3] =	stream.linear.gather [hbm4b:s8+s3], $0x1400, $0x38;
	[tilespmem:$0x1E480] =	vst v63  }
0x2d: {  	_ =	swait.ge [sflag:s15], $0x1400  }
0x2e: {  	[sflag:s15] =	ssyncset.done $0x0  }
0x2f: {  	s22 =	simm.s32 $0x1400;
	[sflag:s15] =	ssyncadd.s32 $0xFFFFEC00  }
0x30: {  	[tilespmem:s22], [sflag:$0x3] =	stream.linear.gather [hbm4b:s9+s3], $0x1400, $0x38;
	[tilespmem:$0x1E480] =	vst v63  }
0x31: {  	_ =	swait.ge [sflag:s15], $0x1400  }
0x32: {  	[sflag:s15] =	ssyncset.done $0x0  }
0x33: {  	s23 =	simm.s32 $0x0;
	s24 =	simm.s32 $0x80;
	[sflag:s15] =	ssyncadd.s32 $0xFFFFEC00  }
0x34: {  	[tilespmem:s16], [sflag:$0x1] =	stream.indirect.gather [hbm4b:s5+s20], $0x80, s3, s20, $0xb8;
	[tilespmem:$0x1E480] =	vst v63  }
.LBB2_2:
0x35: {  	p1 =	seq.s32 s23, $0x0  }
0x36: {  	p2 =	seq.s32 @!p1 s23, $0x27  }
0x37: {  	_ =	swait.ge [sflag:s17], $0x4000;
	p2 =	por p1, !p2  }
.Ltmp2:
0x38: {  	[sflag:s17] =	ssyncset.done $0x0;
	(pc) =	sbr.rel @!p2 .LBB2_4-.Ltmp2, $4  }
0x39: {  	s28 =	simm.s32 @!p1 $0x2;
	[sflag:s17] =	ssyncadd.s32 $0xFFFFC000  }
0x3a: {  	s25 =	sand.u32 $0x1, s23;
	_ =	swait.ge @!p1 [sflag:s28], $0x4000  }
0x3b: {  	s26 =	sshll.u32 s25, $0xE;
	[sflag:s28] =	ssyncset.done @!p1 $0x0  }
0x3c: {  	s25 =	sor.u32 $0x2800, s26;
	[sflag:s28] =	ssyncadd.s32 @!p1 $0xFFFFC000  }
.Ltmp3:
0x3d: {  	s26 =	sxor.u32 $0x6800, s26;
	(pc) =	sbr.rel .LBB2_2-.Ltmp3, $4  }
0x3e: {  	[tilespmem:s26], [sflag:$0x1] =	stream.indirect.gather [hbm4b:s5+s20], $0x80, s24, s20, $0xb8;
	[tilespmem:$0x1E480] =	vst v63  }
0x3f: {  	_ = 	snop  }
0x40: {  	[spmem:s2] =	stream.indirect.scatter.add.f32 [tilespmem:s25], [sflag:$0x2], $0x80, s22, s20, $0xb8;
	[tilespmem:$0x1E480] =	vst v63  }
0x41: {  	s23 =	sadd.s32 $0x1, s23;
	s24 =	sadd.s32 $0x80, s24;
	s22 =	sadd.s32 $0x80, s22  }
.LBB2_4:
0x42: {  	s22 =	simm.s32 $0x80  }
0x43: {  	[spmem:s2] =	stream.indirect.scatter.add.f32 [tilespmem:s25], [sflag:$0x2], $0x80, s18, s22, $0xb8;
	[tilespmem:$0x1E480] =	vst v63  }
0x44: {  	_ =	swait.ge [sflag:s19], $0x4000  }
0x45: {  	[sflag:s19] =	ssyncset.done $0x0  }
0x46: {  	s24 =	sadd.s32 $0x280, s8;
	s23 =	simm.s32 $0x0;
	[sflag:s19] =	ssyncadd.s32 $0xFFFFC000  }
0x47: {  	[tilespmem:s23], [sflag:$0x3] =	stream.linear.gather [hbm4b:s24+s23], $0x1400, $0x38;
	[tilespmem:$0x1E480] =	vst v63  }
0x48: {  	_ =	swait.ge [sflag:s15], $0x1400  }
0x49: {  	[sflag:s15] =	ssyncset.done $0x0  }
0x4a: {  	s31 =	sadd.s32 $0x280, s9;
	s24 =	simm.s32 $0x1400;
	[sflag:s15] =	ssyncadd.s32 $0xFFFFEC00  }
0x4b: {  	[tilespmem:s24], [sflag:$0x3] =	stream.linear.gather [hbm4b:s31+s23], $0x1400, $0x38;
	[tilespmem:$0x1E480] =	vst v63  }
0x4c: {  	_ =	swait.ge [sflag:s15], $0x1400  }
0x4d: {  	[sflag:s15] =	ssyncset.done $0x0  }
0x4e: {  	[sflag:s15] =	ssyncadd.s32 $0xFFFFEC00  }
0x4f: {  	[tilespmem:s16], [sflag:$0x1] =	stream.indirect.gather [hbm4b:s5+s22], $0x80, s23, s22, $0xb8;
	[tilespmem:$0x1E480] =	vst v63  }
.LBB2_5:
0x50: {  	p1 =	seq.s32 s23, $0x0  }
0x51: {  	p2 =	seq.s32 @!p1 s23, $0x27  }
0x52: {  	_ =	swait.ge [sflag:s17], $0x4000;
	p2 =	por p1, !p2  }
.Ltmp4:
0x53: {  	[sflag:s17] =	ssyncset.done $0x0;
	(pc) =	sbr.rel @!p2 .LBB2_7-.Ltmp4, $4  }
0x54: {  	s28 =	simm.s32 @!p1 $0x2;
	[sflag:s17] =	ssyncadd.s32 $0xFFFFC000  }
0x55: {  	s25 =	sand.u32 $0x1, s23;
	_ =	swait.ge @!p1 [sflag:s28], $0x4000  }
0x56: {  	s26 =	sshll.u32 s25, $0xE;
	[sflag:s28] =	ssyncset.done @!p1 $0x0  }
0x57: {  	s25 =	sor.u32 $0x2800, s26;
	[sflag:s28] =	ssyncadd.s32 @!p1 $0xFFFFC000  }
.Ltmp5:
0x58: {  	s26 =	sxor.u32 $0x6800, s26;
	(pc) =	sbr.rel .LBB2_5-.Ltmp5, $4  }
0x59: {  	[tilespmem:s26], [sflag:$0x1] =	stream.indirect.gather [hbm4b:s5+s20], $0x80, s22, s20, $0xb8;
	[tilespmem:$0x1E480] =	vst v63  }
0x5a: {  	_ = 	snop  }
0x5b: {  	[spmem:s2] =	stream.indirect.scatter.add.f32 [tilespmem:s25], [sflag:$0x2], $0x80, s24, s20, $0xb8;
	[tilespmem:$0x1E480] =	vst v63  }
0x5c: {  	s23 =	sadd.s32 $0x1, s23;
	s22 =	sadd.s32 $0x80, s22;
	s24 =	sadd.s32 $0x80, s24  }
.LBB2_8:
0x5d: {  	_ =	sfence.sel $0x180000  }
0x5e: {  	[bflag:$0x0] =	sbarrier.arrive $0xFFFF  }
0x5f: {  	p0 =	sne.s32 s0, $0x0;
	_ =	strace $0x9000004D  }
0x60: {  	s0 =	sadd.s32 @!p0 $0x100000, s1;
	[bflag:$0x2] =	sbarrier.arrive $0xFFFF  }
0x61: {  	[sflag:s0] =	ssyncadd.tile.s32 @!p0 $0x1;
	_ =	shalt  }
.Lfunc_end2:
_tile_overlayer_lowered:
.L_overlay_start_2:
0x62: {  	(tag) =	ssettag $0x2  }
0x63: {  	s0 =	rddreg [dreg:$0x0];
	s2 =	stileid.u32  }
0x64: {  	s1 =	rddreg [dreg:$0x1];
	p0 =	sne.s32 s2, $0x0  }
0x65: {  	s3 =	rddreg [dreg:$0x2];
	[bflag:$0x3] =	sbarrier.arrive $0xFFFF;
	s2 =	simm.s32 @!p0 $0x1C03  }
0x66: {  	[timem:s3], [sflag:s2] =	dma.local @!p0 [hbm:s0], s1  }
0x67: {  	s0 =	simm.s32 @!p0 $0x3  }
0x68: {  	_ =	swait.ge @!p0 [sflag:s0], s1  }
0x69: {  	s1 =	ssub.s32 @!p0 $0x0, s1;
	[sflag:s0] =	ssyncset.done @!p0 $0x0  }
0x6a: {  	[sflag:s0] =	ssyncadd.s32 @!p0 s1  }
0x6b: {  	[bflag:$0x3] =	sbarrier.arrive $0xFFFF  }
0x6c: {  	_ =	shalt  }

// kernel: kernel.19.cloned.1.call-start
scs
__scs_entry_jumppad:
0x0: {  	(pc) =	sbr.rel $0x88, $3  }
0x1: {  	(tag) =	ssettag $0x0;
	lr =	simm.s32 $0x1  }
0x2: {  	[smem:$0x3F9B] =	sst lr;
	_ =	strace $0xD0000000  }
0x3: {  	_ = 	snop  }
0x4: {  	_ = 	snop  }
0x5: {  	_ = 	snop  }
0x6: {  	_ = 	snop  }
0x7: {  	_ = 	snop  }
__scs_overlays_trampoline_lowered:
0x8: {  	[smem:$0x3FAA] =	sst s0  }
0x9: {  	[smem:$0x3FAB] =	sst s1  }
0xa: {  	[smem:$0x3FAC] =	sst s2  }
0xb: {  	[smem:$0x3FAD] =	sst s3  }
0xc: {  	[smem:$0x3FAE] =	sst s4  }
0xd: {  	[smem:$0x3FAF] =	sst s5  }
0xe: {  	[smem:$0x3FB0] =	sst s6  }
0xf: {  	[smem:$0x3FB1] =	sst s7  }
0x10: {  	[smem:$0x3FB2] =	sst s8  }
0x11: {  	[smem:$0x3FB3] =	sst s9;
	s0 =	simm.s32 @!p0 $0x0  }
0x12: {  	s1 =	sld [smem:$0x3F99];
	s0 =	simm.s32 @p0 $0x1  }
0x13: {  	[smem:$0x3FB4] =	sst s0;
	s0 =	simm.s32 @!p1 $0x0  }
0x14: {  	s2 =	sld [smem:$0x3F98];
	s0 =	simm.s32 @p1 $0x1  }
0x15: {  	[smem:$0x3FB5] =	sst s0;
	s0 =	simm.s32 @!p2 $0x0  }
0x16: {  	s3 =	sld [smem:$0x3FDB];
	s0 =	simm.s32 @p2 $0x1  }
0x17: {  	s4 =	simm.s32 $0x1BF5;
	[smem:$0x3FB7] =	sst s0  }
0x18: {  	s0 =	sld [smem:$0x3F9A];
	_ =	swait.ge [sflag:s4], $0x0  }
0x19: {  	s7 =	sld [smem:$0x3F9B]  }
0x1a: {  	s8 =	sadd.s32 $0xFFFFE003, lr  }
0x1b: {  	s9 =	sadd.s32 $0xFFFFFEF7, lr;
	s5 =	simm.s32 $0xFFFFFFFF;
	p2 =	slt.u32 s8, $0xFFFFF086  }
0x1c: {  	p1 =	slt.u32 s9, $0xF7A;
	s5 =	simm.s32 @!p2 $0x0  }
0x1d: {  	s5 =	simm.s32 @p1 $0x1;
	p0 =	seq.s32 s7, s2  }
0x1e: {  	s7 =	smul.u32 @!p0 $0xF7A, s2;
	p2 =	seq.s32 @!p0 s5, $0x0  }
0x1f: {  	s9 =	smul.u32 $0xF7A, s1;
	s8 =	simm.s32 @!p0 $0x1BF5;
	p2 =	por !p2, p0  }
0x20: {  	[sflag:s8] =	ssyncset.s32 @!p0 $0xFFFFF086;
	s6 =	sadd.s32 @!p0 s3, s7;
	s7 =	simm.s32 @!p0 $0x108  }
0x21: {  	s3 =	sadd.s32 s3, s9;
	s6 =	sadd.s32 @!p0 $0x88, s6;
	s7 =	simm.s32 @p2 $0x1082  }
0x22: {  	[simem:s7], [sflag:s8] =	dma.local @!p0 [hbm:s6], $0xF7A  }
0x23: {  	s9 =	sor.u32 $0xD0000000, s2;
	s6 =	simm.s32 $0x108;
	_ =	swait.ge @!p0 [sflag:s8], $0x0  }
0x24: {  	s3 =	sadd.s32 $0x88, s3;
	s6 =	simm.s32 @!p1 $0x1082;
	[sflag:s4] =	ssyncset.s32 $0xFFFFF086  }
0x25: {  	[simem:s6], [sflag:s4] =	dma.local [hbm:s3], $0xF7A  }
0x26: {  	[smem:$0x3F9B] =	sst s1;
	(tag) =	ssettag s2;
	_ =	strace s9  }
0x27: {  	s1 =	sld [smem:$0x3FAB]  }
0x28: {  	s2 =	sld [smem:$0x3FAC]  }
0x29: {  	s4 =	sld [smem:$0x3FAE]  }
0x2a: {  	p0 =	seq.s32 s5, $0x0;
	s5 =	sld [smem:$0x3FAF]  }
0x2b: {  	s6 =	sld [smem:$0x3FB0]  }
0x2c: {  	s7 =	sld [smem:$0x3FB1]  }
0x2d: {  	s3 =	simm.s32 $0x108;
	s8 =	sld [smem:$0x3FB2]  }
0x2e: {  	s3 =	simm.s32 @!p0 $0x1082;
	s9 =	sld [smem:$0x3FB3]  }
0x2f: {  	lr =	sadd.s32 s0, s3;
	s0 =	sld [smem:$0x3FAA]  }
0x30: {  	s3 =	sld [smem:$0x3FAD]  }
0x31: {  	[smem:$0x3FB6] =	sst s10  }
0x32: {  	s10 =	sld [smem:$0x3FB4];
	_ =	sdelay $0x3  }
0x33: {  	p0 =	seq.s32 s10, $0x1;
	s10 =	sld [smem:$0x3FB6];
	_ =	sdelay $0x3  }
0x34: {  	[smem:$0x3FB6] =	sst s10  }
0x35: {  	s10 =	sld [smem:$0x3FB5];
	_ =	sdelay $0x3  }
0x36: {  	p1 =	seq.s32 s10, $0x1;
	s10 =	sld [smem:$0x3FB6];
	_ =	sdelay $0x3  }
0x37: {  	[smem:$0x3FB6] =	sst s10  }
0x38: {  	s10 =	sld [smem:$0x3FB7]  }
0x39: {  	_ = 	snop;
	(pc) =	sbr.ind lr, $3  }
0x3a: {  	_ = 	snop  }
0x3b: {  	_ = 	snop  }
0x3c: {  	p2 =	seq.s32 s10, $0x1;
	s10 =	sld [smem:$0x3FB6]  }
0x3d: {  	_ =	shalt  }
0x3e: {  	_ =	shalt  }
0x3f: {  	_ =	shalt  }
0x40: {  	_ =	shalt  }
0x41: {  	_ =	shalt  }
0x42: {  	_ =	shalt  }
0x43: {  	_ =	shalt  }
0x44: {  	_ =	shalt  }
0x45: {  	_ =	shalt  }
0x46: {  	_ =	shalt  }
0x47: {  	_ =	shalt  }
0x48: {  	_ =	shalt  }
0x49: {  	_ =	shalt  }
0x4a: {  	_ =	shalt  }
0x4b: {  	_ =	shalt  }
0x4c: {  	_ =	shalt  }
0x4d: {  	_ =	shalt  }
0x4e: {  	_ =	shalt  }
0x4f: {  	_ =	shalt  }
0x50: {  	_ =	shalt  }
0x51: {  	_ =	shalt  }
0x52: {  	_ =	shalt  }
0x53: {  	_ =	shalt  }
0x54: {  	_ =	shalt  }
0x55: {  	_ =	shalt  }
0x56: {  	_ =	shalt  }
0x57: {  	_ =	shalt  }
0x58: {  	_ =	shalt  }
0x59: {  	_ =	shalt  }
0x5a: {  	_ =	shalt  }
0x5b: {  	_ =	shalt  }
0x5c: {  	_ =	shalt  }
0x5d: {  	_ =	shalt  }
0x5e: {  	_ =	shalt  }
0x5f: {  	_ =	shalt  }
0x60: {  	_ =	shalt  }
0x61: {  	_ =	shalt  }
0x62: {  	_ =	shalt  }
0x63: {  	_ =	shalt  }
0x64: {  	_ =	shalt  }
0x65: {  	_ =	shalt  }
0x66: {  	_ =	shalt  }
0x67: {  	_ =	shalt  }
0x68: {  	_ =	shalt  }
0x69: {  	_ =	shalt  }
0x6a: {  	_ =	shalt  }
0x6b: {  	_ =	shalt  }
0x6c: {  	_ =	shalt  }
0x6d: {  	_ =	shalt  }
0x6e: {  	_ =	shalt  }
0x6f: {  	_ =	shalt  }
0x70: {  	_ =	shalt  }
0x71: {  	_ =	shalt  }
0x72: {  	_ =	shalt  }
0x73: {  	_ =	shalt  }
0x74: {  	_ =	shalt  }
0x75: {  	_ =	shalt  }
0x76: {  	_ =	shalt  }
0x77: {  	_ =	shalt  }
0x78: {  	_ =	shalt  }
0x79: {  	_ =	shalt  }
0x7a: {  	_ =	shalt  }
0x7b: {  	_ =	shalt  }
0x7c: {  	_ =	shalt  }
0x7d: {  	_ =	shalt  }
0x7e: {  	_ =	shalt  }
0x7f: {  	_ =	shalt  }
0x80: {  	_ =	shalt  }
0x81: {  	_ =	shalt  }
0x82: {  	_ =	shalt  }
0x83: {  	_ =	shalt  }
0x84: {  	_ =	shalt  }
0x85: {  	_ =	shalt  }
0x86: {  	_ =	shalt  }
0x87: {  	_ =	shalt  }
.Lfunc_end0:
.L_simem_size_0:
called_computation.3_lowered:
.L_overlay_start_0:
0x88: {  	s2 =	sld [smem:$0x3FD9]  }
0x89: {  	s3 =	sld [smem:$0x3FFE];
	_ =	sdelay $0x1  }
0x8a: {  	s1 =	srdreg.scid  }
0x8b: {  	s0 =	sand.u32 $0x1, s1  }
0x8c: {  	s17 =	sshll.u32 s0, $0xA;
	s2 =	sadd.s32 s3, s2  }
0x8d: {  	s2 =	sadd.s32 s2, s17  }
0x8e: {  	[smem:$0x3FC2] =	sst s2  }
0x8f: {  	_ = 	snop  }
0x90: {  	s2 =	sld [smem:$0x3FD0];
	(tm) =	ssettm $0x1  }
0x91: {  	s18 =	sld [smem:$0x3FFB];
	_ =	sdelay $0x3  }
0x92: {  	_ =	strace s18  }
0x93: {  	s3 =	sld [smem:$0x3FFC];
	_ =	sdelay $0x3  }
0x94: {  	_ =	strace s3  }
0x95: {  	s3 =	sld [smem:$0x3FFD];
	_ =	sdelay $0x3  }
0x96: {  	_ =	strace s3  }
0x97: {  	_ =	strace $0x8FFFFFFF  }
0x98: {  	s19 =	sld [smem:$0x3FDB];
	_ =	sdelay $0x1  }
0x99: {  	s4 =	simm.s32 $_scs_section_size  }
0x9a: {  	s5 =	simm.s32 $_size__tile_overlayer_lowered;
	s6 =	simm.s32 $_tile_overlayer_lowered  }
0x9b: {  	s22 =	simm.s32 $0x1BFF;
	s21 =	sshll.u32 s6, $0x1;
	s3 =	sadd.s32 s4, s19  }
0x9c: {  	s7 =	simm.s32 $0x0;
	s20 =	sshll.u32 s5, $0x1;
	s5 =	sadd.s32 s21, s3  }
0x9d: {  	[timem:s7], [sflag:s22] =	dma.local [hbm:s5], s20  }
0x9e: {  	_ =	swait.ge [sflag:s22], s20  }
0x9f: {  	s4 =	ssub.s32 $0x0, s20;
	[sflag:s22] =	ssyncset.done $0x0  }
0xa0: {  	[sflag:s22] =	ssyncadd.s32 s4;
	_ =	sdelay $0x1  }
0xa1: {  	s23 =	simm.s32 $0x1B8B  }
0xa2: {  	_ =	swait.ge [sflag:s23], $0x1  }
0xa3: {  	[sflag:s23] =	ssyncset.done $0x0  }
0xa4: {  	s25 =	simm.s32 $0x1B8E;
	s24 =	sld [smem:$0x3FFE];
	[sflag:s23] =	ssyncadd.s32 $0xFFFFFFFF  }
0xa5: {  	s26 =	simm.s32 $execute0_lowered;
	[smem:$0x3FD2] =	sst s25  }
0xa6: {  	s5 =	sshll.u32 s26, $0x1;
	_ =	strace $0x8000004F;
	[dreg:$0x1] =	wrdreg $0xFFFFFFFF  }
0xa7: {  	s28 =	simm.s32 $_size_execute0_lowered;
	s3 =	sadd.s32 s3, s5;
	[dreg:$0x0] =	wrdreg $0x0  }
0xa8: {  	s5 =	sshll.u32 s28, $0x1;
	[dreg:$0x2] =	wrdreg s3  }
0xa9: {  	[dreg:$0x3] =	wrdreg s5  }
0xaa: {  	[dreg:$0x4] =	wrdreg $0xC0  }
0xab: {  	_ =	task [dreg:s7], $0x5FFFF  }
0xac: {  	[dreg:$0x1] =	wrdreg $0xFFFFFFFF  }
0xad: {  	[dreg:$0x0] =	wrdreg $0x60  }
0xae: {  	[dreg:$0x2] =	wrdreg s24  }
0xaf: {  	[dreg:$0x3] =	wrdreg s2  }
0xb0: {  	[dreg:$0x4] =	wrdreg $0xA8000  }
0xb1: {  	[dreg:$0x5] =	wrdreg $0x9  }
0xb2: {  	_ =	task.clear_ibuf [dreg:s7], $0x6FFFF;
	_ =	strace $0x9000004F  }
0xb3: {  	s29 =	simm.s32 $0x9;
	_ =	strace $0x80000051  }
0xb4: {  	_ =	swait.ge [sflag:s29], $0x1  }
0xb5: {  	[sflag:s29] =	ssyncadd.s32 $0xFFFFFFFF  }
0xb6: {  	_ =	strace $0x90000051  }
0xb7: {  	_ =	sfence  }
0xb8: {  	s30 =	sld [smem:$0x0];
	_ =	sdelay $0x2  }
0xb9: {  	s31 =	sshll.u32 s1, $0xD;
	s1 =	sshrl.u32 s1, $0x2  }
0xba: {  	s3 =	sand.u32 $0x4000, s31;
	s1 =	sadd.s32 s1, s30  }
0xbb: {  	s0 =	sor.u32 s3, s0;
	s1 =	sshll.u32 s1, $0x11  }
0xbc: {  	s0 =	sor.u32 s1, s0  }
0xbd: {  	s0 =	sadd.s32 $0x8F2B, s0  }
0xbe: {  	[sflag:s0] =	ssyncadd.remote.s32 $0x1  }
0xbf: {  	_ =	sfence.sel $0xFFFF  }
0xc0: {  	[dreg:$0x0] =	wrdreg $0xFFFFFFFF;
	(pc) =	sbr.abs _section_cstart, $3  }
0xc1: {  	[dreg:$0x1] =	wrdreg $0xFFFFFFFF  }
0xc2: {  	_ =	task.clear_ibuf [dreg:s7], $0x2FFFF;
	_ =	strace $0x9FFFFFFF  }
0xc3: {  	(tm) =	ssettm $0x7FFFFFFF  }
tec
execute0_lowered:
.L_overlay_start_1:
0x0: {  	(tag) =	ssettag $0x1  }
0x1: {  	s7 =	rddreg [dreg:$0x0]  }
0x2: {  	s0 =	srdreg.scid;
	s9 =	rddreg [dreg:$0x1]  }
0x3: {  	s2 =	rddreg [dreg:$0x2];
	s3 =	simm.s32 $0x0;
	s17 =	simm.s32 $0x1  }
0x4: {  	s18 =	simm.s32 $0x2780;
	s6 =	sand.u32 $0x1, s0;
	s0 =	stileid.u32  }
0x5: {  	s19 =	simm.s32 $0x2;
	s20 =	simm.s32 $0x80;
	s4 =	smul.u32 $0x2780, s0  }
0x6: {  	s21 =	simm.s32 $0x0;
	[smem:$0x7FF] =	sst s3;
	s8 =	smul.u32 $0x27100, s6  }
0x7: {  	s5 =	sadd.s32 $0x33600, s7;
	s1 =	sshll.u32 s6, $0x4;
	s11 =	smul.u32 $0x4F000, s0  }
0x8: {  	s6 =	ssub.s32 $0x2, s6;
	p0 =	seq.s32 s0, $0xF;
	s1 =	sor.u32 s0, s1  }
0x9: {  	s31 =	sshrl.u32 s6, $0x1;
	s10 =	smul.u32 $0x500, s1;
	s1 =	rddreg [dreg:$0x3]  }
0xa: {  	_ =	strace $0x80000050;
	s13 =	sadd.s32 s4, s7;
	s11 =	sshrl.u32 s11, $0x2  }
0xb: {  	s14 =	sadd.s32 s8, s7;
	s15 =	ssub.s32 s6, s31;
	s16 =	sadd.s32 s11, s2  }
.Ltmp0:
0xc: {  	s6 =	sadd.s32 $0xC400, s13;
	s13 =	sadd.s32 $0x128400, s2;
	(pc) =	sbr.rel .LBB2_1-.Ltmp0, $4  }
0xd: {  	s11 =	smax.u32 s15, $0x1;
	s15 =	simm.s32 $0x3;
	s12 =	sadd.s32 s10, s7  }
0xe: {  	s7 =	sadd.s32 $0x31480, s7;
	s9 =	sadd.s32 s9, s10;
	s10 =	sadd.s32 $0x5B000, s14  }
0xf: {  	s8 =	sadd.s32 $0x2400, s12;
	s12 =	sshrl.u32 @p0 s13, $0x3;
	s13 =	sshll.u32 @!p0 s0, $0x6  }
0x10: {  	s14 =	sshrl.u32 @!p0 s16, $0x3;
	s16 =	simm.s32 $0x2800;
	s13 =	sor.u32 @!p0 $0x1C03, s13  }
.LBB2_7:
0x11: {  	[spmem:s2] =	stream.indirect.scatter.add.f32 [tilespmem:s25], [sflag:$0x2], $0x80, s18, s20, $0xb8;
	[tilespmem:$0x1E480] =	vst v63  }
0x12: {  	_ =	swait.ge [sflag:s19], $0x4000  }
0x13: {  	[sflag:s19] =	ssyncset.done $0x0  }
0x14: {  	[sflag:s19] =	ssyncadd.s32 $0xFFFFC000  }
0x15: {  	s22 =	sadd.s32 @p0 $0x25080, s10;
	s23 =	simm.s32 @p0 $0x1FC3;
	[bflag:$0x0] =	sbarrier.arrive $0xFFFF  }
0x16: {  	[hbm:s22], [sflag:s23] =	dma.local @p0 [spmem:s12], $0x2080  }
0x17: {  	s22 =	simm.s32 @p0 $0x3  }
0x18: {  	_ =	swait.ge @p0 [sflag:s22], $0x2080  }
0x19: {  	s21 =	sadd.s32 $0x1, s21;
	[sflag:s22] =	ssyncset.done @p0 $0x0  }
0x1a: {  	p1 =	sne.s32 s21, s11;
	[sflag:s22] =	ssyncadd.s32 @p0 $0xFFFFDF80;
	s22 =	sadd.s32 @!p0 s4, s10  }
0x1b: {  	[hbm:s22], [sflag:s13] =	dma.local @!p0 [spmem:s14], $0x2780  }
.Ltmp1:
0x1c: {  	_ = 	snop;
	(pc) =	sbr.rel @!p1 .LBB2_8-.Ltmp1, $4  }
0x1d: {  	s22 =	simm.s32 @!p0 $0x3  }
0x1e: {  	_ =	swait.ge @!p0 [sflag:s22], $0x2780  }
0x1f: {  	[sflag:s22] =	ssyncset.done @!p0 $0x0  }
0x20: {  	[sflag:s22] =	ssyncadd.s32 @!p0 $0xFFFFD880  }
.LBB2_1:
0x21: {  	s22 =	simm.s32 @p0 $0x1FC3  }
0x22: {  	[spmem:s12], [sflag:s22] =	dma.local @p0 [hbm:s7], $0x2080  }
0x23: {  	s22 =	simm.s32 @p0 $0x3  }
0x24: {  	_ =	swait.ge @p0 [sflag:s22], $0x2080  }
0x25: {  	[sflag:s22] =	ssyncset.done @p0 $0x0  }
0x26: {  	[sflag:s22] =	ssyncadd.s32 @p0 $0xFFFFDF80;
	s22 =	simm.s32 @!p0 $0x3  }
0x27: {  	[spmem:s14], [sflag:s13] =	dma.local @!p0 [hbm:s6], $0x2780  }
0x28: {  	_ =	swait.ge @!p0 [sflag:s22], $0x2780  }
0x29: {  	[sflag:s22] =	ssyncset.done @!p0 $0x0  }
0x2a: {  	[sflag:s22] =	ssyncadd.s32 @!p0 $0xFFFFD880  }
0x2b: {  	[bflag:$0x0] =	sbarrier.arrive $0xFFFF  }
0x2c: {  	[tilespmem:s3], [sflag:$0x3] =	stream.linear.gather [hbm4b:s8+s3], $0x1400, $0x38;
	[tilespmem:$0x1E480] =	vst v63  }
0x2d: {  	_ =	swait.ge [sflag:s15], $0x1400  }
0x2e: {  	[sflag:s15] =	ssyncset.done $0x0  }
0x2f: {  	s22 =	simm.s32 $0x1400;
	[sflag:s15] =	ssyncadd.s32 $0xFFFFEC00  }
0x30: {  	[tilespmem:s22], [sflag:$0x3] =	stream.linear.gather [hbm4b:s9+s3], $0x1400, $0x38;
	[tilespmem:$0x1E480] =	vst v63  }
0x31: {  	_ =	swait.ge [sflag:s15], $0x1400  }
0x32: {  	[sflag:s15] =	ssyncset.done $0x0  }
0x33: {  	s23 =	simm.s32 $0x0;
	s24 =	simm.s32 $0x80;
	[sflag:s15] =	ssyncadd.s32 $0xFFFFEC00  }
0x34: {  	[tilespmem:s16], [sflag:$0x1] =	stream.indirect.gather [hbm4b:s5+s20], $0x80, s3, s20, $0xb8;
	[tilespmem:$0x1E480] =	vst v63  }
.LBB2_2:
0x35: {  	p1 =	seq.s32 s23, $0x0  }
0x36: {  	p2 =	seq.s32 @!p1 s23, $0x27  }
0x37: {  	_ =	swait.ge [sflag:s17], $0x4000;
	p2 =	por p1, !p2  }
.Ltmp2:
0x38: {  	[sflag:s17] =	ssyncset.done $0x0;
	(pc) =	sbr.rel @!p2 .LBB2_4-.Ltmp2, $4  }
0x39: {  	s28 =	simm.s32 @!p1 $0x2;
	[sflag:s17] =	ssyncadd.s32 $0xFFFFC000  }
0x3a: {  	s25 =	sand.u32 $0x1, s23;
	_ =	swait.ge @!p1 [sflag:s28], $0x4000  }
0x3b: {  	s26 =	sshll.u32 s25, $0xE;
	[sflag:s28] =	ssyncset.done @!p1 $0x0  }
0x3c: {  	s25 =	sor.u32 $0x2800, s26;
	[sflag:s28] =	ssyncadd.s32 @!p1 $0xFFFFC000  }
.Ltmp3:
0x3d: {  	s26 =	sxor.u32 $0x6800, s26;
	(pc) =	sbr.rel .LBB2_2-.Ltmp3, $4  }
0x3e: {  	[tilespmem:s26], [sflag:$0x1] =	stream.indirect.gather [hbm4b:s5+s20], $0x80, s24, s20, $0xb8;
	[tilespmem:$0x1E480] =	vst v63  }
0x3f: {  	_ = 	snop  }
0x40: {  	[spmem:s2] =	stream.indirect.scatter.add.f32 [tilespmem:s25], [sflag:$0x2], $0x80, s22, s20, $0xb8;
	[tilespmem:$0x1E480] =	vst v63  }
0x41: {  	s23 =	sadd.s32 $0x1, s23;
	s24 =	sadd.s32 $0x80, s24;
	s22 =	sadd.s32 $0x80, s22  }
.LBB2_4:
0x42: {  	s22 =	simm.s32 $0x80  }
0x43: {  	[spmem:s2] =	stream.indirect.scatter.add.f32 [tilespmem:s25], [sflag:$0x2], $0x80, s18, s22, $0xb8;
	[tilespmem:$0x1E480] =	vst v63  }
0x44: {  	_ =	swait.ge [sflag:s19], $0x4000  }
0x45: {  	[sflag:s19] =	ssyncset.done $0x0  }
0x46: {  	s24 =	sadd.s32 $0x280, s8;
	s23 =	simm.s32 $0x0;
	[sflag:s19] =	ssyncadd.s32 $0xFFFFC000  }
0x47: {  	[tilespmem:s23], [sflag:$0x3] =	stream.linear.gather [hbm4b:s24+s23], $0x1400, $0x38;
	[tilespmem:$0x1E480] =	vst v63  }
0x48: {  	_ =	swait.ge [sflag:s15], $0x1400  }
0x49: {  	[sflag:s15] =	ssyncset.done $0x0  }
0x4a: {  	s31 =	sadd.s32 $0x280, s9;
	s24 =	simm.s32 $0x1400;
	[sflag:s15] =	ssyncadd.s32 $0xFFFFEC00  }
0x4b: {  	[tilespmem:s24], [sflag:$0x3] =	stream.linear.gather [hbm4b:s31+s23], $0x1400, $0x38;
	[tilespmem:$0x1E480] =	vst v63  }
0x4c: {  	_ =	swait.ge [sflag:s15], $0x1400  }
0x4d: {  	[sflag:s15] =	ssyncset.done $0x0  }
0x4e: {  	[sflag:s15] =	ssyncadd.s32 $0xFFFFEC00  }
0x4f: {  	[tilespmem:s16], [sflag:$0x1] =	stream.indirect.gather [hbm4b:s5+s22], $0x80, s23, s22, $0xb8;
	[tilespmem:$0x1E480] =	vst v63  }
.LBB2_5:
0x50: {  	p1 =	seq.s32 s23, $0x0  }
0x51: {  	p2 =	seq.s32 @!p1 s23, $0x27  }
0x52: {  	_ =	swait.ge [sflag:s17], $0x4000;
	p2 =	por p1, !p2  }
.Ltmp4:
0x53: {  	[sflag:s17] =	ssyncset.done $0x0;
	(pc) =	sbr.rel @!p2 .LBB2_7-.Ltmp4, $4  }
0x54: {  	s28 =	simm.s32 @!p1 $0x2;
	[sflag:s17] =	ssyncadd.s32 $0xFFFFC000  }
0x55: {  	s25 =	sand.u32 $0x1, s23;
	_ =	swait.ge @!p1 [sflag:s28], $0x4000  }
0x56: {  	s26 =	sshll.u32 s25, $0xE;
	[sflag:s28] =	ssyncset.done @!p1 $0x0  }
0x57: {  	s25 =	sor.u32 $0x2800, s26;
	[sflag:s28] =	ssyncadd.s32 @!p1 $0xFFFFC000  }
.Ltmp5:
0x58: {  	s26 =	sxor.u32 $0x6800, s26;
	(pc) =	sbr.rel .LBB2_5-.Ltmp5, $4  }
0x59: {  	[tilespmem:s26], [sflag:$0x1] =	stream.indirect.gather [hbm4b:s5+s20], $0x80, s22, s20, $0xb8;
	[tilespmem:$0x1E480] =	vst v63  }
0x5a: {  	_ = 	snop  }
0x5b: {  	[spmem:s2] =	stream.indirect.scatter.add.f32 [tilespmem:s25], [sflag:$0x2], $0x80, s24, s20, $0xb8;
	[tilespmem:$0x1E480] =	vst v63  }
0x5c: {  	s23 =	sadd.s32 $0x1, s23;
	s22 =	sadd.s32 $0x80, s22;
	s24 =	sadd.s32 $0x80, s24  }
.LBB2_8:
0x5d: {  	_ =	sfence.sel $0x180000  }
0x5e: {  	[bflag:$0x0] =	sbarrier.arrive $0xFFFF  }
0x5f: {  	p0 =	sne.s32 s0, $0x0;
	_ =	strace $0x90000050  }
0x60: {  	s0 =	sadd.s32 @!p0 $0x100000, s1;
	[bflag:$0x2] =	sbarrier.arrive $0xFFFF  }
0x61: {  	[sflag:s0] =	ssyncadd.tile.s32 @!p0 $0x1;
	_ =	shalt  }
.Lfunc_end2:
_tile_overlayer_lowered:
.L_overlay_start_2:
0x62: {  	(tag) =	ssettag $0x2  }
0x63: {  	s0 =	rddreg [dreg:$0x0];
	s2 =	stileid.u32  }
0x64: {  	s1 =	rddreg [dreg:$0x1];
	p0 =	sne.s32 s2, $0x0  }
0x65: {  	s3 =	rddreg [dreg:$0x2];
	[bflag:$0x3] =	sbarrier.arrive $0xFFFF;
	s2 =	simm.s32 @!p0 $0x1C03  }
0x66: {  	[timem:s3], [sflag:s2] =	dma.local @!p0 [hbm:s0], s1  }
0x67: {  	s0 =	simm.s32 @!p0 $0x3  }
0x68: {  	_ =	swait.ge @!p0 [sflag:s0], s1  }
0x69: {  	s1 =	ssub.s32 @!p0 $0x0, s1;
	[sflag:s0] =	ssyncset.done @!p0 $0x0  }
0x6a: {  	[sflag:s0] =	ssyncadd.s32 @!p0 s1  }
0x6b: {  	[bflag:$0x3] =	sbarrier.arrive $0xFFFF  }
0x6c: {  	_ =	shalt  }

</sc_bundles>
